<compile_context>
chip_gen: v7x
topology: tpu7x:2x2x1
jax: 0.10.2.dev20260603
libtpu: 0.0.44.dev20260713+nightly
codegen_flags: <defaults>
</compile_context>

<pallas_src>
import jax
import jax.numpy as jnp
from jax import lax
from jax.experimental import pallas as pl
from jax.experimental.pallas import tpu as pltpu
from jax.experimental.pallas import tpu_sc as plsc

_NUM_NONCAT = 50
_NUM_CAT = 50
_CARD = 128
_OUT_LEN = _NUM_NONCAT + _NUM_CAT * _CARD
_B = 4096
_XW = _NUM_NONCAT + _NUM_CAT

_NC = 2
_NS = 16
_NW = _NC * _NS
_COLS = _B // _NW
_HEAD = 48
_CH = _CARD


def _tile_body(xT_hbm, outT_hbm, x_s, bufh, buf0, buf1,
               sem_x, sem_h, sem0, sem1):
    wid = lax.axis_index("s") * _NC + lax.axis_index("c")
    col0 = wid * _COLS

    pltpu.async_copy(xT_hbm.at[:, pl.ds(col0, _COLS)], x_s, sem_x).wait()

    zero16 = jnp.zeros((16,), jnp.float32)
    ones16 = jnp.ones((16,), jnp.float32)
    iota = lax.iota(jnp.int32, 16)

    def _head_body(r, carry):
        for k in range(8):
            bufh[r, pl.ds(k * 16, 16)] = x_s[r, pl.ds(k * 16, 16)]
        return carry
    lax.fori_loop(0, _HEAD, _head_body, None)
    pltpu.async_copy(
        bufh, outT_hbm.at[pl.ds(0, _HEAD), pl.ds(col0, _COLS)], sem_h)

    def _zero_body(r, carry):
        for k in range(8):
            buf0[r, pl.ds(k * 16, 16)] = zero16
            buf1[r, pl.ds(k * 16, 16)] = zero16
        return carry
    lax.fori_loop(0, _CH, _zero_body, None)

    def _pass_a(buf, c, val16):
        for k in range(8):
            v = x_s[_NUM_NONCAT + c, pl.ds(k * 16, 16)].astype(jnp.int32)
            relrow = jnp.minimum(v + 2, _CH - 1)
            plsc.store_scatter(buf, [relrow, iota + k * 16], val16,
                               mask=v < _CARD - 2)

    def _pass_b(buf, c, val16):
        for k in range(8):
            v = x_s[_NUM_NONCAT + c, pl.ds(k * 16, 16)].astype(jnp.int32)
            relrow = jnp.maximum(v - (_CARD - 2), 0)
            plsc.store_scatter(buf, [relrow, iota + k * 16], val16,
                               mask=v >= _CARD - 2)

    full_window = outT_hbm.at[pl.ds(0, _CH), pl.ds(col0, _COLS)]

    def _step(c, buf, sem):
        @pl.when(c >= 2)
        def _():
            pltpu.make_async_copy(buf, full_window, sem).wait()
            cp = c - 2

            @pl.when(cp == 0)
            def _():
                for k in range(8):
                    buf[0, pl.ds(k * 16, 16)] = zero16
                    buf[1, pl.ds(k * 16, 16)] = zero16

            @pl.when(cp > 0)
            def _():
                _pass_b(buf, cp - 1, zero16)

            _pass_a(buf, cp, zero16)

        @pl.when(c == 0)
        def _():
            for k in range(8):
                buf[0, pl.ds(k * 16, 16)] = x_s[_HEAD, pl.ds(k * 16, 16)]
                buf[1, pl.ds(k * 16, 16)] = x_s[_HEAD + 1, pl.ds(k * 16, 16)]

        @pl.when(c > 0)
        def _():
            _pass_b(buf, c - 1, ones16)

        _pass_a(buf, c, ones16)
        row0 = _HEAD + c * _CH
        pltpu.async_copy(
            buf, outT_hbm.at[pl.ds(row0, _CH), pl.ds(col0, _COLS)], sem)

    def _loop_body(k2, carry):
        _step(2 * k2, buf0, sem0)
        _step(2 * k2 + 1, buf1, sem1)
        return carry
    lax.fori_loop(0, _NUM_CAT // 2, _loop_body, None)

    pltpu.make_async_copy(buf0, full_window, sem0).wait()
    _pass_b(buf0, _NUM_CAT - 1 - 2, zero16)
    _pass_a(buf0, _NUM_CAT - 2, zero16)
    _pass_b(buf0, _NUM_CAT - 1, ones16)
    tail_window = outT_hbm.at[pl.ds(_HEAD + _NUM_CAT * _CH, 2),
                              pl.ds(col0, _COLS)]
    pltpu.async_copy(buf0.at[pl.ds(0, 2)], tail_window, sem0)

    pltpu.make_async_copy(buf0.at[pl.ds(0, 2)], tail_window, sem0).wait()
    pltpu.make_async_copy(buf1, full_window, sem1).wait()
    pltpu.make_async_copy(
        bufh, outT_hbm.at[pl.ds(0, _HEAD), pl.ds(col0, _COLS)], sem_h).wait()


_sc_call = pl.kernel(
    _tile_body,
    out_type=jax.ShapeDtypeStruct((_OUT_LEN, _B), jnp.float32),
    mesh=plsc.VectorSubcoreMesh(core_axis_name="c", subcore_axis_name="s"),
    scratch_types=[
        pltpu.VMEM((_XW, _COLS), jnp.float32),
        pltpu.VMEM((_HEAD, _COLS), jnp.float32),
        pltpu.VMEM((_CH, _COLS), jnp.float32),
        pltpu.VMEM((_CH, _COLS), jnp.float32),
        pltpu.SemaphoreType.DMA,
        pltpu.SemaphoreType.DMA,
        pltpu.SemaphoreType.DMA,
        pltpu.SemaphoreType.DMA,
    ],
    compiler_params=pltpu.CompilerParams(
        needs_layout_passes=False, use_tc_tiling_on_sc=True),
)


def kernel(x, noncat_idx, cat_idx, cat_offsets):
    return _sc_call(x.T).T

# --- scband reference (transcript-rebuilt; emitter-appended) ---
"""Pipeline reference for scband-one-hot-encoding-81363860455920 (READ-ONLY COPY).

The authoritative reference and input builder live on the scoring server;
editing this copy changes nothing except your own understanding.
"""

import jax, jax.numpy as jnp
import numpy as np

NUM_NONCAT = 50
NUM_CAT = 50
CARD = 128
OUT_LEN = NUM_NONCAT + NUM_CAT * CARD  # 6450
B = 4096


def setup_inputs(seed: int = 0) -> dict:
    key = jax.random.key(seed)
    k1, k2 = jax.random.split(key)
    # First 50 columns are non-categorical (continuous in [0,1)),
    # last 50 columns are categorical indices stored as floats (as in the torch module).
    x_noncat = jax.random.uniform(k1, (B, NUM_NONCAT), dtype=jnp.float32)
    x_cat = jax.random.randint(k2, (B, NUM_CAT), 0, CARD).astype(jnp.float32)
    x = jnp.concatenate([x_noncat, x_cat], axis=1)
    noncat_idx = jnp.arange(NUM_NONCAT, dtype=jnp.int32)
    cat_idx = jnp.arange(NUM_NONCAT, NUM_NONCAT + NUM_CAT, dtype=jnp.int32)
    cat_offsets = jnp.arange(NUM_CAT, dtype=jnp.int32) * CARD
    return {"x": x, "noncat_idx": noncat_idx, "cat_idx": cat_idx, "cat_offsets": cat_offsets}


def reference(x, noncat_idx, cat_idx, cat_offsets):
    b = x.shape[0]
    oh_enc = jnp.zeros((b, OUT_LEN), dtype=jnp.float32)
    # copy non-categorical parameters into the first num_noncat columns
    oh_enc = oh_enc.at[:, :NUM_NONCAT].set(x[:, noncat_idx])
    # scatter 1.0 at per-row categorical positions (offset per field)
    ones_idx = x[:, cat_idx].astype(jnp.int32) + cat_offsets[None, :] + NUM_NONCAT
    rows = jnp.arange(b, dtype=jnp.int32)[:, None]
    oh_enc = oh_enc.at[rows, ones_idx].set(1.0)
    return oh_enc

if __name__ == "__main__":
    import jax
    _d = setup_inputs()
    print(jax.jit(kernel)(*tuple(_d.values())))

</pallas_src>

<mosaic_0001>
#map = affine_map<(d0, d1) -> (0, 0)>
module attributes {stable_mosaic.version = 14 : i64} {
  func.func @_tile_body(%arg0: i32, %arg1: i32, %arg2: memref<100x4096xf32, #tpu.memory_space<hbm>>, %arg3: memref<6450x4096xf32, #tpu.memory_space<hbm>>, %arg4: memref<100x128xf32, #tpu.memory_space<vmem>>, %arg5: memref<48x128xf32, #tpu.memory_space<vmem>>, %arg6: memref<128x128xf32, #tpu.memory_space<vmem>>, %arg7: memref<128x128xf32, #tpu.memory_space<vmem>>, %arg8: memref<!tpu.dma_semaphore, #tpu.memory_space<semaphore_mem>>, %arg9: memref<!tpu.dma_semaphore, #tpu.memory_space<semaphore_mem>>, %arg10: memref<!tpu.dma_semaphore, #tpu.memory_space<semaphore_mem>>, %arg11: memref<!tpu.dma_semaphore, #tpu.memory_space<semaphore_mem>>) attributes {dimension_semantics = [#tpu.dimension_semantics<core_parallel>, #tpu.dimension_semantics<subcore_parallel>], iteration_bounds = array<i64: 2, 16>, scalar_prefetch = 0 : i64, scratch_operands = 8 : i64, tpu.core_type = #tpu.core_type<sc_vector_subcore>, window_params = [{transform_indices = #map}, {transform_indices = #map}]} {
    %mul3A = arith.constant 2 : i32
    %mul3A_0 = arith.muli %arg1, %mul3A : i32
    %add3A = arith.addi %mul3A_0, %arg0 : i32
    %mul3A_1 = arith.constant 128 : i32
    %mul3A_2 = arith.muli %add3A, %mul3A_1 : i32
    %dma_start3A = arith.constant 0 : i32
    %dma_start3A_3 = tpu.memref_slice %arg2[%dma_start3A, %mul3A_2] : memref<100x4096xf32, #tpu.memory_space<hbm>> -> memref<100x128xf32, #tpu.memory_space<hbm>>
    %dma_start3A_4 = arith.constant 0 : i32
    %dma_start3A_5 = tpu.memref_slice %arg2[%dma_start3A_4, %mul3A_2] : memref<100x4096xf32, #tpu.memory_space<hbm>> -> memref<100x128xf32, #tpu.memory_space<hbm>>
    tpu.enqueue_dma source(%dma_start3A_5 : memref<100x128xf32, #tpu.memory_space<hbm>>) target(%arg4 : memref<100x128xf32, #tpu.memory_space<vmem>>) target_semaphore(%arg8 : memref<!tpu.dma_semaphore, #tpu.memory_space<semaphore_mem>>)
    %dma_wait3A = arith.constant 0 : i32
    %dma_wait3A_6 = tpu.memref_slice %arg2[%dma_wait3A, %mul3A_2] : memref<100x4096xf32, #tpu.memory_space<hbm>> -> memref<100x128xf32, #tpu.memory_space<hbm>>
    %dma_wait3A_7 = arith.constant 0 : i32
    %dma_wait3A_8 = tpu.memref_slice %arg2[%dma_wait3A_7, %mul3A_2] : memref<100x4096xf32, #tpu.memory_space<hbm>> -> memref<100x128xf32, #tpu.memory_space<hbm>>
    tpu.wait_dma2 semaphore(%arg8 : memref<!tpu.dma_semaphore, #tpu.memory_space<semaphore_mem>>) src(%dma_wait3A_8 : memref<100x128xf32, #tpu.memory_space<hbm>>) dst(%arg4 : memref<100x128xf32, #tpu.memory_space<vmem>>)
    %broadcast_in_dim3A = arith.constant 0.000000e+00 : f32
    %broadcast_in_dim3A_9 = vector.broadcast %broadcast_in_dim3A : f32 to vector<16xf32>
    %broadcast_in_dim3A_10 = arith.constant 1.000000e+00 : f32
    %broadcast_in_dim3A_11 = vector.broadcast %broadcast_in_dim3A_10 : f32 to vector<16xf32>
    %iota3A = tpu.iota {dimensions = array<i32: 0>} : vector<16xi32>
    %scan3A = arith.constant 0 : i32
    %scan3A_12 = arith.constant 48 : i32
    %scan3A_13 = arith.addi %scan3A, %scan3A_12 : i32
    %scan3A_14 = arith.constant 1 : i32
    scf.for %scan3A_463 = %scan3A to %scan3A_13 step %scan3A_14  : i32 {
      %get3A_464 = arith.index_cast %scan3A_463 : i32 to index
      %get3A_465 = arith.constant 0 : index
      %get3A_466 = tpu.vector_load %arg4[%get3A_464, %get3A_465] {strides = array<i32>} : memref<100x128xf32, #tpu.memory_space<vmem>>, vector<16xf32>,
      %swap3A = arith.index_cast %scan3A_463 : i32 to index
      %swap3A_467 = arith.constant 0 : index
      %swap3A_468 = tpu.vector_load %arg5[%swap3A, %swap3A_467] {strides = array<i32>} : memref<48x128xf32, #tpu.memory_space<vmem>>, vector<16xf32>,
      tpu.vector_store %arg5[%swap3A, %swap3A_467], %get3A_466 {strides = array<i32>} : memref<48x128xf32, #tpu.memory_space<vmem>>, vector<16xf32>,
      %get3A_469 = arith.index_cast %scan3A_463 : i32 to index
      %get3A_470 = arith.constant 16 : index
      %get3A_471 = tpu.vector_load %arg4[%get3A_469, %get3A_470] {strides = array<i32>} : memref<100x128xf32, #tpu.memory_space<vmem>>, vector<16xf32>,
      %swap3A_472 = arith.index_cast %scan3A_463 : i32 to index
      %swap3A_473 = arith.constant 16 : index
      %swap3A_474 = tpu.vector_load %arg5[%swap3A_472, %swap3A_473] {strides = array<i32>} : memref<48x128xf32, #tpu.memory_space<vmem>>, vector<16xf32>,
      tpu.vector_store %arg5[%swap3A_472, %swap3A_473], %get3A_471 {strides = array<i32>} : memref<48x128xf32, #tpu.memory_space<vmem>>, vector<16xf32>,
      %get3A_475 = arith.index_cast %scan3A_463 : i32 to index
      %get3A_476 = arith.constant 32 : index
      %get3A_477 = tpu.vector_load %arg4[%get3A_475, %get3A_476] {strides = array<i32>} : memref<100x128xf32, #tpu.memory_space<vmem>>, vector<16xf32>,
      %swap3A_478 = arith.index_cast %scan3A_463 : i32 to index
      %swap3A_479 = arith.constant 32 : index
      %swap3A_480 = tpu.vector_load %arg5[%swap3A_478, %swap3A_479] {strides = array<i32>} : memref<48x128xf32, #tpu.memory_space<vmem>>, vector<16xf32>,
      tpu.vector_store %arg5[%swap3A_478, %swap3A_479], %get3A_477 {strides = array<i32>} : memref<48x128xf32, #tpu.memory_space<vmem>>, vector<16xf32>,
      %get3A_481 = arith.index_cast %scan3A_463 : i32 to index
      %get3A_482 = arith.constant 48 : index
      %get3A_483 = tpu.vector_load %arg4[%get3A_481, %get3A_482] {strides = array<i32>} : memref<100x128xf32, #tpu.memory_space<vmem>>, vector<16xf32>,
      %swap3A_484 = arith.index_cast %scan3A_463 : i32 to index
      %swap3A_485 = arith.constant 48 : index
      %swap3A_486 = tpu.vector_load %arg5[%swap3A_484, %swap3A_485] {strides = array<i32>} : memref<48x128xf32, #tpu.memory_space<vmem>>, vector<16xf32>,
      tpu.vector_store %arg5[%swap3A_484, %swap3A_485], %get3A_483 {strides = array<i32>} : memref<48x128xf32, #tpu.memory_space<vmem>>, vector<16xf32>,
      %get3A_487 = arith.index_cast %scan3A_463 : i32 to index
      %get3A_488 = arith.constant 64 : index
      %get3A_489 = tpu.vector_load %arg4[%get3A_487, %get3A_488] {strides = array<i32>} : memref<100x128xf32, #tpu.memory_space<vmem>>, vector<16xf32>,
      %swap3A_490 = arith.index_cast %scan3A_463 : i32 to index
      %swap3A_491 = arith.constant 64 : index
      %swap3A_492 = tpu.vector_load %arg5[%swap3A_490, %swap3A_491] {strides = array<i32>} : memref<48x128xf32, #tpu.memory_space<vmem>>, vector<16xf32>,
      tpu.vector_store %arg5[%swap3A_490, %swap3A_491], %get3A_489 {strides = array<i32>} : memref<48x128xf32, #tpu.memory_space<vmem>>, vector<16xf32>,
      %get3A_493 = arith.index_cast %scan3A_463 : i32 to index
      %get3A_494 = arith.constant 80 : index
      %get3A_495 = tpu.vector_load %arg4[%get3A_493, %get3A_494] {strides = array<i32>} : memref<100x128xf32, #tpu.memory_space<vmem>>, vector<16xf32>,
      %swap3A_496 = arith.index_cast %scan3A_463 : i32 to index
      %swap3A_497 = arith.constant 80 : index
      %swap3A_498 = tpu.vector_load %arg5[%swap3A_496, %swap3A_497] {strides = array<i32>} : memref<48x128xf32, #tpu.memory_space<vmem>>, vector<16xf32>,
      tpu.vector_store %arg5[%swap3A_496, %swap3A_497], %get3A_495 {strides = array<i32>} : memref<48x128xf32, #tpu.memory_space<vmem>>, vector<16xf32>,
      %get3A_499 = arith.index_cast %scan3A_463 : i32 to index
      %get3A_500 = arith.constant 96 : index
      %get3A_501 = tpu.vector_load %arg4[%get3A_499, %get3A_500] {strides = array<i32>} : memref<100x128xf32, #tpu.memory_space<vmem>>, vector<16xf32>,
      %swap3A_502 = arith.index_cast %scan3A_463 : i32 to index
      %swap3A_503 = arith.constant 96 : index
      %swap3A_504 = tpu.vector_load %arg5[%swap3A_502, %swap3A_503] {strides = array<i32>} : memref<48x128xf32, #tpu.memory_space<vmem>>, vector<16xf32>,
      tpu.vector_store %arg5[%swap3A_502, %swap3A_503], %get3A_501 {strides = array<i32>} : memref<48x128xf32, #tpu.memory_space<vmem>>, vector<16xf32>,
      %get3A_505 = arith.index_cast %scan3A_463 : i32 to index
      %get3A_506 = arith.constant 112 : index
      %get3A_507 = tpu.vector_load %arg4[%get3A_505, %get3A_506] {strides = array<i32>} : memref<100x128xf32, #tpu.memory_space<vmem>>, vector<16xf32>,
      %swap3A_508 = arith.index_cast %scan3A_463 : i32 to index
      %swap3A_509 = arith.constant 112 : index
      %swap3A_510 = tpu.vector_load %arg5[%swap3A_508, %swap3A_509] {strides = array<i32>} : memref<48x128xf32, #tpu.memory_space<vmem>>, vector<16xf32>,
      tpu.vector_store %arg5[%swap3A_508, %swap3A_509], %get3A_507 {strides = array<i32>} : memref<48x128xf32, #tpu.memory_space<vmem>>, vector<16xf32>,
    }
    %scan3A_15 = arith.constant 48 : i32
    %dma_start3A_16 = arith.constant 0 : i32
    %dma_start3A_17 = tpu.memref_slice %arg3[%dma_start3A_16, %mul3A_2] : memref<6450x4096xf32, #tpu.memory_space<hbm>> -> memref<48x128xf32, #tpu.memory_space<hbm>>
    %dma_start3A_18 = arith.constant 0 : i32
    %dma_start3A_19 = tpu.memref_slice %arg3[%dma_start3A_18, %mul3A_2] : memref<6450x4096xf32, #tpu.memory_space<hbm>> -> memref<48x128xf32, #tpu.memory_space<hbm>>
    tpu.enqueue_dma source(%arg5 : memref<48x128xf32, #tpu.memory_space<vmem>>) target(%dma_start3A_19 : memref<48x128xf32, #tpu.memory_space<hbm>>) target_semaphore(%arg9 : memref<!tpu.dma_semaphore, #tpu.memory_space<semaphore_mem>>)
    %scan3A_20 = arith.constant 0 : i32
    %scan3A_21 = arith.constant 128 : i32
    %scan3A_22 = arith.addi %scan3A_20, %scan3A_21 : i32
    %scan3A_23 = arith.constant 1 : i32
    scf.for %scan3A_463 = %scan3A_20 to %scan3A_22 step %scan3A_23  : i32 {
      %swap3A = arith.index_cast %scan3A_463 : i32 to index
      %swap3A_464 = arith.constant 0 : index
      %swap3A_465 = tpu.vector_load %arg6[%swap3A, %swap3A_464] {strides = array<i32>} : memref<128x128xf32, #tpu.memory_space<vmem>>, vector<16xf32>,
      tpu.vector_store %arg6[%swap3A, %swap3A_464], %broadcast_in_dim3A_9 {strides = array<i32>} : memref<128x128xf32, #tpu.memory_space<vmem>>, vector<16xf32>,
      %swap3A_466 = arith.index_cast %scan3A_463 : i32 to index
      %swap3A_467 = arith.constant 0 : index
      %swap3A_468 = tpu.vector_load %arg7[%swap3A_466, %swap3A_467] {strides = array<i32>} : memref<128x128xf32, #tpu.memory_space<vmem>>, vector<16xf32>,
      tpu.vector_store %arg7[%swap3A_466, %swap3A_467], %broadcast_in_dim3A_9 {strides = array<i32>} : memref<128x128xf32, #tpu.memory_space<vmem>>, vector<16xf32>,
      %swap3A_469 = arith.index_cast %scan3A_463 : i32 to index
      %swap3A_470 = arith.constant 16 : index
      %swap3A_471 = tpu.vector_load %arg6[%swap3A_469, %swap3A_470] {strides = array<i32>} : memref<128x128xf32, #tpu.memory_space<vmem>>, vector<16xf32>,
      tpu.vector_store %arg6[%swap3A_469, %swap3A_470], %broadcast_in_dim3A_9 {strides = array<i32>} : memref<128x128xf32, #tpu.memory_space<vmem>>, vector<16xf32>,
      %swap3A_472 = arith.index_cast %scan3A_463 : i32 to index
      %swap3A_473 = arith.constant 16 : index
      %swap3A_474 = tpu.vector_load %arg7[%swap3A_472, %swap3A_473] {strides = array<i32>} : memref<128x128xf32, #tpu.memory_space<vmem>>, vector<16xf32>,
      tpu.vector_store %arg7[%swap3A_472, %swap3A_473], %broadcast_in_dim3A_9 {strides = array<i32>} : memref<128x128xf32, #tpu.memory_space<vmem>>, vector<16xf32>,
      %swap3A_475 = arith.index_cast %scan3A_463 : i32 to index
      %swap3A_476 = arith.constant 32 : index
      %swap3A_477 = tpu.vector_load %arg6[%swap3A_475, %swap3A_476] {strides = array<i32>} : memref<128x128xf32, #tpu.memory_space<vmem>>, vector<16xf32>,
      tpu.vector_store %arg6[%swap3A_475, %swap3A_476], %broadcast_in_dim3A_9 {strides = array<i32>} : memref<128x128xf32, #tpu.memory_space<vmem>>, vector<16xf32>,
      %swap3A_478 = arith.index_cast %scan3A_463 : i32 to index
      %swap3A_479 = arith.constant 32 : index
      %swap3A_480 = tpu.vector_load %arg7[%swap3A_478, %swap3A_479] {strides = array<i32>} : memref<128x128xf32, #tpu.memory_space<vmem>>, vector<16xf32>,
      tpu.vector_store %arg7[%swap3A_478, %swap3A_479], %broadcast_in_dim3A_9 {strides = array<i32>} : memref<128x128xf32, #tpu.memory_space<vmem>>, vector<16xf32>,
      %swap3A_481 = arith.index_cast %scan3A_463 : i32 to index
      %swap3A_482 = arith.constant 48 : index
      %swap3A_483 = tpu.vector_load %arg6[%swap3A_481, %swap3A_482] {strides = array<i32>} : memref<128x128xf32, #tpu.memory_space<vmem>>, vector<16xf32>,
      tpu.vector_store %arg6[%swap3A_481, %swap3A_482], %broadcast_in_dim3A_9 {strides = array<i32>} : memref<128x128xf32, #tpu.memory_space<vmem>>, vector<16xf32>,
      %swap3A_484 = arith.index_cast %scan3A_463 : i32 to index
      %swap3A_485 = arith.constant 48 : index
      %swap3A_486 = tpu.vector_load %arg7[%swap3A_484, %swap3A_485] {strides = array<i32>} : memref<128x128xf32, #tpu.memory_space<vmem>>, vector<16xf32>,
      tpu.vector_store %arg7[%swap3A_484, %swap3A_485], %broadcast_in_dim3A_9 {strides = array<i32>} : memref<128x128xf32, #tpu.memory_space<vmem>>, vector<16xf32>,
      %swap3A_487 = arith.index_cast %scan3A_463 : i32 to index
      %swap3A_488 = arith.constant 64 : index
      %swap3A_489 = tpu.vector_load %arg6[%swap3A_487, %swap3A_488] {strides = array<i32>} : memref<128x128xf32, #tpu.memory_space<vmem>>, vector<16xf32>,
      tpu.vector_store %arg6[%swap3A_487, %swap3A_488], %broadcast_in_dim3A_9 {strides = array<i32>} : memref<128x128xf32, #tpu.memory_space<vmem>>, vector<16xf32>,
      %swap3A_490 = arith.index_cast %scan3A_463 : i32 to index
      %swap3A_491 = arith.constant 64 : index
      %swap3A_492 = tpu.vector_load %arg7[%swap3A_490, %swap3A_491] {strides = array<i32>} : memref<128x128xf32, #tpu.memory_space<vmem>>, vector<16xf32>,
      tpu.vector_store %arg7[%swap3A_490, %swap3A_491], %broadcast_in_dim3A_9 {strides = array<i32>} : memref<128x128xf32, #tpu.memory_space<vmem>>, vector<16xf32>,
      %swap3A_493 = arith.index_cast %scan3A_463 : i32 to index
      %swap3A_494 = arith.constant 80 : index
      %swap3A_495 = tpu.vector_load %arg6[%swap3A_493, %swap3A_494] {strides = array<i32>} : memref<128x128xf32, #tpu.memory_space<vmem>>, vector<16xf32>,
      tpu.vector_store %arg6[%swap3A_493, %swap3A_494], %broadcast_in_dim3A_9 {strides = array<i32>} : memref<128x128xf32, #tpu.memory_space<vmem>>, vector<16xf32>,
      %swap3A_496 = arith.index_cast %scan3A_463 : i32 to index
      %swap3A_497 = arith.constant 80 : index
      %swap3A_498 = tpu.vector_load %arg7[%swap3A_496, %swap3A_497] {strides = array<i32>} : memref<128x128xf32, #tpu.memory_space<vmem>>, vector<16xf32>,
      tpu.vector_store %arg7[%swap3A_496, %swap3A_497], %broadcast_in_dim3A_9 {strides = array<i32>} : memref<128x128xf32, #tpu.memory_space<vmem>>, vector<16xf32>,
      %swap3A_499 = arith.index_cast %scan3A_463 : i32 to index
      %swap3A_500 = arith.constant 96 : index
      %swap3A_501 = tpu.vector_load %arg6[%swap3A_499, %swap3A_500] {strides = array<i32>} : memref<128x128xf32, #tpu.memory_space<vmem>>, vector<16xf32>,
      tpu.vector_store %arg6[%swap3A_499, %swap3A_500], %broadcast_in_dim3A_9 {strides = array<i32>} : memref<128x128xf32, #tpu.memory_space<vmem>>, vector<16xf32>,
      %swap3A_502 = arith.index_cast %scan3A_463 : i32 to index
      %swap3A_503 = arith.constant 96 : index
      %swap3A_504 = tpu.vector_load %arg7[%swap3A_502, %swap3A_503] {strides = array<i32>} : memref<128x128xf32, #tpu.memory_space<vmem>>, vector<16xf32>,
      tpu.vector_store %arg7[%swap3A_502, %swap3A_503], %broadcast_in_dim3A_9 {strides = array<i32>} : memref<128x128xf32, #tpu.memory_space<vmem>>, vector<16xf32>,
      %swap3A_505 = arith.index_cast %scan3A_463 : i32 to index
      %swap3A_506 = arith.constant 112 : index
      %swap3A_507 = tpu.vector_load %arg6[%swap3A_505, %swap3A_506] {strides = array<i32>} : memref<128x128xf32, #tpu.memory_space<vmem>>, vector<16xf32>,
      tpu.vector_store %arg6[%swap3A_505, %swap3A_506], %broadcast_in_dim3A_9 {strides = array<i32>} : memref<128x128xf32, #tpu.memory_space<vmem>>, vector<16xf32>,
      %swap3A_508 = arith.index_cast %scan3A_463 : i32 to index
      %swap3A_509 = arith.constant 112 : index
      %swap3A_510 = tpu.vector_load %arg7[%swap3A_508, %swap3A_509] {strides = array<i32>} : memref<128x128xf32, #tpu.memory_space<vmem>>, vector<16xf32>,
      tpu.vector_store %arg7[%swap3A_508, %swap3A_509], %broadcast_in_dim3A_9 {strides = array<i32>} : memref<128x128xf32, #tpu.memory_space<vmem>>, vector<16xf32>,
    }
    %scan3A_24 = arith.constant 128 : i32
    %scan3A_25 = arith.constant 0 : i32
    %scan3A_26 = arith.constant 25 : i32
    %scan3A_27 = arith.addi %scan3A_25, %scan3A_26 : i32
    %scan3A_28 = arith.constant 1 : i32
    scf.for %scan3A_463 = %scan3A_25 to %scan3A_27 step %scan3A_28  : i32 {
      %mul3A_464 = arith.constant 2 : i32
      %mul3A_465 = arith.muli %mul3A_464, %scan3A_463 : i32
      %ge3A_466 = arith.constant 2 : i32
      %ge3A_467 = arith.cmpi sge, %mul3A_465, %ge3A_466 : i32
      %convert_element_type3A_468 = arith.extui %ge3A_467 : i1 to i32
      %cond3A = arith.constant 0 : i32
      %cond3A_469 = arith.cmpi ne, %convert_element_type3A_468, %cond3A : i32
      scf.if %cond3A_469 {
        %dma_wait3A_797 = arith.constant 0 : i32
        %dma_wait3A_798 = tpu.memref_slice %arg3[%dma_wait3A_797, %mul3A_2] : memref<6450x4096xf32, #tpu.memory_space<hbm>> -> memref<128x128xf32, #tpu.memory_space<hbm>>
        %dma_wait3A_799 = arith.constant 0 : i32
        %dma_wait3A_800 = tpu.memref_slice %arg3[%dma_wait3A_799, %mul3A_2] : memref<6450x4096xf32, #tpu.memory_space<hbm>> -> memref<128x128xf32, #tpu.memory_space<hbm>>
        tpu.wait_dma2 semaphore(%arg10 : memref<!tpu.dma_semaphore, #tpu.memory_space<semaphore_mem>>) src(%arg6 : memref<128x128xf32, #tpu.memory_space<vmem>>) dst(%dma_wait3A_800 : memref<128x128xf32, #tpu.memory_space<hbm>>)
        %sub3A_801 = arith.constant 2 : i32
        %sub3A_802 = arith.subi %mul3A_465, %sub3A_801 : i32
        %eq3A_803 = arith.constant 0 : i32
        %eq3A_804 = arith.cmpi eq, %sub3A_802, %eq3A_803 : i32
        %convert_element_type3A_805 = arith.extui %eq3A_804 : i1 to i32
        %cond3A_806 = arith.constant 0 : i32
        %cond3A_807 = arith.cmpi ne, %convert_element_type3A_805, %cond3A_806 : i32
        scf.if %cond3A_807 {
          %swap3A = arith.constant 0 : i32
          %swap3A_957 = arith.index_cast %swap3A : i32 to index
          %swap3A_958 = arith.constant 0 : index
          %swap3A_959 = tpu.vector_load %arg6[%swap3A_957, %swap3A_958] {strides = array<i32>} : memref<128x128xf32, #tpu.memory_space<vmem>>, vector<16xf32>,
          tpu.vector_store %arg6[%swap3A_957, %swap3A_958], %broadcast_in_dim3A_9 {strides = array<i32>} : memref<128x128xf32, #tpu.memory_space<vmem>>, vector<16xf32>,
          %swap3A_960 = arith.constant 1 : i32
          %swap3A_961 = arith.index_cast %swap3A_960 : i32 to index
          %swap3A_962 = arith.constant 0 : index
          %swap3A_963 = tpu.vector_load %arg6[%swap3A_961, %swap3A_962] {strides = array<i32>} : memref<128x128xf32, #tpu.memory_space<vmem>>, vector<16xf32>,
          tpu.vector_store %arg6[%swap3A_961, %swap3A_962], %broadcast_in_dim3A_9 {strides = array<i32>} : memref<128x128xf32, #tpu.memory_space<vmem>>, vector<16xf32>,
          %swap3A_964 = arith.constant 0 : i32
          %swap3A_965 = arith.index_cast %swap3A_964 : i32 to index
          %swap3A_966 = arith.constant 16 : index
          %swap3A_967 = tpu.vector_load %arg6[%swap3A_965, %swap3A_966] {strides = array<i32>} : memref<128x128xf32, #tpu.memory_space<vmem>>, vector<16xf32>,
          tpu.vector_store %arg6[%swap3A_965, %swap3A_966], %broadcast_in_dim3A_9 {strides = array<i32>} : memref<128x128xf32, #tpu.memory_space<vmem>>, vector<16xf32>,
          %swap3A_968 = arith.constant 1 : i32
          %swap3A_969 = arith.index_cast %swap3A_968 : i32 to index
          %swap3A_970 = arith.constant 16 : index
          %swap3A_971 = tpu.vector_load %arg6[%swap3A_969, %swap3A_970] {strides = array<i32>} : memref<128x128xf32, #tpu.memory_space<vmem>>, vector<16xf32>,
          tpu.vector_store %arg6[%swap3A_969, %swap3A_970], %broadcast_in_dim3A_9 {strides = array<i32>} : memref<128x128xf32, #tpu.memory_space<vmem>>, vector<16xf32>,
          %swap3A_972 = arith.constant 0 : i32
          %swap3A_973 = arith.index_cast %swap3A_972 : i32 to index
          %swap3A_974 = arith.constant 32 : index
          %swap3A_975 = tpu.vector_load %arg6[%swap3A_973, %swap3A_974] {strides = array<i32>} : memref<128x128xf32, #tpu.memory_space<vmem>>, vector<16xf32>,
          tpu.vector_store %arg6[%swap3A_973, %swap3A_974], %broadcast_in_dim3A_9 {strides = array<i32>} : memref<128x128xf32, #tpu.memory_space<vmem>>, vector<16xf32>,
          %swap3A_976 = arith.constant 1 : i32
          %swap3A_977 = arith.index_cast %swap3A_976 : i32 to index
          %swap3A_978 = arith.constant 32 : index
          %swap3A_979 = tpu.vector_load %arg6[%swap3A_977, %swap3A_978] {strides = array<i32>} : memref<128x128xf32, #tpu.memory_space<vmem>>, vector<16xf32>,
          tpu.vector_store %arg6[%swap3A_977, %swap3A_978], %broadcast_in_dim3A_9 {strides = array<i32>} : memref<128x128xf32, #tpu.memory_space<vmem>>, vector<16xf32>,
          %swap3A_980 = arith.constant 0 : i32
          %swap3A_981 = arith.index_cast %swap3A_980 : i32 to index
          %swap3A_982 = arith.constant 48 : index
          %swap3A_983 = tpu.vector_load %arg6[%swap3A_981, %swap3A_982] {strides = array<i32>} : memref<128x128xf32, #tpu.memory_space<vmem>>, vector<16xf32>,
          tpu.vector_store %arg6[%swap3A_981, %swap3A_982], %broadcast_in_dim3A_9 {strides = array<i32>} : memref<128x128xf32, #tpu.memory_space<vmem>>, vector<16xf32>,
          %swap3A_984 = arith.constant 1 : i32
          %swap3A_985 = arith.index_cast %swap3A_984 : i32 to index
          %swap3A_986 = arith.constant 48 : index
          %swap3A_987 = tpu.vector_load %arg6[%swap3A_985, %swap3A_986] {strides = array<i32>} : memref<128x128xf32, #tpu.memory_space<vmem>>, vector<16xf32>,
          tpu.vector_store %arg6[%swap3A_985, %swap3A_986], %broadcast_in_dim3A_9 {strides = array<i32>} : memref<128x128xf32, #tpu.memory_space<vmem>>, vector<16xf32>,
          %swap3A_988 = arith.constant 0 : i32
          %swap3A_989 = arith.index_cast %swap3A_988 : i32 to index
          %swap3A_990 = arith.constant 64 : index
          %swap3A_991 = tpu.vector_load %arg6[%swap3A_989, %swap3A_990] {strides = array<i32>} : memref<128x128xf32, #tpu.memory_space<vmem>>, vector<16xf32>,
          tpu.vector_store %arg6[%swap3A_989, %swap3A_990], %broadcast_in_dim3A_9 {strides = array<i32>} : memref<128x128xf32, #tpu.memory_space<vmem>>, vector<16xf32>,
          %swap3A_992 = arith.constant 1 : i32
          %swap3A_993 = arith.index_cast %swap3A_992 : i32 to index
          %swap3A_994 = arith.constant 64 : index
          %swap3A_995 = tpu.vector_load %arg6[%swap3A_993, %swap3A_994] {strides = array<i32>} : memref<128x128xf32, #tpu.memory_space<vmem>>, vector<16xf32>,
          tpu.vector_store %arg6[%swap3A_993, %swap3A_994], %broadcast_in_dim3A_9 {strides = array<i32>} : memref<128x128xf32, #tpu.memory_space<vmem>>, vector<16xf32>,
          %swap3A_996 = arith.constant 0 : i32
          %swap3A_997 = arith.index_cast %swap3A_996 : i32 to index
          %swap3A_998 = arith.constant 80 : index
          %swap3A_999 = tpu.vector_load %arg6[%swap3A_997, %swap3A_998] {strides = array<i32>} : memref<128x128xf32, #tpu.memory_space<vmem>>, vector<16xf32>,
          tpu.vector_store %arg6[%swap3A_997, %swap3A_998], %broadcast_in_dim3A_9 {strides = array<i32>} : memref<128x128xf32, #tpu.memory_space<vmem>>, vector<16xf32>,
          %swap3A_1000 = arith.constant 1 : i32
          %swap3A_1001 = arith.index_cast %swap3A_1000 : i32 to index
          %swap3A_1002 = arith.constant 80 : index
          %swap3A_1003 = tpu.vector_load %arg6[%swap3A_1001, %swap3A_1002] {strides = array<i32>} : memref<128x128xf32, #tpu.memory_space<vmem>>, vector<16xf32>,
          tpu.vector_store %arg6[%swap3A_1001, %swap3A_1002], %broadcast_in_dim3A_9 {strides = array<i32>} : memref<128x128xf32, #tpu.memory_space<vmem>>, vector<16xf32>,
          %swap3A_1004 = arith.constant 0 : i32
          %swap3A_1005 = arith.index_cast %swap3A_1004 : i32 to index
          %swap3A_1006 = arith.constant 96 : index
          %swap3A_1007 = tpu.vector_load %arg6[%swap3A_1005, %swap3A_1006] {strides = array<i32>} : memref<128x128xf32, #tpu.memory_space<vmem>>, vector<16xf32>,
          tpu.vector_store %arg6[%swap3A_1005, %swap3A_1006], %broadcast_in_dim3A_9 {strides = array<i32>} : memref<128x128xf32, #tpu.memory_space<vmem>>, vector<16xf32>,
          %swap3A_1008 = arith.constant 1 : i32
          %swap3A_1009 = arith.index_cast %swap3A_1008 : i32 to index
          %swap3A_1010 = arith.constant 96 : index
          %swap3A_1011 = tpu.vector_load %arg6[%swap3A_1009, %swap3A_1010] {strides = array<i32>} : memref<128x128xf32, #tpu.memory_space<vmem>>, vector<16xf32>,
          tpu.vector_store %arg6[%swap3A_1009, %swap3A_1010], %broadcast_in_dim3A_9 {strides = array<i32>} : memref<128x128xf32, #tpu.memory_space<vmem>>, vector<16xf32>,
          %swap3A_1012 = arith.constant 0 : i32
          %swap3A_1013 = arith.index_cast %swap3A_1012 : i32 to index
          %swap3A_1014 = arith.constant 112 : index
          %swap3A_1015 = tpu.vector_load %arg6[%swap3A_1013, %swap3A_1014] {strides = array<i32>} : memref<128x128xf32, #tpu.memory_space<vmem>>, vector<16xf32>,
          tpu.vector_store %arg6[%swap3A_1013, %swap3A_1014], %broadcast_in_dim3A_9 {strides = array<i32>} : memref<128x128xf32, #tpu.memory_space<vmem>>, vector<16xf32>,
          %swap3A_1016 = arith.constant 1 : i32
          %swap3A_1017 = arith.index_cast %swap3A_1016 : i32 to index
          %swap3A_1018 = arith.constant 112 : index
          %swap3A_1019 = tpu.vector_load %arg6[%swap3A_1017, %swap3A_1018] {strides = array<i32>} : memref<128x128xf32, #tpu.memory_space<vmem>>, vector<16xf32>,
          tpu.vector_store %arg6[%swap3A_1017, %swap3A_1018], %broadcast_in_dim3A_9 {strides = array<i32>} : memref<128x128xf32, #tpu.memory_space<vmem>>, vector<16xf32>,
        } else {
        }
        %gt3A_808 = arith.constant 0 : i32
        %gt3A_809 = arith.cmpi sgt, %sub3A_802, %gt3A_808 : i32
        %convert_element_type3A_810 = arith.extui %gt3A_809 : i1 to i32
        %cond3A_811 = arith.constant 0 : i32
        %cond3A_812 = arith.cmpi ne, %convert_element_type3A_810, %cond3A_811 : i32
        scf.if %cond3A_812 {
          %sub3A_957 = arith.constant 1 : i32
          %sub3A_958 = arith.subi %sub3A_802, %sub3A_957 : i32
          %add3A_959 = arith.constant 50 : i32
          %add3A_960 = arith.addi %add3A_959, %sub3A_958 : i32
          %get3A_961 = arith.index_cast %add3A_960 : i32 to index
          %get3A_962 = arith.constant 0 : index
          %get3A_963 = tpu.vector_load %arg4[%get3A_961, %get3A_962] {strides = array<i32>} : memref<100x128xf32, #tpu.memory_space<vmem>>, vector<16xf32>,
          %convert_element_type3A_964 = arith.fptosi %get3A_963 : vector<16xf32> to vector<16xi32>
          %sub3A_965 = arith.constant 126 : i32
          %sub3A_966 = vector.broadcast %sub3A_965 : i32 to vector<16xi32>
          %sub3A_967 = arith.subi %convert_element_type3A_964, %sub3A_966 : vector<16xi32>
          %max3A_968 = arith.constant 0 : i32
          %max3A_969 = vector.broadcast %max3A_968 : i32 to vector<16xi32>
          %max3A_970 = arith.maxsi %sub3A_967, %max3A_969 : vector<16xi32>
          %add3A_971 = arith.constant 0 : i32
          %add3A_972 = vector.broadcast %add3A_971 : i32 to vector<16xi32>
          %add3A_973 = arith.addi %iota3A, %add3A_972 : vector<16xi32>
          %ge3A_974 = arith.constant 126 : i32
          %ge3A_975 = vector.broadcast %ge3A_974 : i32 to vector<16xi32>
          %ge3A_976 = arith.cmpi sge, %convert_element_type3A_964, %ge3A_975 : vector<16xi32>
          tpu.vector_store_idx %arg6[%max3A_970, %add3A_973], %broadcast_in_dim3A_9 masked %ge3A_976 : memref<128x128xf32, #tpu.memory_space<vmem>>[vector<16xi32>, vector<16xi32>], vector<16xf32>, vector<16xi1>
          %add3A_977 = arith.constant 50 : i32
          %add3A_978 = arith.addi %add3A_977, %sub3A_958 : i32
          %get3A_979 = arith.index_cast %add3A_978 : i32 to index
          %get3A_980 = arith.constant 16 : index
          %get3A_981 = tpu.vector_load %arg4[%get3A_979, %get3A_980] {strides = array<i32>} : memref<100x128xf32, #tpu.memory_space<vmem>>, vector<16xf32>,
          %convert_element_type3A_982 = arith.fptosi %get3A_981 : vector<16xf32> to vector<16xi32>
          %sub3A_983 = arith.constant 126 : i32
          %sub3A_984 = vector.broadcast %sub3A_983 : i32 to vector<16xi32>
          %sub3A_985 = arith.subi %convert_element_type3A_982, %sub3A_984 : vector<16xi32>
          %max3A_986 = arith.constant 0 : i32
          %max3A_987 = vector.broadcast %max3A_986 : i32 to vector<16xi32>
          %max3A_988 = arith.maxsi %sub3A_985, %max3A_987 : vector<16xi32>
          %add3A_989 = arith.constant 16 : i32
          %add3A_990 = vector.broadcast %add3A_989 : i32 to vector<16xi32>
          %add3A_991 = arith.addi %iota3A, %add3A_990 : vector<16xi32>
          %ge3A_992 = arith.constant 126 : i32
          %ge3A_993 = vector.broadcast %ge3A_992 : i32 to vector<16xi32>
          %ge3A_994 = arith.cmpi sge, %convert_element_type3A_982, %ge3A_993 : vector<16xi32>
          tpu.vector_store_idx %arg6[%max3A_988, %add3A_991], %broadcast_in_dim3A_9 masked %ge3A_994 : memref<128x128xf32, #tpu.memory_space<vmem>>[vector<16xi32>, vector<16xi32>], vector<16xf32>, vector<16xi1>
          %add3A_995 = arith.constant 50 : i32
          %add3A_996 = arith.addi %add3A_995, %sub3A_958 : i32
          %get3A_997 = arith.index_cast %add3A_996 : i32 to index
          %get3A_998 = arith.constant 32 : index
          %get3A_999 = tpu.vector_load %arg4[%get3A_997, %get3A_998] {strides = array<i32>} : memref<100x128xf32, #tpu.memory_space<vmem>>, vector<16xf32>,
          %convert_element_type3A_1000 = arith.fptosi %get3A_999 : vector<16xf32> to vector<16xi32>
          %sub3A_1001 = arith.constant 126 : i32
          %sub3A_1002 = vector.broadcast %sub3A_1001 : i32 to vector<16xi32>
          %sub3A_1003 = arith.subi %convert_element_type3A_1000, %sub3A_1002 : vector<16xi32>
          %max3A_1004 = arith.constant 0 : i32
          %max3A_1005 = vector.broadcast %max3A_1004 : i32 to vector<16xi32>
          %max3A_1006 = arith.maxsi %sub3A_1003, %max3A_1005 : vector<16xi32>
          %add3A_1007 = arith.constant 32 : i32
          %add3A_1008 = vector.broadcast %add3A_1007 : i32 to vector<16xi32>
          %add3A_1009 = arith.addi %iota3A, %add3A_1008 : vector<16xi32>
          %ge3A_1010 = arith.constant 126 : i32
          %ge3A_1011 = vector.broadcast %ge3A_1010 : i32 to vector<16xi32>
          %ge3A_1012 = arith.cmpi sge, %convert_element_type3A_1000, %ge3A_1011 : vector<16xi32>
          tpu.vector_store_idx %arg6[%max3A_1006, %add3A_1009], %broadcast_in_dim3A_9 masked %ge3A_1012 : memref<128x128xf32, #tpu.memory_space<vmem>>[vector<16xi32>, vector<16xi32>], vector<16xf32>, vector<16xi1>
          %add3A_1013 = arith.constant 50 : i32
          %add3A_1014 = arith.addi %add3A_1013, %sub3A_958 : i32
          %get3A_1015 = arith.index_cast %add3A_1014 : i32 to index
          %get3A_1016 = arith.constant 48 : index
          %get3A_1017 = tpu.vector_load %arg4[%get3A_1015, %get3A_1016] {strides = array<i32>} : memref<100x128xf32, #tpu.memory_space<vmem>>, vector<16xf32>,
          %convert_element_type3A_1018 = arith.fptosi %get3A_1017 : vector<16xf32> to vector<16xi32>
          %sub3A_1019 = arith.constant 126 : i32
          %sub3A_1020 = vector.broadcast %sub3A_1019 : i32 to vector<16xi32>
          %sub3A_1021 = arith.subi %convert_element_type3A_1018, %sub3A_1020 : vector<16xi32>
          %max3A_1022 = arith.constant 0 : i32
          %max3A_1023 = vector.broadcast %max3A_1022 : i32 to vector<16xi32>
          %max3A_1024 = arith.maxsi %sub3A_1021, %max3A_1023 : vector<16xi32>
          %add3A_1025 = arith.constant 48 : i32
          %add3A_1026 = vector.broadcast %add3A_1025 : i32 to vector<16xi32>
          %add3A_1027 = arith.addi %iota3A, %add3A_1026 : vector<16xi32>
          %ge3A_1028 = arith.constant 126 : i32
          %ge3A_1029 = vector.broadcast %ge3A_1028 : i32 to vector<16xi32>
          %ge3A_1030 = arith.cmpi sge, %convert_element_type3A_1018, %ge3A_1029 : vector<16xi32>
          tpu.vector_store_idx %arg6[%max3A_1024, %add3A_1027], %broadcast_in_dim3A_9 masked %ge3A_1030 : memref<128x128xf32, #tpu.memory_space<vmem>>[vector<16xi32>, vector<16xi32>], vector<16xf32>, vector<16xi1>
          %add3A_1031 = arith.constant 50 : i32
          %add3A_1032 = arith.addi %add3A_1031, %sub3A_958 : i32
          %get3A_1033 = arith.index_cast %add3A_1032 : i32 to index
          %get3A_1034 = arith.constant 64 : index
          %get3A_1035 = tpu.vector_load %arg4[%get3A_1033, %get3A_1034] {strides = array<i32>} : memref<100x128xf32, #tpu.memory_space<vmem>>, vector<16xf32>,
          %convert_element_type3A_1036 = arith.fptosi %get3A_1035 : vector<16xf32> to vector<16xi32>
          %sub3A_1037 = arith.constant 126 : i32
          %sub3A_1038 = vector.broadcast %sub3A_1037 : i32 to vector<16xi32>
          %sub3A_1039 = arith.subi %convert_element_type3A_1036, %sub3A_1038 : vector<16xi32>
          %max3A_1040 = arith.constant 0 : i32
          %max3A_1041 = vector.broadcast %max3A_1040 : i32 to vector<16xi32>
          %max3A_1042 = arith.maxsi %sub3A_1039, %max3A_1041 : vector<16xi32>
          %add3A_1043 = arith.constant 64 : i32
          %add3A_1044 = vector.broadcast %add3A_1043 : i32 to vector<16xi32>
          %add3A_1045 = arith.addi %iota3A, %add3A_1044 : vector<16xi32>
          %ge3A_1046 = arith.constant 126 : i32
          %ge3A_1047 = vector.broadcast %ge3A_1046 : i32 to vector<16xi32>
          %ge3A_1048 = arith.cmpi sge, %convert_element_type3A_1036, %ge3A_1047 : vector<16xi32>
          tpu.vector_store_idx %arg6[%max3A_1042, %add3A_1045], %broadcast_in_dim3A_9 masked %ge3A_1048 : memref<128x128xf32, #tpu.memory_space<vmem>>[vector<16xi32>, vector<16xi32>], vector<16xf32>, vector<16xi1>
          %add3A_1049 = arith.constant 50 : i32
          %add3A_1050 = arith.addi %add3A_1049, %sub3A_958 : i32
          %get3A_1051 = arith.index_cast %add3A_1050 : i32 to index
          %get3A_1052 = arith.constant 80 : index
          %get3A_1053 = tpu.vector_load %arg4[%get3A_1051, %get3A_1052] {strides = array<i32>} : memref<100x128xf32, #tpu.memory_space<vmem>>, vector<16xf32>,
          %convert_element_type3A_1054 = arith.fptosi %get3A_1053 : vector<16xf32> to vector<16xi32>
          %sub3A_1055 = arith.constant 126 : i32
          %sub3A_1056 = vector.broadcast %sub3A_1055 : i32 to vector<16xi32>
          %sub3A_1057 = arith.subi %convert_element_type3A_1054, %sub3A_1056 : vector<16xi32>
          %max3A_1058 = arith.constant 0 : i32
          %max3A_1059 = vector.broadcast %max3A_1058 : i32 to vector<16xi32>
          %max3A_1060 = arith.maxsi %sub3A_1057, %max3A_1059 : vector<16xi32>
          %add3A_1061 = arith.constant 80 : i32
          %add3A_1062 = vector.broadcast %add3A_1061 : i32 to vector<16xi32>
          %add3A_1063 = arith.addi %iota3A, %add3A_1062 : vector<16xi32>
          %ge3A_1064 = arith.constant 126 : i32
          %ge3A_1065 = vector.broadcast %ge3A_1064 : i32 to vector<16xi32>
          %ge3A_1066 = arith.cmpi sge, %convert_element_type3A_1054, %ge3A_1065 : vector<16xi32>
          tpu.vector_store_idx %arg6[%max3A_1060, %add3A_1063], %broadcast_in_dim3A_9 masked %ge3A_1066 : memref<128x128xf32, #tpu.memory_space<vmem>>[vector<16xi32>, vector<16xi32>], vector<16xf32>, vector<16xi1>
          %add3A_1067 = arith.constant 50 : i32
          %add3A_1068 = arith.addi %add3A_1067, %sub3A_958 : i32
          %get3A_1069 = arith.index_cast %add3A_1068 : i32 to index
          %get3A_1070 = arith.constant 96 : index
          %get3A_1071 = tpu.vector_load %arg4[%get3A_1069, %get3A_1070] {strides = array<i32>} : memref<100x128xf32, #tpu.memory_space<vmem>>, vector<16xf32>,
          %convert_element_type3A_1072 = arith.fptosi %get3A_1071 : vector<16xf32> to vector<16xi32>
          %sub3A_1073 = arith.constant 126 : i32
          %sub3A_1074 = vector.broadcast %sub3A_1073 : i32 to vector<16xi32>
          %sub3A_1075 = arith.subi %convert_element_type3A_1072, %sub3A_1074 : vector<16xi32>
          %max3A_1076 = arith.constant 0 : i32
          %max3A_1077 = vector.broadcast %max3A_1076 : i32 to vector<16xi32>
          %max3A_1078 = arith.maxsi %sub3A_1075, %max3A_1077 : vector<16xi32>
          %add3A_1079 = arith.constant 96 : i32
          %add3A_1080 = vector.broadcast %add3A_1079 : i32 to vector<16xi32>
          %add3A_1081 = arith.addi %iota3A, %add3A_1080 : vector<16xi32>
          %ge3A_1082 = arith.constant 126 : i32
          %ge3A_1083 = vector.broadcast %ge3A_1082 : i32 to vector<16xi32>
          %ge3A_1084 = arith.cmpi sge, %convert_element_type3A_1072, %ge3A_1083 : vector<16xi32>
          tpu.vector_store_idx %arg6[%max3A_1078, %add3A_1081], %broadcast_in_dim3A_9 masked %ge3A_1084 : memref<128x128xf32, #tpu.memory_space<vmem>>[vector<16xi32>, vector<16xi32>], vector<16xf32>, vector<16xi1>
          %add3A_1085 = arith.constant 50 : i32
          %add3A_1086 = arith.addi %add3A_1085, %sub3A_958 : i32
          %get3A_1087 = arith.index_cast %add3A_1086 : i32 to index
          %get3A_1088 = arith.constant 112 : index
          %get3A_1089 = tpu.vector_load %arg4[%get3A_1087, %get3A_1088] {strides = array<i32>} : memref<100x128xf32, #tpu.memory_space<vmem>>, vector<16xf32>,
          %convert_element_type3A_1090 = arith.fptosi %get3A_1089 : vector<16xf32> to vector<16xi32>
          %sub3A_1091 = arith.constant 126 : i32
          %sub3A_1092 = vector.broadcast %sub3A_1091 : i32 to vector<16xi32>
          %sub3A_1093 = arith.subi %convert_element_type3A_1090, %sub3A_1092 : vector<16xi32>
          %max3A_1094 = arith.constant 0 : i32
          %max3A_1095 = vector.broadcast %max3A_1094 : i32 to vector<16xi32>
          %max3A_1096 = arith.maxsi %sub3A_1093, %max3A_1095 : vector<16xi32>
          %add3A_1097 = arith.constant 112 : i32
          %add3A_1098 = vector.broadcast %add3A_1097 : i32 to vector<16xi32>
          %add3A_1099 = arith.addi %iota3A, %add3A_1098 : vector<16xi32>
          %ge3A_1100 = arith.constant 126 : i32
          %ge3A_1101 = vector.broadcast %ge3A_1100 : i32 to vector<16xi32>
          %ge3A_1102 = arith.cmpi sge, %convert_element_type3A_1090, %ge3A_1101 : vector<16xi32>
          tpu.vector_store_idx %arg6[%max3A_1096, %add3A_1099], %broadcast_in_dim3A_9 masked %ge3A_1102 : memref<128x128xf32, #tpu.memory_space<vmem>>[vector<16xi32>, vector<16xi32>], vector<16xf32>, vector<16xi1>
        } else {
        }
        %add3A_813 = arith.constant 50 : i32
        %add3A_814 = arith.addi %add3A_813, %sub3A_802 : i32
        %get3A_815 = arith.index_cast %add3A_814 : i32 to index
        %get3A_816 = arith.constant 0 : index
        %get3A_817 = tpu.vector_load %arg4[%get3A_815, %get3A_816] {strides = array<i32>} : memref<100x128xf32, #tpu.memory_space<vmem>>, vector<16xf32>,
        %convert_element_type3A_818 = arith.fptosi %get3A_817 : vector<16xf32> to vector<16xi32>
        %add3A_819 = arith.constant 2 : i32
        %add3A_820 = vector.broadcast %add3A_819 : i32 to vector<16xi32>
        %add3A_821 = arith.addi %convert_element_type3A_818, %add3A_820 : vector<16xi32>
        %min3A_822 = arith.constant 127 : i32
        %min3A_823 = vector.broadcast %min3A_822 : i32 to vector<16xi32>
        %min3A_824 = arith.minsi %add3A_821, %min3A_823 : vector<16xi32>
        %add3A_825 = arith.constant 0 : i32
        %add3A_826 = vector.broadcast %add3A_825 : i32 to vector<16xi32>
        %add3A_827 = arith.addi %iota3A, %add3A_826 : vector<16xi32>
        %lt3A_828 = arith.constant 126 : i32
        %lt3A_829 = vector.broadcast %lt3A_828 : i32 to vector<16xi32>
        %lt3A_830 = arith.cmpi slt, %convert_element_type3A_818, %lt3A_829 : vector<16xi32>
        tpu.vector_store_idx %arg6[%min3A_824, %add3A_827], %broadcast_in_dim3A_9 masked %lt3A_830 : memref<128x128xf32, #tpu.memory_space<vmem>>[vector<16xi32>, vector<16xi32>], vector<16xf32>, vector<16xi1>
        %add3A_831 = arith.constant 50 : i32
        %add3A_832 = arith.addi %add3A_831, %sub3A_802 : i32
        %get3A_833 = arith.index_cast %add3A_832 : i32 to index
        %get3A_834 = arith.constant 16 : index
        %get3A_835 = tpu.vector_load %arg4[%get3A_833, %get3A_834] {strides = array<i32>} : memref<100x128xf32, #tpu.memory_space<vmem>>, vector<16xf32>,
        %convert_element_type3A_836 = arith.fptosi %get3A_835 : vector<16xf32> to vector<16xi32>
        %add3A_837 = arith.constant 2 : i32
        %add3A_838 = vector.broadcast %add3A_837 : i32 to vector<16xi32>
        %add3A_839 = arith.addi %convert_element_type3A_836, %add3A_838 : vector<16xi32>
        %min3A_840 = arith.constant 127 : i32
        %min3A_841 = vector.broadcast %min3A_840 : i32 to vector<16xi32>
        %min3A_842 = arith.minsi %add3A_839, %min3A_841 : vector<16xi32>
        %add3A_843 = arith.constant 16 : i32
        %add3A_844 = vector.broadcast %add3A_843 : i32 to vector<16xi32>
        %add3A_845 = arith.addi %iota3A, %add3A_844 : vector<16xi32>
        %lt3A_846 = arith.constant 126 : i32
        %lt3A_847 = vector.broadcast %lt3A_846 : i32 to vector<16xi32>
        %lt3A_848 = arith.cmpi slt, %convert_element_type3A_836, %lt3A_847 : vector<16xi32>
        tpu.vector_store_idx %arg6[%min3A_842, %add3A_845], %broadcast_in_dim3A_9 masked %lt3A_848 : memref<128x128xf32, #tpu.memory_space<vmem>>[vector<16xi32>, vector<16xi32>], vector<16xf32>, vector<16xi1>
        %add3A_849 = arith.constant 50 : i32
        %add3A_850 = arith.addi %add3A_849, %sub3A_802 : i32
        %get3A_851 = arith.index_cast %add3A_850 : i32 to index
        %get3A_852 = arith.constant 32 : index
        %get3A_853 = tpu.vector_load %arg4[%get3A_851, %get3A_852] {strides = array<i32>} : memref<100x128xf32, #tpu.memory_space<vmem>>, vector<16xf32>,
        %convert_element_type3A_854 = arith.fptosi %get3A_853 : vector<16xf32> to vector<16xi32>
        %add3A_855 = arith.constant 2 : i32
        %add3A_856 = vector.broadcast %add3A_855 : i32 to vector<16xi32>
        %add3A_857 = arith.addi %convert_element_type3A_854, %add3A_856 : vector<16xi32>
        %min3A_858 = arith.constant 127 : i32
        %min3A_859 = vector.broadcast %min3A_858 : i32 to vector<16xi32>
        %min3A_860 = arith.minsi %add3A_857, %min3A_859 : vector<16xi32>
        %add3A_861 = arith.constant 32 : i32
        %add3A_862 = vector.broadcast %add3A_861 : i32 to vector<16xi32>
        %add3A_863 = arith.addi %iota3A, %add3A_862 : vector<16xi32>
        %lt3A_864 = arith.constant 126 : i32
        %lt3A_865 = vector.broadcast %lt3A_864 : i32 to vector<16xi32>
        %lt3A_866 = arith.cmpi slt, %convert_element_type3A_854, %lt3A_865 : vector<16xi32>
        tpu.vector_store_idx %arg6[%min3A_860, %add3A_863], %broadcast_in_dim3A_9 masked %lt3A_866 : memref<128x128xf32, #tpu.memory_space<vmem>>[vector<16xi32>, vector<16xi32>], vector<16xf32>, vector<16xi1>
        %add3A_867 = arith.constant 50 : i32
        %add3A_868 = arith.addi %add3A_867, %sub3A_802 : i32
        %get3A_869 = arith.index_cast %add3A_868 : i32 to index
        %get3A_870 = arith.constant 48 : index
        %get3A_871 = tpu.vector_load %arg4[%get3A_869, %get3A_870] {strides = array<i32>} : memref<100x128xf32, #tpu.memory_space<vmem>>, vector<16xf32>,
        %convert_element_type3A_872 = arith.fptosi %get3A_871 : vector<16xf32> to vector<16xi32>
        %add3A_873 = arith.constant 2 : i32
        %add3A_874 = vector.broadcast %add3A_873 : i32 to vector<16xi32>
        %add3A_875 = arith.addi %convert_element_type3A_872, %add3A_874 : vector<16xi32>
        %min3A_876 = arith.constant 127 : i32
        %min3A_877 = vector.broadcast %min3A_876 : i32 to vector<16xi32>
        %min3A_878 = arith.minsi %add3A_875, %min3A_877 : vector<16xi32>
        %add3A_879 = arith.constant 48 : i32
        %add3A_880 = vector.broadcast %add3A_879 : i32 to vector<16xi32>
        %add3A_881 = arith.addi %iota3A, %add3A_880 : vector<16xi32>
        %lt3A_882 = arith.constant 126 : i32
        %lt3A_883 = vector.broadcast %lt3A_882 : i32 to vector<16xi32>
        %lt3A_884 = arith.cmpi slt, %convert_element_type3A_872, %lt3A_883 : vector<16xi32>
        tpu.vector_store_idx %arg6[%min3A_878, %add3A_881], %broadcast_in_dim3A_9 masked %lt3A_884 : memref<128x128xf32, #tpu.memory_space<vmem>>[vector<16xi32>, vector<16xi32>], vector<16xf32>, vector<16xi1>
        %add3A_885 = arith.constant 50 : i32
        %add3A_886 = arith.addi %add3A_885, %sub3A_802 : i32
        %get3A_887 = arith.index_cast %add3A_886 : i32 to index
        %get3A_888 = arith.constant 64 : index
        %get3A_889 = tpu.vector_load %arg4[%get3A_887, %get3A_888] {strides = array<i32>} : memref<100x128xf32, #tpu.memory_space<vmem>>, vector<16xf32>,
        %convert_element_type3A_890 = arith.fptosi %get3A_889 : vector<16xf32> to vector<16xi32>
        %add3A_891 = arith.constant 2 : i32
        %add3A_892 = vector.broadcast %add3A_891 : i32 to vector<16xi32>
        %add3A_893 = arith.addi %convert_element_type3A_890, %add3A_892 : vector<16xi32>
        %min3A_894 = arith.constant 127 : i32
        %min3A_895 = vector.broadcast %min3A_894 : i32 to vector<16xi32>
        %min3A_896 = arith.minsi %add3A_893, %min3A_895 : vector<16xi32>
        %add3A_897 = arith.constant 64 : i32
        %add3A_898 = vector.broadcast %add3A_897 : i32 to vector<16xi32>
        %add3A_899 = arith.addi %iota3A, %add3A_898 : vector<16xi32>
        %lt3A_900 = arith.constant 126 : i32
        %lt3A_901 = vector.broadcast %lt3A_900 : i32 to vector<16xi32>
        %lt3A_902 = arith.cmpi slt, %convert_element_type3A_890, %lt3A_901 : vector<16xi32>
        tpu.vector_store_idx %arg6[%min3A_896, %add3A_899], %broadcast_in_dim3A_9 masked %lt3A_902 : memref<128x128xf32, #tpu.memory_space<vmem>>[vector<16xi32>, vector<16xi32>], vector<16xf32>, vector<16xi1>
        %add3A_903 = arith.constant 50 : i32
        %add3A_904 = arith.addi %add3A_903, %sub3A_802 : i32
        %get3A_905 = arith.index_cast %add3A_904 : i32 to index
        %get3A_906 = arith.constant 80 : index
        %get3A_907 = tpu.vector_load %arg4[%get3A_905, %get3A_906] {strides = array<i32>} : memref<100x128xf32, #tpu.memory_space<vmem>>, vector<16xf32>,
        %convert_element_type3A_908 = arith.fptosi %get3A_907 : vector<16xf32> to vector<16xi32>
        %add3A_909 = arith.constant 2 : i32
        %add3A_910 = vector.broadcast %add3A_909 : i32 to vector<16xi32>
        %add3A_911 = arith.addi %convert_element_type3A_908, %add3A_910 : vector<16xi32>
        %min3A_912 = arith.constant 127 : i32
        %min3A_913 = vector.broadcast %min3A_912 : i32 to vector<16xi32>
        %min3A_914 = arith.minsi %add3A_911, %min3A_913 : vector<16xi32>
        %add3A_915 = arith.constant 80 : i32
        %add3A_916 = vector.broadcast %add3A_915 : i32 to vector<16xi32>
        %add3A_917 = arith.addi %iota3A, %add3A_916 : vector<16xi32>
        %lt3A_918 = arith.constant 126 : i32
        %lt3A_919 = vector.broadcast %lt3A_918 : i32 to vector<16xi32>
        %lt3A_920 = arith.cmpi slt, %convert_element_type3A_908, %lt3A_919 : vector<16xi32>
        tpu.vector_store_idx %arg6[%min3A_914, %add3A_917], %broadcast_in_dim3A_9 masked %lt3A_920 : memref<128x128xf32, #tpu.memory_space<vmem>>[vector<16xi32>, vector<16xi32>], vector<16xf32>, vector<16xi1>
        %add3A_921 = arith.constant 50 : i32
        %add3A_922 = arith.addi %add3A_921, %sub3A_802 : i32
        %get3A_923 = arith.index_cast %add3A_922 : i32 to index
        %get3A_924 = arith.constant 96 : index
        %get3A_925 = tpu.vector_load %arg4[%get3A_923, %get3A_924] {strides = array<i32>} : memref<100x128xf32, #tpu.memory_space<vmem>>, vector<16xf32>,
        %convert_element_type3A_926 = arith.fptosi %get3A_925 : vector<16xf32> to vector<16xi32>
        %add3A_927 = arith.constant 2 : i32
        %add3A_928 = vector.broadcast %add3A_927 : i32 to vector<16xi32>
        %add3A_929 = arith.addi %convert_element_type3A_926, %add3A_928 : vector<16xi32>
        %min3A_930 = arith.constant 127 : i32
        %min3A_931 = vector.broadcast %min3A_930 : i32 to vector<16xi32>
        %min3A_932 = arith.minsi %add3A_929, %min3A_931 : vector<16xi32>
        %add3A_933 = arith.constant 96 : i32
        %add3A_934 = vector.broadcast %add3A_933 : i32 to vector<16xi32>
        %add3A_935 = arith.addi %iota3A, %add3A_934 : vector<16xi32>
        %lt3A_936 = arith.constant 126 : i32
        %lt3A_937 = vector.broadcast %lt3A_936 : i32 to vector<16xi32>
        %lt3A_938 = arith.cmpi slt, %convert_element_type3A_926, %lt3A_937 : vector<16xi32>
        tpu.vector_store_idx %arg6[%min3A_932, %add3A_935], %broadcast_in_dim3A_9 masked %lt3A_938 : memref<128x128xf32, #tpu.memory_space<vmem>>[vector<16xi32>, vector<16xi32>], vector<16xf32>, vector<16xi1>
        %add3A_939 = arith.constant 50 : i32
        %add3A_940 = arith.addi %add3A_939, %sub3A_802 : i32
        %get3A_941 = arith.index_cast %add3A_940 : i32 to index
        %get3A_942 = arith.constant 112 : index
        %get3A_943 = tpu.vector_load %arg4[%get3A_941, %get3A_942] {strides = array<i32>} : memref<100x128xf32, #tpu.memory_space<vmem>>, vector<16xf32>,
        %convert_element_type3A_944 = arith.fptosi %get3A_943 : vector<16xf32> to vector<16xi32>
        %add3A_945 = arith.constant 2 : i32
        %add3A_946 = vector.broadcast %add3A_945 : i32 to vector<16xi32>
        %add3A_947 = arith.addi %convert_element_type3A_944, %add3A_946 : vector<16xi32>
        %min3A_948 = arith.constant 127 : i32
        %min3A_949 = vector.broadcast %min3A_948 : i32 to vector<16xi32>
        %min3A_950 = arith.minsi %add3A_947, %min3A_949 : vector<16xi32>
        %add3A_951 = arith.constant 112 : i32
        %add3A_952 = vector.broadcast %add3A_951 : i32 to vector<16xi32>
        %add3A_953 = arith.addi %iota3A, %add3A_952 : vector<16xi32>
        %lt3A_954 = arith.constant 126 : i32
        %lt3A_955 = vector.broadcast %lt3A_954 : i32 to vector<16xi32>
        %lt3A_956 = arith.cmpi slt, %convert_element_type3A_944, %lt3A_955 : vector<16xi32>
        tpu.vector_store_idx %arg6[%min3A_950, %add3A_953], %broadcast_in_dim3A_9 masked %lt3A_956 : memref<128x128xf32, #tpu.memory_space<vmem>>[vector<16xi32>, vector<16xi32>], vector<16xf32>, vector<16xi1>
      } else {
      }
      %eq3A = arith.constant 0 : i32
      %eq3A_470 = arith.cmpi eq, %mul3A_465, %eq3A : i32
      %convert_element_type3A_471 = arith.extui %eq3A_470 : i1 to i32
      %cond3A_472 = arith.constant 0 : i32
      %cond3A_473 = arith.cmpi ne, %convert_element_type3A_471, %cond3A_472 : i32
      scf.if %cond3A_473 {
        %get3A_797 = arith.constant 48 : i32
        %get3A_798 = arith.index_cast %get3A_797 : i32 to index
        %get3A_799 = arith.constant 0 : index
        %get3A_800 = tpu.vector_load %arg4[%get3A_798, %get3A_799] {strides = array<i32>} : memref<100x128xf32, #tpu.memory_space<vmem>>, vector<16xf32>,
        %swap3A = arith.constant 0 : i32
        %swap3A_801 = arith.index_cast %swap3A : i32 to index
        %swap3A_802 = arith.constant 0 : index
        %swap3A_803 = tpu.vector_load %arg6[%swap3A_801, %swap3A_802] {strides = array<i32>} : memref<128x128xf32, #tpu.memory_space<vmem>>, vector<16xf32>,
        tpu.vector_store %arg6[%swap3A_801, %swap3A_802], %get3A_800 {strides = array<i32>} : memref<128x128xf32, #tpu.memory_space<vmem>>, vector<16xf32>,
        %get3A_804 = arith.constant 49 : i32
        %get3A_805 = arith.index_cast %get3A_804 : i32 to index
        %get3A_806 = arith.constant 0 : index
        %get3A_807 = tpu.vector_load %arg4[%get3A_805, %get3A_806] {strides = array<i32>} : memref<100x128xf32, #tpu.memory_space<vmem>>, vector<16xf32>,
        %swap3A_808 = arith.constant 1 : i32
        %swap3A_809 = arith.index_cast %swap3A_808 : i32 to index
        %swap3A_810 = arith.constant 0 : index
        %swap3A_811 = tpu.vector_load %arg6[%swap3A_809, %swap3A_810] {strides = array<i32>} : memref<128x128xf32, #tpu.memory_space<vmem>>, vector<16xf32>,
        tpu.vector_store %arg6[%swap3A_809, %swap3A_810], %get3A_807 {strides = array<i32>} : memref<128x128xf32, #tpu.memory_space<vmem>>, vector<16xf32>,
        %get3A_812 = arith.constant 48 : i32
        %get3A_813 = arith.index_cast %get3A_812 : i32 to index
        %get3A_814 = arith.constant 16 : index
        %get3A_815 = tpu.vector_load %arg4[%get3A_813, %get3A_814] {strides = array<i32>} : memref<100x128xf32, #tpu.memory_space<vmem>>, vector<16xf32>,
        %swap3A_816 = arith.constant 0 : i32
        %swap3A_817 = arith.index_cast %swap3A_816 : i32 to index
        %swap3A_818 = arith.constant 16 : index
        %swap3A_819 = tpu.vector_load %arg6[%swap3A_817, %swap3A_818] {strides = array<i32>} : memref<128x128xf32, #tpu.memory_space<vmem>>, vector<16xf32>,
        tpu.vector_store %arg6[%swap3A_817, %swap3A_818], %get3A_815 {strides = array<i32>} : memref<128x128xf32, #tpu.memory_space<vmem>>, vector<16xf32>,
        %get3A_820 = arith.constant 49 : i32
        %get3A_821 = arith.index_cast %get3A_820 : i32 to index
        %get3A_822 = arith.constant 16 : index
        %get3A_823 = tpu.vector_load %arg4[%get3A_821, %get3A_822] {strides = array<i32>} : memref<100x128xf32, #tpu.memory_space<vmem>>, vector<16xf32>,
        %swap3A_824 = arith.constant 1 : i32
        %swap3A_825 = arith.index_cast %swap3A_824 : i32 to index
        %swap3A_826 = arith.constant 16 : index
        %swap3A_827 = tpu.vector_load %arg6[%swap3A_825, %swap3A_826] {strides = array<i32>} : memref<128x128xf32, #tpu.memory_space<vmem>>, vector<16xf32>,
        tpu.vector_store %arg6[%swap3A_825, %swap3A_826], %get3A_823 {strides = array<i32>} : memref<128x128xf32, #tpu.memory_space<vmem>>, vector<16xf32>,
        %get3A_828 = arith.constant 48 : i32
        %get3A_829 = arith.index_cast %get3A_828 : i32 to index
        %get3A_830 = arith.constant 32 : index
        %get3A_831 = tpu.vector_load %arg4[%get3A_829, %get3A_830] {strides = array<i32>} : memref<100x128xf32, #tpu.memory_space<vmem>>, vector<16xf32>,
        %swap3A_832 = arith.constant 0 : i32
        %swap3A_833 = arith.index_cast %swap3A_832 : i32 to index
        %swap3A_834 = arith.constant 32 : index
        %swap3A_835 = tpu.vector_load %arg6[%swap3A_833, %swap3A_834] {strides = array<i32>} : memref<128x128xf32, #tpu.memory_space<vmem>>, vector<16xf32>,
        tpu.vector_store %arg6[%swap3A_833, %swap3A_834], %get3A_831 {strides = array<i32>} : memref<128x128xf32, #tpu.memory_space<vmem>>, vector<16xf32>,
        %get3A_836 = arith.constant 49 : i32
        %get3A_837 = arith.index_cast %get3A_836 : i32 to index
        %get3A_838 = arith.constant 32 : index
        %get3A_839 = tpu.vector_load %arg4[%get3A_837, %get3A_838] {strides = array<i32>} : memref<100x128xf32, #tpu.memory_space<vmem>>, vector<16xf32>,
        %swap3A_840 = arith.constant 1 : i32
        %swap3A_841 = arith.index_cast %swap3A_840 : i32 to index
        %swap3A_842 = arith.constant 32 : index
        %swap3A_843 = tpu.vector_load %arg6[%swap3A_841, %swap3A_842] {strides = array<i32>} : memref<128x128xf32, #tpu.memory_space<vmem>>, vector<16xf32>,
        tpu.vector_store %arg6[%swap3A_841, %swap3A_842], %get3A_839 {strides = array<i32>} : memref<128x128xf32, #tpu.memory_space<vmem>>, vector<16xf32>,
        %get3A_844 = arith.constant 48 : i32
        %get3A_845 = arith.index_cast %get3A_844 : i32 to index
        %get3A_846 = arith.constant 48 : index
        %get3A_847 = tpu.vector_load %arg4[%get3A_845, %get3A_846] {strides = array<i32>} : memref<100x128xf32, #tpu.memory_space<vmem>>, vector<16xf32>,
        %swap3A_848 = arith.constant 0 : i32
        %swap3A_849 = arith.index_cast %swap3A_848 : i32 to index
        %swap3A_850 = arith.constant 48 : index
        %swap3A_851 = tpu.vector_load %arg6[%swap3A_849, %swap3A_850] {strides = array<i32>} : memref<128x128xf32, #tpu.memory_space<vmem>>, vector<16xf32>,
        tpu.vector_store %arg6[%swap3A_849, %swap3A_850], %get3A_847 {strides = array<i32>} : memref<128x128xf32, #tpu.memory_space<vmem>>, vector<16xf32>,
        %get3A_852 = arith.constant 49 : i32
        %get3A_853 = arith.index_cast %get3A_852 : i32 to index
        %get3A_854 = arith.constant 48 : index
        %get3A_855 = tpu.vector_load %arg4[%get3A_853, %get3A_854] {strides = array<i32>} : memref<100x128xf32, #tpu.memory_space<vmem>>, vector<16xf32>,
        %swap3A_856 = arith.constant 1 : i32
        %swap3A_857 = arith.index_cast %swap3A_856 : i32 to index
        %swap3A_858 = arith.constant 48 : index
        %swap3A_859 = tpu.vector_load %arg6[%swap3A_857, %swap3A_858] {strides = array<i32>} : memref<128x128xf32, #tpu.memory_space<vmem>>, vector<16xf32>,
        tpu.vector_store %arg6[%swap3A_857, %swap3A_858], %get3A_855 {strides = array<i32>} : memref<128x128xf32, #tpu.memory_space<vmem>>, vector<16xf32>,
        %get3A_860 = arith.constant 48 : i32
        %get3A_861 = arith.index_cast %get3A_860 : i32 to index
        %get3A_862 = arith.constant 64 : index
        %get3A_863 = tpu.vector_load %arg4[%get3A_861, %get3A_862] {strides = array<i32>} : memref<100x128xf32, #tpu.memory_space<vmem>>, vector<16xf32>,
        %swap3A_864 = arith.constant 0 : i32
        %swap3A_865 = arith.index_cast %swap3A_864 : i32 to index
        %swap3A_866 = arith.constant 64 : index
        %swap3A_867 = tpu.vector_load %arg6[%swap3A_865, %swap3A_866] {strides = array<i32>} : memref<128x128xf32, #tpu.memory_space<vmem>>, vector<16xf32>,
        tpu.vector_store %arg6[%swap3A_865, %swap3A_866], %get3A_863 {strides = array<i32>} : memref<128x128xf32, #tpu.memory_space<vmem>>, vector<16xf32>,
        %get3A_868 = arith.constant 49 : i32
        %get3A_869 = arith.index_cast %get3A_868 : i32 to index
        %get3A_870 = arith.constant 64 : index
        %get3A_871 = tpu.vector_load %arg4[%get3A_869, %get3A_870] {strides = array<i32>} : memref<100x128xf32, #tpu.memory_space<vmem>>, vector<16xf32>,
        %swap3A_872 = arith.constant 1 : i32
        %swap3A_873 = arith.index_cast %swap3A_872 : i32 to index
        %swap3A_874 = arith.constant 64 : index
        %swap3A_875 = tpu.vector_load %arg6[%swap3A_873, %swap3A_874] {strides = array<i32>} : memref<128x128xf32, #tpu.memory_space<vmem>>, vector<16xf32>,
        tpu.vector_store %arg6[%swap3A_873, %swap3A_874], %get3A_871 {strides = array<i32>} : memref<128x128xf32, #tpu.memory_space<vmem>>, vector<16xf32>,
        %get3A_876 = arith.constant 48 : i32
        %get3A_877 = arith.index_cast %get3A_876 : i32 to index
        %get3A_878 = arith.constant 80 : index
        %get3A_879 = tpu.vector_load %arg4[%get3A_877, %get3A_878] {strides = array<i32>} : memref<100x128xf32, #tpu.memory_space<vmem>>, vector<16xf32>,
        %swap3A_880 = arith.constant 0 : i32
        %swap3A_881 = arith.index_cast %swap3A_880 : i32 to index
        %swap3A_882 = arith.constant 80 : index
        %swap3A_883 = tpu.vector_load %arg6[%swap3A_881, %swap3A_882] {strides = array<i32>} : memref<128x128xf32, #tpu.memory_space<vmem>>, vector<16xf32>,
        tpu.vector_store %arg6[%swap3A_881, %swap3A_882], %get3A_879 {strides = array<i32>} : memref<128x128xf32, #tpu.memory_space<vmem>>, vector<16xf32>,
        %get3A_884 = arith.constant 49 : i32
        %get3A_885 = arith.index_cast %get3A_884 : i32 to index
        %get3A_886 = arith.constant 80 : index
        %get3A_887 = tpu.vector_load %arg4[%get3A_885, %get3A_886] {strides = array<i32>} : memref<100x128xf32, #tpu.memory_space<vmem>>, vector<16xf32>,
        %swap3A_888 = arith.constant 1 : i32
        %swap3A_889 = arith.index_cast %swap3A_888 : i32 to index
        %swap3A_890 = arith.constant 80 : index
        %swap3A_891 = tpu.vector_load %arg6[%swap3A_889, %swap3A_890] {strides = array<i32>} : memref<128x128xf32, #tpu.memory_space<vmem>>, vector<16xf32>,
        tpu.vector_store %arg6[%swap3A_889, %swap3A_890], %get3A_887 {strides = array<i32>} : memref<128x128xf32, #tpu.memory_space<vmem>>, vector<16xf32>,
        %get3A_892 = arith.constant 48 : i32
        %get3A_893 = arith.index_cast %get3A_892 : i32 to index
        %get3A_894 = arith.constant 96 : index
        %get3A_895 = tpu.vector_load %arg4[%get3A_893, %get3A_894] {strides = array<i32>} : memref<100x128xf32, #tpu.memory_space<vmem>>, vector<16xf32>,
        %swap3A_896 = arith.constant 0 : i32
        %swap3A_897 = arith.index_cast %swap3A_896 : i32 to index
        %swap3A_898 = arith.constant 96 : index
        %swap3A_899 = tpu.vector_load %arg6[%swap3A_897, %swap3A_898] {strides = array<i32>} : memref<128x128xf32, #tpu.memory_space<vmem>>, vector<16xf32>,
        tpu.vector_store %arg6[%swap3A_897, %swap3A_898], %get3A_895 {strides = array<i32>} : memref<128x128xf32, #tpu.memory_space<vmem>>, vector<16xf32>,
        %get3A_900 = arith.constant 49 : i32
        %get3A_901 = arith.index_cast %get3A_900 : i32 to index
        %get3A_902 = arith.constant 96 : index
        %get3A_903 = tpu.vector_load %arg4[%get3A_901, %get3A_902] {strides = array<i32>} : memref<100x128xf32, #tpu.memory_space<vmem>>, vector<16xf32>,
        %swap3A_904 = arith.constant 1 : i32
        %swap3A_905 = arith.index_cast %swap3A_904 : i32 to index
        %swap3A_906 = arith.constant 96 : index
        %swap3A_907 = tpu.vector_load %arg6[%swap3A_905, %swap3A_906] {strides = array<i32>} : memref<128x128xf32, #tpu.memory_space<vmem>>, vector<16xf32>,
        tpu.vector_store %arg6[%swap3A_905, %swap3A_906], %get3A_903 {strides = array<i32>} : memref<128x128xf32, #tpu.memory_space<vmem>>, vector<16xf32>,
        %get3A_908 = arith.constant 48 : i32
        %get3A_909 = arith.index_cast %get3A_908 : i32 to index
        %get3A_910 = arith.constant 112 : index
        %get3A_911 = tpu.vector_load %arg4[%get3A_909, %get3A_910] {strides = array<i32>} : memref<100x128xf32, #tpu.memory_space<vmem>>, vector<16xf32>,
        %swap3A_912 = arith.constant 0 : i32
        %swap3A_913 = arith.index_cast %swap3A_912 : i32 to index
        %swap3A_914 = arith.constant 112 : index
        %swap3A_915 = tpu.vector_load %arg6[%swap3A_913, %swap3A_914] {strides = array<i32>} : memref<128x128xf32, #tpu.memory_space<vmem>>, vector<16xf32>,
        tpu.vector_store %arg6[%swap3A_913, %swap3A_914], %get3A_911 {strides = array<i32>} : memref<128x128xf32, #tpu.memory_space<vmem>>, vector<16xf32>,
        %get3A_916 = arith.constant 49 : i32
        %get3A_917 = arith.index_cast %get3A_916 : i32 to index
        %get3A_918 = arith.constant 112 : index
        %get3A_919 = tpu.vector_load %arg4[%get3A_917, %get3A_918] {strides = array<i32>} : memref<100x128xf32, #tpu.memory_space<vmem>>, vector<16xf32>,
        %swap3A_920 = arith.constant 1 : i32
        %swap3A_921 = arith.index_cast %swap3A_920 : i32 to index
        %swap3A_922 = arith.constant 112 : index
        %swap3A_923 = tpu.vector_load %arg6[%swap3A_921, %swap3A_922] {strides = array<i32>} : memref<128x128xf32, #tpu.memory_space<vmem>>, vector<16xf32>,
        tpu.vector_store %arg6[%swap3A_921, %swap3A_922], %get3A_919 {strides = array<i32>} : memref<128x128xf32, #tpu.memory_space<vmem>>, vector<16xf32>,
      } else {
      }
      %gt3A = arith.constant 0 : i32
      %gt3A_474 = arith.cmpi sgt, %mul3A_465, %gt3A : i32
      %convert_element_type3A_475 = arith.extui %gt3A_474 : i1 to i32
      %cond3A_476 = arith.constant 0 : i32
      %cond3A_477 = arith.cmpi ne, %convert_element_type3A_475, %cond3A_476 : i32
      scf.if %cond3A_477 {
        %sub3A_797 = arith.constant 1 : i32
        %sub3A_798 = arith.subi %mul3A_465, %sub3A_797 : i32
        %add3A_799 = arith.constant 50 : i32
        %add3A_800 = arith.addi %add3A_799, %sub3A_798 : i32
        %get3A_801 = arith.index_cast %add3A_800 : i32 to index
        %get3A_802 = arith.constant 0 : index
        %get3A_803 = tpu.vector_load %arg4[%get3A_801, %get3A_802] {strides = array<i32>} : memref<100x128xf32, #tpu.memory_space<vmem>>, vector<16xf32>,
        %convert_element_type3A_804 = arith.fptosi %get3A_803 : vector<16xf32> to vector<16xi32>
        %sub3A_805 = arith.constant 126 : i32
        %sub3A_806 = vector.broadcast %sub3A_805 : i32 to vector<16xi32>
        %sub3A_807 = arith.subi %convert_element_type3A_804, %sub3A_806 : vector<16xi32>
        %max3A_808 = arith.constant 0 : i32
        %max3A_809 = vector.broadcast %max3A_808 : i32 to vector<16xi32>
        %max3A_810 = arith.maxsi %sub3A_807, %max3A_809 : vector<16xi32>
        %add3A_811 = arith.constant 0 : i32
        %add3A_812 = vector.broadcast %add3A_811 : i32 to vector<16xi32>
        %add3A_813 = arith.addi %iota3A, %add3A_812 : vector<16xi32>
        %ge3A_814 = arith.constant 126 : i32
        %ge3A_815 = vector.broadcast %ge3A_814 : i32 to vector<16xi32>
        %ge3A_816 = arith.cmpi sge, %convert_element_type3A_804, %ge3A_815 : vector<16xi32>
        tpu.vector_store_idx %arg6[%max3A_810, %add3A_813], %broadcast_in_dim3A_11 masked %ge3A_816 : memref<128x128xf32, #tpu.memory_space<vmem>>[vector<16xi32>, vector<16xi32>], vector<16xf32>, vector<16xi1>
        %add3A_817 = arith.constant 50 : i32
        %add3A_818 = arith.addi %add3A_817, %sub3A_798 : i32
        %get3A_819 = arith.index_cast %add3A_818 : i32 to index
        %get3A_820 = arith.constant 16 : index
        %get3A_821 = tpu.vector_load %arg4[%get3A_819, %get3A_820] {strides = array<i32>} : memref<100x128xf32, #tpu.memory_space<vmem>>, vector<16xf32>,
        %convert_element_type3A_822 = arith.fptosi %get3A_821 : vector<16xf32> to vector<16xi32>
        %sub3A_823 = arith.constant 126 : i32
        %sub3A_824 = vector.broadcast %sub3A_823 : i32 to vector<16xi32>
        %sub3A_825 = arith.subi %convert_element_type3A_822, %sub3A_824 : vector<16xi32>
        %max3A_826 = arith.constant 0 : i32
        %max3A_827 = vector.broadcast %max3A_826 : i32 to vector<16xi32>
        %max3A_828 = arith.maxsi %sub3A_825, %max3A_827 : vector<16xi32>
        %add3A_829 = arith.constant 16 : i32
        %add3A_830 = vector.broadcast %add3A_829 : i32 to vector<16xi32>
        %add3A_831 = arith.addi %iota3A, %add3A_830 : vector<16xi32>
        %ge3A_832 = arith.constant 126 : i32
        %ge3A_833 = vector.broadcast %ge3A_832 : i32 to vector<16xi32>
        %ge3A_834 = arith.cmpi sge, %convert_element_type3A_822, %ge3A_833 : vector<16xi32>
        tpu.vector_store_idx %arg6[%max3A_828, %add3A_831], %broadcast_in_dim3A_11 masked %ge3A_834 : memref<128x128xf32, #tpu.memory_space<vmem>>[vector<16xi32>, vector<16xi32>], vector<16xf32>, vector<16xi1>
        %add3A_835 = arith.constant 50 : i32
        %add3A_836 = arith.addi %add3A_835, %sub3A_798 : i32
        %get3A_837 = arith.index_cast %add3A_836 : i32 to index
        %get3A_838 = arith.constant 32 : index
        %get3A_839 = tpu.vector_load %arg4[%get3A_837, %get3A_838] {strides = array<i32>} : memref<100x128xf32, #tpu.memory_space<vmem>>, vector<16xf32>,
        %convert_element_type3A_840 = arith.fptosi %get3A_839 : vector<16xf32> to vector<16xi32>
        %sub3A_841 = arith.constant 126 : i32
        %sub3A_842 = vector.broadcast %sub3A_841 : i32 to vector<16xi32>
        %sub3A_843 = arith.subi %convert_element_type3A_840, %sub3A_842 : vector<16xi32>
        %max3A_844 = arith.constant 0 : i32
        %max3A_845 = vector.broadcast %max3A_844 : i32 to vector<16xi32>
        %max3A_846 = arith.maxsi %sub3A_843, %max3A_845 : vector<16xi32>
        %add3A_847 = arith.constant 32 : i32
        %add3A_848 = vector.broadcast %add3A_847 : i32 to vector<16xi32>
        %add3A_849 = arith.addi %iota3A, %add3A_848 : vector<16xi32>
        %ge3A_850 = arith.constant 126 : i32
        %ge3A_851 = vector.broadcast %ge3A_850 : i32 to vector<16xi32>
        %ge3A_852 = arith.cmpi sge, %convert_element_type3A_840, %ge3A_851 : vector<16xi32>
        tpu.vector_store_idx %arg6[%max3A_846, %add3A_849], %broadcast_in_dim3A_11 masked %ge3A_852 : memref<128x128xf32, #tpu.memory_space<vmem>>[vector<16xi32>, vector<16xi32>], vector<16xf32>, vector<16xi1>
        %add3A_853 = arith.constant 50 : i32
        %add3A_854 = arith.addi %add3A_853, %sub3A_798 : i32
        %get3A_855 = arith.index_cast %add3A_854 : i32 to index
        %get3A_856 = arith.constant 48 : index
        %get3A_857 = tpu.vector_load %arg4[%get3A_855, %get3A_856] {strides = array<i32>} : memref<100x128xf32, #tpu.memory_space<vmem>>, vector<16xf32>,
        %convert_element_type3A_858 = arith.fptosi %get3A_857 : vector<16xf32> to vector<16xi32>
        %sub3A_859 = arith.constant 126 : i32
        %sub3A_860 = vector.broadcast %sub3A_859 : i32 to vector<16xi32>
        %sub3A_861 = arith.subi %convert_element_type3A_858, %sub3A_860 : vector<16xi32>
        %max3A_862 = arith.constant 0 : i32
        %max3A_863 = vector.broadcast %max3A_862 : i32 to vector<16xi32>
        %max3A_864 = arith.maxsi %sub3A_861, %max3A_863 : vector<16xi32>
        %add3A_865 = arith.constant 48 : i32
        %add3A_866 = vector.broadcast %add3A_865 : i32 to vector<16xi32>
        %add3A_867 = arith.addi %iota3A, %add3A_866 : vector<16xi32>
        %ge3A_868 = arith.constant 126 : i32
        %ge3A_869 = vector.broadcast %ge3A_868 : i32 to vector<16xi32>
        %ge3A_870 = arith.cmpi sge, %convert_element_type3A_858, %ge3A_869 : vector<16xi32>
        tpu.vector_store_idx %arg6[%max3A_864, %add3A_867], %broadcast_in_dim3A_11 masked %ge3A_870 : memref<128x128xf32, #tpu.memory_space<vmem>>[vector<16xi32>, vector<16xi32>], vector<16xf32>, vector<16xi1>
        %add3A_871 = arith.constant 50 : i32
        %add3A_872 = arith.addi %add3A_871, %sub3A_798 : i32
        %get3A_873 = arith.index_cast %add3A_872 : i32 to index
        %get3A_874 = arith.constant 64 : index
        %get3A_875 = tpu.vector_load %arg4[%get3A_873, %get3A_874] {strides = array<i32>} : memref<100x128xf32, #tpu.memory_space<vmem>>, vector<16xf32>,
        %convert_element_type3A_876 = arith.fptosi %get3A_875 : vector<16xf32> to vector<16xi32>
        %sub3A_877 = arith.constant 126 : i32
        %sub3A_878 = vector.broadcast %sub3A_877 : i32 to vector<16xi32>
        %sub3A_879 = arith.subi %convert_element_type3A_876, %sub3A_878 : vector<16xi32>
        %max3A_880 = arith.constant 0 : i32
        %max3A_881 = vector.broadcast %max3A_880 : i32 to vector<16xi32>
        %max3A_882 = arith.maxsi %sub3A_879, %max3A_881 : vector<16xi32>
        %add3A_883 = arith.constant 64 : i32
        %add3A_884 = vector.broadcast %add3A_883 : i32 to vector<16xi32>
        %add3A_885 = arith.addi %iota3A, %add3A_884 : vector<16xi32>
        %ge3A_886 = arith.constant 126 : i32
        %ge3A_887 = vector.broadcast %ge3A_886 : i32 to vector<16xi32>
        %ge3A_888 = arith.cmpi sge, %convert_element_type3A_876, %ge3A_887 : vector<16xi32>
        tpu.vector_store_idx %arg6[%max3A_882, %add3A_885], %broadcast_in_dim3A_11 masked %ge3A_888 : memref<128x128xf32, #tpu.memory_space<vmem>>[vector<16xi32>, vector<16xi32>], vector<16xf32>, vector<16xi1>
        %add3A_889 = arith.constant 50 : i32
        %add3A_890 = arith.addi %add3A_889, %sub3A_798 : i32
        %get3A_891 = arith.index_cast %add3A_890 : i32 to index
        %get3A_892 = arith.constant 80 : index
        %get3A_893 = tpu.vector_load %arg4[%get3A_891, %get3A_892] {strides = array<i32>} : memref<100x128xf32, #tpu.memory_space<vmem>>, vector<16xf32>,
        %convert_element_type3A_894 = arith.fptosi %get3A_893 : vector<16xf32> to vector<16xi32>
        %sub3A_895 = arith.constant 126 : i32
        %sub3A_896 = vector.broadcast %sub3A_895 : i32 to vector<16xi32>
        %sub3A_897 = arith.subi %convert_element_type3A_894, %sub3A_896 : vector<16xi32>
        %max3A_898 = arith.constant 0 : i32
        %max3A_899 = vector.broadcast %max3A_898 : i32 to vector<16xi32>
        %max3A_900 = arith.maxsi %sub3A_897, %max3A_899 : vector<16xi32>
        %add3A_901 = arith.constant 80 : i32
        %add3A_902 = vector.broadcast %add3A_901 : i32 to vector<16xi32>
        %add3A_903 = arith.addi %iota3A, %add3A_902 : vector<16xi32>
        %ge3A_904 = arith.constant 126 : i32
        %ge3A_905 = vector.broadcast %ge3A_904 : i32 to vector<16xi32>
        %ge3A_906 = arith.cmpi sge, %convert_element_type3A_894, %ge3A_905 : vector<16xi32>
        tpu.vector_store_idx %arg6[%max3A_900, %add3A_903], %broadcast_in_dim3A_11 masked %ge3A_906 : memref<128x128xf32, #tpu.memory_space<vmem>>[vector<16xi32>, vector<16xi32>], vector<16xf32>, vector<16xi1>
        %add3A_907 = arith.constant 50 : i32
        %add3A_908 = arith.addi %add3A_907, %sub3A_798 : i32
        %get3A_909 = arith.index_cast %add3A_908 : i32 to index
        %get3A_910 = arith.constant 96 : index
        %get3A_911 = tpu.vector_load %arg4[%get3A_909, %get3A_910] {strides = array<i32>} : memref<100x128xf32, #tpu.memory_space<vmem>>, vector<16xf32>,
        %convert_element_type3A_912 = arith.fptosi %get3A_911 : vector<16xf32> to vector<16xi32>
        %sub3A_913 = arith.constant 126 : i32
        %sub3A_914 = vector.broadcast %sub3A_913 : i32 to vector<16xi32>
        %sub3A_915 = arith.subi %convert_element_type3A_912, %sub3A_914 : vector<16xi32>
        %max3A_916 = arith.constant 0 : i32
        %max3A_917 = vector.broadcast %max3A_916 : i32 to vector<16xi32>
        %max3A_918 = arith.maxsi %sub3A_915, %max3A_917 : vector<16xi32>
        %add3A_919 = arith.constant 96 : i32
        %add3A_920 = vector.broadcast %add3A_919 : i32 to vector<16xi32>
        %add3A_921 = arith.addi %iota3A, %add3A_920 : vector<16xi32>
        %ge3A_922 = arith.constant 126 : i32
        %ge3A_923 = vector.broadcast %ge3A_922 : i32 to vector<16xi32>
        %ge3A_924 = arith.cmpi sge, %convert_element_type3A_912, %ge3A_923 : vector<16xi32>
        tpu.vector_store_idx %arg6[%max3A_918, %add3A_921], %broadcast_in_dim3A_11 masked %ge3A_924 : memref<128x128xf32, #tpu.memory_space<vmem>>[vector<16xi32>, vector<16xi32>], vector<16xf32>, vector<16xi1>
        %add3A_925 = arith.constant 50 : i32
        %add3A_926 = arith.addi %add3A_925, %sub3A_798 : i32
        %get3A_927 = arith.index_cast %add3A_926 : i32 to index
        %get3A_928 = arith.constant 112 : index
        %get3A_929 = tpu.vector_load %arg4[%get3A_927, %get3A_928] {strides = array<i32>} : memref<100x128xf32, #tpu.memory_space<vmem>>, vector<16xf32>,
        %convert_element_type3A_930 = arith.fptosi %get3A_929 : vector<16xf32> to vector<16xi32>
        %sub3A_931 = arith.constant 126 : i32
        %sub3A_932 = vector.broadcast %sub3A_931 : i32 to vector<16xi32>
        %sub3A_933 = arith.subi %convert_element_type3A_930, %sub3A_932 : vector<16xi32>
        %max3A_934 = arith.constant 0 : i32
        %max3A_935 = vector.broadcast %max3A_934 : i32 to vector<16xi32>
        %max3A_936 = arith.maxsi %sub3A_933, %max3A_935 : vector<16xi32>
        %add3A_937 = arith.constant 112 : i32
        %add3A_938 = vector.broadcast %add3A_937 : i32 to vector<16xi32>
        %add3A_939 = arith.addi %iota3A, %add3A_938 : vector<16xi32>
        %ge3A_940 = arith.constant 126 : i32
        %ge3A_941 = vector.broadcast %ge3A_940 : i32 to vector<16xi32>
        %ge3A_942 = arith.cmpi sge, %convert_element_type3A_930, %ge3A_941 : vector<16xi32>
        tpu.vector_store_idx %arg6[%max3A_936, %add3A_939], %broadcast_in_dim3A_11 masked %ge3A_942 : memref<128x128xf32, #tpu.memory_space<vmem>>[vector<16xi32>, vector<16xi32>], vector<16xf32>, vector<16xi1>
      } else {
      }
      %add3A_478 = arith.constant 50 : i32
      %add3A_479 = arith.addi %add3A_478, %mul3A_465 : i32
      %get3A_480 = arith.index_cast %add3A_479 : i32 to index
      %get3A_481 = arith.constant 0 : index
      %get3A_482 = tpu.vector_load %arg4[%get3A_480, %get3A_481] {strides = array<i32>} : memref<100x128xf32, #tpu.memory_space<vmem>>, vector<16xf32>,
      %convert_element_type3A_483 = arith.fptosi %get3A_482 : vector<16xf32> to vector<16xi32>
      %add3A_484 = arith.constant 2 : i32
      %add3A_485 = vector.broadcast %add3A_484 : i32 to vector<16xi32>
      %add3A_486 = arith.addi %convert_element_type3A_483, %add3A_485 : vector<16xi32>
      %min3A_487 = arith.constant 127 : i32
      %min3A_488 = vector.broadcast %min3A_487 : i32 to vector<16xi32>
      %min3A_489 = arith.minsi %add3A_486, %min3A_488 : vector<16xi32>
      %add3A_490 = arith.constant 0 : i32
      %add3A_491 = vector.broadcast %add3A_490 : i32 to vector<16xi32>
      %add3A_492 = arith.addi %iota3A, %add3A_491 : vector<16xi32>
      %lt3A_493 = arith.constant 126 : i32
      %lt3A_494 = vector.broadcast %lt3A_493 : i32 to vector<16xi32>
      %lt3A_495 = arith.cmpi slt, %convert_element_type3A_483, %lt3A_494 : vector<16xi32>
      tpu.vector_store_idx %arg6[%min3A_489, %add3A_492], %broadcast_in_dim3A_11 masked %lt3A_495 : memref<128x128xf32, #tpu.memory_space<vmem>>[vector<16xi32>, vector<16xi32>], vector<16xf32>, vector<16xi1>
      %add3A_496 = arith.constant 50 : i32
      %add3A_497 = arith.addi %add3A_496, %mul3A_465 : i32
      %get3A_498 = arith.index_cast %add3A_497 : i32 to index
      %get3A_499 = arith.constant 16 : index
      %get3A_500 = tpu.vector_load %arg4[%get3A_498, %get3A_499] {strides = array<i32>} : memref<100x128xf32, #tpu.memory_space<vmem>>, vector<16xf32>,
      %convert_element_type3A_501 = arith.fptosi %get3A_500 : vector<16xf32> to vector<16xi32>
      %add3A_502 = arith.constant 2 : i32
      %add3A_503 = vector.broadcast %add3A_502 : i32 to vector<16xi32>
      %add3A_504 = arith.addi %convert_element_type3A_501, %add3A_503 : vector<16xi32>
      %min3A_505 = arith.constant 127 : i32
      %min3A_506 = vector.broadcast %min3A_505 : i32 to vector<16xi32>
      %min3A_507 = arith.minsi %add3A_504, %min3A_506 : vector<16xi32>
      %add3A_508 = arith.constant 16 : i32
      %add3A_509 = vector.broadcast %add3A_508 : i32 to vector<16xi32>
      %add3A_510 = arith.addi %iota3A, %add3A_509 : vector<16xi32>
      %lt3A_511 = arith.constant 126 : i32
      %lt3A_512 = vector.broadcast %lt3A_511 : i32 to vector<16xi32>
      %lt3A_513 = arith.cmpi slt, %convert_element_type3A_501, %lt3A_512 : vector<16xi32>
      tpu.vector_store_idx %arg6[%min3A_507, %add3A_510], %broadcast_in_dim3A_11 masked %lt3A_513 : memref<128x128xf32, #tpu.memory_space<vmem>>[vector<16xi32>, vector<16xi32>], vector<16xf32>, vector<16xi1>
      %add3A_514 = arith.constant 50 : i32
      %add3A_515 = arith.addi %add3A_514, %mul3A_465 : i32
      %get3A_516 = arith.index_cast %add3A_515 : i32 to index
      %get3A_517 = arith.constant 32 : index
      %get3A_518 = tpu.vector_load %arg4[%get3A_516, %get3A_517] {strides = array<i32>} : memref<100x128xf32, #tpu.memory_space<vmem>>, vector<16xf32>,
      %convert_element_type3A_519 = arith.fptosi %get3A_518 : vector<16xf32> to vector<16xi32>
      %add3A_520 = arith.constant 2 : i32
      %add3A_521 = vector.broadcast %add3A_520 : i32 to vector<16xi32>
      %add3A_522 = arith.addi %convert_element_type3A_519, %add3A_521 : vector<16xi32>
      %min3A_523 = arith.constant 127 : i32
      %min3A_524 = vector.broadcast %min3A_523 : i32 to vector<16xi32>
      %min3A_525 = arith.minsi %add3A_522, %min3A_524 : vector<16xi32>
      %add3A_526 = arith.constant 32 : i32
      %add3A_527 = vector.broadcast %add3A_526 : i32 to vector<16xi32>
      %add3A_528 = arith.addi %iota3A, %add3A_527 : vector<16xi32>
      %lt3A_529 = arith.constant 126 : i32
      %lt3A_530 = vector.broadcast %lt3A_529 : i32 to vector<16xi32>
      %lt3A_531 = arith.cmpi slt, %convert_element_type3A_519, %lt3A_530 : vector<16xi32>
      tpu.vector_store_idx %arg6[%min3A_525, %add3A_528], %broadcast_in_dim3A_11 masked %lt3A_531 : memref<128x128xf32, #tpu.memory_space<vmem>>[vector<16xi32>, vector<16xi32>], vector<16xf32>, vector<16xi1>
      %add3A_532 = arith.constant 50 : i32
      %add3A_533 = arith.addi %add3A_532, %mul3A_465 : i32
      %get3A_534 = arith.index_cast %add3A_533 : i32 to index
      %get3A_535 = arith.constant 48 : index
      %get3A_536 = tpu.vector_load %arg4[%get3A_534, %get3A_535] {strides = array<i32>} : memref<100x128xf32, #tpu.memory_space<vmem>>, vector<16xf32>,
      %convert_element_type3A_537 = arith.fptosi %get3A_536 : vector<16xf32> to vector<16xi32>
      %add3A_538 = arith.constant 2 : i32
      %add3A_539 = vector.broadcast %add3A_538 : i32 to vector<16xi32>
      %add3A_540 = arith.addi %convert_element_type3A_537, %add3A_539 : vector<16xi32>
      %min3A_541 = arith.constant 127 : i32
      %min3A_542 = vector.broadcast %min3A_541 : i32 to vector<16xi32>
      %min3A_543 = arith.minsi %add3A_540, %min3A_542 : vector<16xi32>
      %add3A_544 = arith.constant 48 : i32
      %add3A_545 = vector.broadcast %add3A_544 : i32 to vector<16xi32>
      %add3A_546 = arith.addi %iota3A, %add3A_545 : vector<16xi32>
      %lt3A_547 = arith.constant 126 : i32
      %lt3A_548 = vector.broadcast %lt3A_547 : i32 to vector<16xi32>
      %lt3A_549 = arith.cmpi slt, %convert_element_type3A_537, %lt3A_548 : vector<16xi32>
      tpu.vector_store_idx %arg6[%min3A_543, %add3A_546], %broadcast_in_dim3A_11 masked %lt3A_549 : memref<128x128xf32, #tpu.memory_space<vmem>>[vector<16xi32>, vector<16xi32>], vector<16xf32>, vector<16xi1>
      %add3A_550 = arith.constant 50 : i32
      %add3A_551 = arith.addi %add3A_550, %mul3A_465 : i32
      %get3A_552 = arith.index_cast %add3A_551 : i32 to index
      %get3A_553 = arith.constant 64 : index
      %get3A_554 = tpu.vector_load %arg4[%get3A_552, %get3A_553] {strides = array<i32>} : memref<100x128xf32, #tpu.memory_space<vmem>>, vector<16xf32>,
      %convert_element_type3A_555 = arith.fptosi %get3A_554 : vector<16xf32> to vector<16xi32>
      %add3A_556 = arith.constant 2 : i32
      %add3A_557 = vector.broadcast %add3A_556 : i32 to vector<16xi32>
      %add3A_558 = arith.addi %convert_element_type3A_555, %add3A_557 : vector<16xi32>
      %min3A_559 = arith.constant 127 : i32
      %min3A_560 = vector.broadcast %min3A_559 : i32 to vector<16xi32>
      %min3A_561 = arith.minsi %add3A_558, %min3A_560 : vector<16xi32>
      %add3A_562 = arith.constant 64 : i32
      %add3A_563 = vector.broadcast %add3A_562 : i32 to vector<16xi32>
      %add3A_564 = arith.addi %iota3A, %add3A_563 : vector<16xi32>
      %lt3A_565 = arith.constant 126 : i32
      %lt3A_566 = vector.broadcast %lt3A_565 : i32 to vector<16xi32>
      %lt3A_567 = arith.cmpi slt, %convert_element_type3A_555, %lt3A_566 : vector<16xi32>
      tpu.vector_store_idx %arg6[%min3A_561, %add3A_564], %broadcast_in_dim3A_11 masked %lt3A_567 : memref<128x128xf32, #tpu.memory_space<vmem>>[vector<16xi32>, vector<16xi32>], vector<16xf32>, vector<16xi1>
      %add3A_568 = arith.constant 50 : i32
      %add3A_569 = arith.addi %add3A_568, %mul3A_465 : i32
      %get3A_570 = arith.index_cast %add3A_569 : i32 to index
      %get3A_571 = arith.constant 80 : index
      %get3A_572 = tpu.vector_load %arg4[%get3A_570, %get3A_571] {strides = array<i32>} : memref<100x128xf32, #tpu.memory_space<vmem>>, vector<16xf32>,
      %convert_element_type3A_573 = arith.fptosi %get3A_572 : vector<16xf32> to vector<16xi32>
      %add3A_574 = arith.constant 2 : i32
      %add3A_575 = vector.broadcast %add3A_574 : i32 to vector<16xi32>
      %add3A_576 = arith.addi %convert_element_type3A_573, %add3A_575 : vector<16xi32>
      %min3A_577 = arith.constant 127 : i32
      %min3A_578 = vector.broadcast %min3A_577 : i32 to vector<16xi32>
      %min3A_579 = arith.minsi %add3A_576, %min3A_578 : vector<16xi32>
      %add3A_580 = arith.constant 80 : i32
      %add3A_581 = vector.broadcast %add3A_580 : i32 to vector<16xi32>
      %add3A_582 = arith.addi %iota3A, %add3A_581 : vector<16xi32>
      %lt3A_583 = arith.constant 126 : i32
      %lt3A_584 = vector.broadcast %lt3A_583 : i32 to vector<16xi32>
      %lt3A_585 = arith.cmpi slt, %convert_element_type3A_573, %lt3A_584 : vector<16xi32>
      tpu.vector_store_idx %arg6[%min3A_579, %add3A_582], %broadcast_in_dim3A_11 masked %lt3A_585 : memref<128x128xf32, #tpu.memory_space<vmem>>[vector<16xi32>, vector<16xi32>], vector<16xf32>, vector<16xi1>
      %add3A_586 = arith.constant 50 : i32
      %add3A_587 = arith.addi %add3A_586, %mul3A_465 : i32
      %get3A_588 = arith.index_cast %add3A_587 : i32 to index
      %get3A_589 = arith.constant 96 : index
      %get3A_590 = tpu.vector_load %arg4[%get3A_588, %get3A_589] {strides = array<i32>} : memref<100x128xf32, #tpu.memory_space<vmem>>, vector<16xf32>,
      %convert_element_type3A_591 = arith.fptosi %get3A_590 : vector<16xf32> to vector<16xi32>
      %add3A_592 = arith.constant 2 : i32
      %add3A_593 = vector.broadcast %add3A_592 : i32 to vector<16xi32>
      %add3A_594 = arith.addi %convert_element_type3A_591, %add3A_593 : vector<16xi32>
      %min3A_595 = arith.constant 127 : i32
      %min3A_596 = vector.broadcast %min3A_595 : i32 to vector<16xi32>
      %min3A_597 = arith.minsi %add3A_594, %min3A_596 : vector<16xi32>
      %add3A_598 = arith.constant 96 : i32
      %add3A_599 = vector.broadcast %add3A_598 : i32 to vector<16xi32>
      %add3A_600 = arith.addi %iota3A, %add3A_599 : vector<16xi32>
      %lt3A_601 = arith.constant 126 : i32
      %lt3A_602 = vector.broadcast %lt3A_601 : i32 to vector<16xi32>
      %lt3A_603 = arith.cmpi slt, %convert_element_type3A_591, %lt3A_602 : vector<16xi32>
      tpu.vector_store_idx %arg6[%min3A_597, %add3A_600], %broadcast_in_dim3A_11 masked %lt3A_603 : memref<128x128xf32, #tpu.memory_space<vmem>>[vector<16xi32>, vector<16xi32>], vector<16xf32>, vector<16xi1>
      %add3A_604 = arith.constant 50 : i32
      %add3A_605 = arith.addi %add3A_604, %mul3A_465 : i32
      %get3A_606 = arith.index_cast %add3A_605 : i32 to index
      %get3A_607 = arith.constant 112 : index
      %get3A_608 = tpu.vector_load %arg4[%get3A_606, %get3A_607] {strides = array<i32>} : memref<100x128xf32, #tpu.memory_space<vmem>>, vector<16xf32>,
      %convert_element_type3A_609 = arith.fptosi %get3A_608 : vector<16xf32> to vector<16xi32>
      %add3A_610 = arith.constant 2 : i32
      %add3A_611 = vector.broadcast %add3A_610 : i32 to vector<16xi32>
      %add3A_612 = arith.addi %convert_element_type3A_609, %add3A_611 : vector<16xi32>
      %min3A_613 = arith.constant 127 : i32
      %min3A_614 = vector.broadcast %min3A_613 : i32 to vector<16xi32>
      %min3A_615 = arith.minsi %add3A_612, %min3A_614 : vector<16xi32>
      %add3A_616 = arith.constant 112 : i32
      %add3A_617 = vector.broadcast %add3A_616 : i32 to vector<16xi32>
      %add3A_618 = arith.addi %iota3A, %add3A_617 : vector<16xi32>
      %lt3A_619 = arith.constant 126 : i32
      %lt3A_620 = vector.broadcast %lt3A_619 : i32 to vector<16xi32>
      %lt3A_621 = arith.cmpi slt, %convert_element_type3A_609, %lt3A_620 : vector<16xi32>
      tpu.vector_store_idx %arg6[%min3A_615, %add3A_618], %broadcast_in_dim3A_11 masked %lt3A_621 : memref<128x128xf32, #tpu.memory_space<vmem>>[vector<16xi32>, vector<16xi32>], vector<16xf32>, vector<16xi1>
      %mul3A_622 = arith.constant 128 : i32
      %mul3A_623 = arith.muli %mul3A_465, %mul3A_622 : i32
      %add3A_624 = arith.constant 48 : i32
      %add3A_625 = arith.addi %add3A_624, %mul3A_623 : i32
      %dma_start3A_626 = tpu.memref_slice %arg3[%add3A_625, %mul3A_2] : memref<6450x4096xf32, #tpu.memory_space<hbm>> -> memref<128x128xf32, #tpu.memory_space<hbm>>
      %dma_start3A_627 = tpu.memref_slice %arg3[%add3A_625, %mul3A_2] : memref<6450x4096xf32, #tpu.memory_space<hbm>> -> memref<128x128xf32, #tpu.memory_space<hbm>>
      tpu.enqueue_dma source(%arg6 : memref<128x128xf32, #tpu.memory_space<vmem>>) target(%dma_start3A_627 : memref<128x128xf32, #tpu.memory_space<hbm>>) target_semaphore(%arg10 : memref<!tpu.dma_semaphore, #tpu.memory_space<semaphore_mem>>)
      %mul3A_628 = arith.constant 2 : i32
      %mul3A_629 = arith.muli %mul3A_628, %scan3A_463 : i32
      %add3A_630 = arith.constant 1 : i32
      %add3A_631 = arith.addi %mul3A_629, %add3A_630 : i32
      %ge3A_632 = arith.constant 2 : i32
      %ge3A_633 = arith.cmpi sge, %add3A_631, %ge3A_632 : i32
      %convert_element_type3A_634 = arith.extui %ge3A_633 : i1 to i32
      %cond3A_635 = arith.constant 0 : i32
      %cond3A_636 = arith.cmpi ne, %convert_element_type3A_634, %cond3A_635 : i32
      scf.if %cond3A_636 {
        %dma_wait3A_797 = arith.constant 0 : i32
        %dma_wait3A_798 = tpu.memref_slice %arg3[%dma_wait3A_797, %mul3A_2] : memref<6450x4096xf32, #tpu.memory_space<hbm>> -> memref<128x128xf32, #tpu.memory_space<hbm>>
        %dma_wait3A_799 = arith.constant 0 : i32
        %dma_wait3A_800 = tpu.memref_slice %arg3[%dma_wait3A_799, %mul3A_2] : memref<6450x4096xf32, #tpu.memory_space<hbm>> -> memref<128x128xf32, #tpu.memory_space<hbm>>
        tpu.wait_dma2 semaphore(%arg11 : memref<!tpu.dma_semaphore, #tpu.memory_space<semaphore_mem>>) src(%arg7 : memref<128x128xf32, #tpu.memory_space<vmem>>) dst(%dma_wait3A_800 : memref<128x128xf32, #tpu.memory_space<hbm>>)
        %sub3A_801 = arith.constant 2 : i32
        %sub3A_802 = arith.subi %add3A_631, %sub3A_801 : i32
        %eq3A_803 = arith.constant 0 : i32
        %eq3A_804 = arith.cmpi eq, %sub3A_802, %eq3A_803 : i32
        %convert_element_type3A_805 = arith.extui %eq3A_804 : i1 to i32
        %cond3A_806 = arith.constant 0 : i32
        %cond3A_807 = arith.cmpi ne, %convert_element_type3A_805, %cond3A_806 : i32
        scf.if %cond3A_807 {
          %swap3A = arith.constant 0 : i32
          %swap3A_957 = arith.index_cast %swap3A : i32 to index
          %swap3A_958 = arith.constant 0 : index
          %swap3A_959 = tpu.vector_load %arg7[%swap3A_957, %swap3A_958] {strides = array<i32>} : memref<128x128xf32, #tpu.memory_space<vmem>>, vector<16xf32>,
          tpu.vector_store %arg7[%swap3A_957, %swap3A_958], %broadcast_in_dim3A_9 {strides = array<i32>} : memref<128x128xf32, #tpu.memory_space<vmem>>, vector<16xf32>,
          %swap3A_960 = arith.constant 1 : i32
          %swap3A_961 = arith.index_cast %swap3A_960 : i32 to index
          %swap3A_962 = arith.constant 0 : index
          %swap3A_963 = tpu.vector_load %arg7[%swap3A_961, %swap3A_962] {strides = array<i32>} : memref<128x128xf32, #tpu.memory_space<vmem>>, vector<16xf32>,
          tpu.vector_store %arg7[%swap3A_961, %swap3A_962], %broadcast_in_dim3A_9 {strides = array<i32>} : memref<128x128xf32, #tpu.memory_space<vmem>>, vector<16xf32>,
          %swap3A_964 = arith.constant 0 : i32
          %swap3A_965 = arith.index_cast %swap3A_964 : i32 to index
          %swap3A_966 = arith.constant 16 : index
          %swap3A_967 = tpu.vector_load %arg7[%swap3A_965, %swap3A_966] {strides = array<i32>} : memref<128x128xf32, #tpu.memory_space<vmem>>, vector<16xf32>,
          tpu.vector_store %arg7[%swap3A_965, %swap3A_966], %broadcast_in_dim3A_9 {strides = array<i32>} : memref<128x128xf32, #tpu.memory_space<vmem>>, vector<16xf32>,
          %swap3A_968 = arith.constant 1 : i32
          %swap3A_969 = arith.index_cast %swap3A_968 : i32 to index
          %swap3A_970 = arith.constant 16 : index
          %swap3A_971 = tpu.vector_load %arg7[%swap3A_969, %swap3A_970] {strides = array<i32>} : memref<128x128xf32, #tpu.memory_space<vmem>>, vector<16xf32>,
          tpu.vector_store %arg7[%swap3A_969, %swap3A_970], %broadcast_in_dim3A_9 {strides = array<i32>} : memref<128x128xf32, #tpu.memory_space<vmem>>, vector<16xf32>,
          %swap3A_972 = arith.constant 0 : i32
          %swap3A_973 = arith.index_cast %swap3A_972 : i32 to index
          %swap3A_974 = arith.constant 32 : index
          %swap3A_975 = tpu.vector_load %arg7[%swap3A_973, %swap3A_974] {strides = array<i32>} : memref<128x128xf32, #tpu.memory_space<vmem>>, vector<16xf32>,
          tpu.vector_store %arg7[%swap3A_973, %swap3A_974], %broadcast_in_dim3A_9 {strides = array<i32>} : memref<128x128xf32, #tpu.memory_space<vmem>>, vector<16xf32>,
          %swap3A_976 = arith.constant 1 : i32
          %swap3A_977 = arith.index_cast %swap3A_976 : i32 to index
          %swap3A_978 = arith.constant 32 : index
          %swap3A_979 = tpu.vector_load %arg7[%swap3A_977, %swap3A_978] {strides = array<i32>} : memref<128x128xf32, #tpu.memory_space<vmem>>, vector<16xf32>,
          tpu.vector_store %arg7[%swap3A_977, %swap3A_978], %broadcast_in_dim3A_9 {strides = array<i32>} : memref<128x128xf32, #tpu.memory_space<vmem>>, vector<16xf32>,
          %swap3A_980 = arith.constant 0 : i32
          %swap3A_981 = arith.index_cast %swap3A_980 : i32 to index
          %swap3A_982 = arith.constant 48 : index
          %swap3A_983 = tpu.vector_load %arg7[%swap3A_981, %swap3A_982] {strides = array<i32>} : memref<128x128xf32, #tpu.memory_space<vmem>>, vector<16xf32>,
          tpu.vector_store %arg7[%swap3A_981, %swap3A_982], %broadcast_in_dim3A_9 {strides = array<i32>} : memref<128x128xf32, #tpu.memory_space<vmem>>, vector<16xf32>,
          %swap3A_984 = arith.constant 1 : i32
          %swap3A_985 = arith.index_cast %swap3A_984 : i32 to index
          %swap3A_986 = arith.constant 48 : index
          %swap3A_987 = tpu.vector_load %arg7[%swap3A_985, %swap3A_986] {strides = array<i32>} : memref<128x128xf32, #tpu.memory_space<vmem>>, vector<16xf32>,
          tpu.vector_store %arg7[%swap3A_985, %swap3A_986], %broadcast_in_dim3A_9 {strides = array<i32>} : memref<128x128xf32, #tpu.memory_space<vmem>>, vector<16xf32>,
          %swap3A_988 = arith.constant 0 : i32
          %swap3A_989 = arith.index_cast %swap3A_988 : i32 to index
          %swap3A_990 = arith.constant 64 : index
          %swap3A_991 = tpu.vector_load %arg7[%swap3A_989, %swap3A_990] {strides = array<i32>} : memref<128x128xf32, #tpu.memory_space<vmem>>, vector<16xf32>,
          tpu.vector_store %arg7[%swap3A_989, %swap3A_990], %broadcast_in_dim3A_9 {strides = array<i32>} : memref<128x128xf32, #tpu.memory_space<vmem>>, vector<16xf32>,
          %swap3A_992 = arith.constant 1 : i32
          %swap3A_993 = arith.index_cast %swap3A_992 : i32 to index
          %swap3A_994 = arith.constant 64 : index
          %swap3A_995 = tpu.vector_load %arg7[%swap3A_993, %swap3A_994] {strides = array<i32>} : memref<128x128xf32, #tpu.memory_space<vmem>>, vector<16xf32>,
          tpu.vector_store %arg7[%swap3A_993, %swap3A_994], %broadcast_in_dim3A_9 {strides = array<i32>} : memref<128x128xf32, #tpu.memory_space<vmem>>, vector<16xf32>,
          %swap3A_996 = arith.constant 0 : i32
          %swap3A_997 = arith.index_cast %swap3A_996 : i32 to index
          %swap3A_998 = arith.constant 80 : index
          %swap3A_999 = tpu.vector_load %arg7[%swap3A_997, %swap3A_998] {strides = array<i32>} : memref<128x128xf32, #tpu.memory_space<vmem>>, vector<16xf32>,
          tpu.vector_store %arg7[%swap3A_997, %swap3A_998], %broadcast_in_dim3A_9 {strides = array<i32>} : memref<128x128xf32, #tpu.memory_space<vmem>>, vector<16xf32>,
          %swap3A_1000 = arith.constant 1 : i32
          %swap3A_1001 = arith.index_cast %swap3A_1000 : i32 to index
          %swap3A_1002 = arith.constant 80 : index
          %swap3A_1003 = tpu.vector_load %arg7[%swap3A_1001, %swap3A_1002] {strides = array<i32>} : memref<128x128xf32, #tpu.memory_space<vmem>>, vector<16xf32>,
          tpu.vector_store %arg7[%swap3A_1001, %swap3A_1002], %broadcast_in_dim3A_9 {strides = array<i32>} : memref<128x128xf32, #tpu.memory_space<vmem>>, vector<16xf32>,
          %swap3A_1004 = arith.constant 0 : i32
          %swap3A_1005 = arith.index_cast %swap3A_1004 : i32 to index
          %swap3A_1006 = arith.constant 96 : index
          %swap3A_1007 = tpu.vector_load %arg7[%swap3A_1005, %swap3A_1006] {strides = array<i32>} : memref<128x128xf32, #tpu.memory_space<vmem>>, vector<16xf32>,
          tpu.vector_store %arg7[%swap3A_1005, %swap3A_1006], %broadcast_in_dim3A_9 {strides = array<i32>} : memref<128x128xf32, #tpu.memory_space<vmem>>, vector<16xf32>,
          %swap3A_1008 = arith.constant 1 : i32
          %swap3A_1009 = arith.index_cast %swap3A_1008 : i32 to index
          %swap3A_1010 = arith.constant 96 : index
          %swap3A_1011 = tpu.vector_load %arg7[%swap3A_1009, %swap3A_1010] {strides = array<i32>} : memref<128x128xf32, #tpu.memory_space<vmem>>, vector<16xf32>,
          tpu.vector_store %arg7[%swap3A_1009, %swap3A_1010], %broadcast_in_dim3A_9 {strides = array<i32>} : memref<128x128xf32, #tpu.memory_space<vmem>>, vector<16xf32>,
          %swap3A_1012 = arith.constant 0 : i32
          %swap3A_1013 = arith.index_cast %swap3A_1012 : i32 to index
          %swap3A_1014 = arith.constant 112 : index
          %swap3A_1015 = tpu.vector_load %arg7[%swap3A_1013, %swap3A_1014] {strides = array<i32>} : memref<128x128xf32, #tpu.memory_space<vmem>>, vector<16xf32>,
          tpu.vector_store %arg7[%swap3A_1013, %swap3A_1014], %broadcast_in_dim3A_9 {strides = array<i32>} : memref<128x128xf32, #tpu.memory_space<vmem>>, vector<16xf32>,
          %swap3A_1016 = arith.constant 1 : i32
          %swap3A_1017 = arith.index_cast %swap3A_1016 : i32 to index
          %swap3A_1018 = arith.constant 112 : index
          %swap3A_1019 = tpu.vector_load %arg7[%swap3A_1017, %swap3A_1018] {strides = array<i32>} : memref<128x128xf32, #tpu.memory_space<vmem>>, vector<16xf32>,
          tpu.vector_store %arg7[%swap3A_1017, %swap3A_1018], %broadcast_in_dim3A_9 {strides = array<i32>} : memref<128x128xf32, #tpu.memory_space<vmem>>, vector<16xf32>,
        } else {
        }
        %gt3A_808 = arith.constant 0 : i32
        %gt3A_809 = arith.cmpi sgt, %sub3A_802, %gt3A_808 : i32
        %convert_element_type3A_810 = arith.extui %gt3A_809 : i1 to i32
        %cond3A_811 = arith.constant 0 : i32
        %cond3A_812 = arith.cmpi ne, %convert_element_type3A_810, %cond3A_811 : i32
        scf.if %cond3A_812 {
          %sub3A_957 = arith.constant 1 : i32
          %sub3A_958 = arith.subi %sub3A_802, %sub3A_957 : i32
          %add3A_959 = arith.constant 50 : i32
          %add3A_960 = arith.addi %add3A_959, %sub3A_958 : i32
          %get3A_961 = arith.index_cast %add3A_960 : i32 to index
          %get3A_962 = arith.constant 0 : index
          %get3A_963 = tpu.vector_load %arg4[%get3A_961, %get3A_962] {strides = array<i32>} : memref<100x128xf32, #tpu.memory_space<vmem>>, vector<16xf32>,
          %convert_element_type3A_964 = arith.fptosi %get3A_963 : vector<16xf32> to vector<16xi32>
          %sub3A_965 = arith.constant 126 : i32
          %sub3A_966 = vector.broadcast %sub3A_965 : i32 to vector<16xi32>
          %sub3A_967 = arith.subi %convert_element_type3A_964, %sub3A_966 : vector<16xi32>
          %max3A_968 = arith.constant 0 : i32
          %max3A_969 = vector.broadcast %max3A_968 : i32 to vector<16xi32>
          %max3A_970 = arith.maxsi %sub3A_967, %max3A_969 : vector<16xi32>
          %add3A_971 = arith.constant 0 : i32
          %add3A_972 = vector.broadcast %add3A_971 : i32 to vector<16xi32>
          %add3A_973 = arith.addi %iota3A, %add3A_972 : vector<16xi32>
          %ge3A_974 = arith.constant 126 : i32
          %ge3A_975 = vector.broadcast %ge3A_974 : i32 to vector<16xi32>
          %ge3A_976 = arith.cmpi sge, %convert_element_type3A_964, %ge3A_975 : vector<16xi32>
          tpu.vector_store_idx %arg7[%max3A_970, %add3A_973], %broadcast_in_dim3A_9 masked %ge3A_976 : memref<128x128xf32, #tpu.memory_space<vmem>>[vector<16xi32>, vector<16xi32>], vector<16xf32>, vector<16xi1>
          %add3A_977 = arith.constant 50 : i32
          %add3A_978 = arith.addi %add3A_977, %sub3A_958 : i32
          %get3A_979 = arith.index_cast %add3A_978 : i32 to index
          %get3A_980 = arith.constant 16 : index
          %get3A_981 = tpu.vector_load %arg4[%get3A_979, %get3A_980] {strides = array<i32>} : memref<100x128xf32, #tpu.memory_space<vmem>>, vector<16xf32>,
          %convert_element_type3A_982 = arith.fptosi %get3A_981 : vector<16xf32> to vector<16xi32>
          %sub3A_983 = arith.constant 126 : i32
          %sub3A_984 = vector.broadcast %sub3A_983 : i32 to vector<16xi32>
          %sub3A_985 = arith.subi %convert_element_type3A_982, %sub3A_984 : vector<16xi32>
          %max3A_986 = arith.constant 0 : i32
          %max3A_987 = vector.broadcast %max3A_986 : i32 to vector<16xi32>
          %max3A_988 = arith.maxsi %sub3A_985, %max3A_987 : vector<16xi32>
          %add3A_989 = arith.constant 16 : i32
          %add3A_990 = vector.broadcast %add3A_989 : i32 to vector<16xi32>
          %add3A_991 = arith.addi %iota3A, %add3A_990 : vector<16xi32>
          %ge3A_992 = arith.constant 126 : i32
          %ge3A_993 = vector.broadcast %ge3A_992 : i32 to vector<16xi32>
          %ge3A_994 = arith.cmpi sge, %convert_element_type3A_982, %ge3A_993 : vector<16xi32>
          tpu.vector_store_idx %arg7[%max3A_988, %add3A_991], %broadcast_in_dim3A_9 masked %ge3A_994 : memref<128x128xf32, #tpu.memory_space<vmem>>[vector<16xi32>, vector<16xi32>], vector<16xf32>, vector<16xi1>
          %add3A_995 = arith.constant 50 : i32
          %add3A_996 = arith.addi %add3A_995, %sub3A_958 : i32
          %get3A_997 = arith.index_cast %add3A_996 : i32 to index
          %get3A_998 = arith.constant 32 : index
          %get3A_999 = tpu.vector_load %arg4[%get3A_997, %get3A_998] {strides = array<i32>} : memref<100x128xf32, #tpu.memory_space<vmem>>, vector<16xf32>,
          %convert_element_type3A_1000 = arith.fptosi %get3A_999 : vector<16xf32> to vector<16xi32>
          %sub3A_1001 = arith.constant 126 : i32
          %sub3A_1002 = vector.broadcast %sub3A_1001 : i32 to vector<16xi32>
          %sub3A_1003 = arith.subi %convert_element_type3A_1000, %sub3A_1002 : vector<16xi32>
          %max3A_1004 = arith.constant 0 : i32
          %max3A_1005 = vector.broadcast %max3A_1004 : i32 to vector<16xi32>
          %max3A_1006 = arith.maxsi %sub3A_1003, %max3A_1005 : vector<16xi32>
          %add3A_1007 = arith.constant 32 : i32
          %add3A_1008 = vector.broadcast %add3A_1007 : i32 to vector<16xi32>
          %add3A_1009 = arith.addi %iota3A, %add3A_1008 : vector<16xi32>
          %ge3A_1010 = arith.constant 126 : i32
          %ge3A_1011 = vector.broadcast %ge3A_1010 : i32 to vector<16xi32>
          %ge3A_1012 = arith.cmpi sge, %convert_element_type3A_1000, %ge3A_1011 : vector<16xi32>
          tpu.vector_store_idx %arg7[%max3A_1006, %add3A_1009], %broadcast_in_dim3A_9 masked %ge3A_1012 : memref<128x128xf32, #tpu.memory_space<vmem>>[vector<16xi32>, vector<16xi32>], vector<16xf32>, vector<16xi1>
          %add3A_1013 = arith.constant 50 : i32
          %add3A_1014 = arith.addi %add3A_1013, %sub3A_958 : i32
          %get3A_1015 = arith.index_cast %add3A_1014 : i32 to index
          %get3A_1016 = arith.constant 48 : index
          %get3A_1017 = tpu.vector_load %arg4[%get3A_1015, %get3A_1016] {strides = array<i32>} : memref<100x128xf32, #tpu.memory_space<vmem>>, vector<16xf32>,
          %convert_element_type3A_1018 = arith.fptosi %get3A_1017 : vector<16xf32> to vector<16xi32>
          %sub3A_1019 = arith.constant 126 : i32
          %sub3A_1020 = vector.broadcast %sub3A_1019 : i32 to vector<16xi32>
          %sub3A_1021 = arith.subi %convert_element_type3A_1018, %sub3A_1020 : vector<16xi32>
          %max3A_1022 = arith.constant 0 : i32
          %max3A_1023 = vector.broadcast %max3A_1022 : i32 to vector<16xi32>
          %max3A_1024 = arith.maxsi %sub3A_1021, %max3A_1023 : vector<16xi32>
          %add3A_1025 = arith.constant 48 : i32
          %add3A_1026 = vector.broadcast %add3A_1025 : i32 to vector<16xi32>
          %add3A_1027 = arith.addi %iota3A, %add3A_1026 : vector<16xi32>
          %ge3A_1028 = arith.constant 126 : i32
          %ge3A_1029 = vector.broadcast %ge3A_1028 : i32 to vector<16xi32>
          %ge3A_1030 = arith.cmpi sge, %convert_element_type3A_1018, %ge3A_1029 : vector<16xi32>
          tpu.vector_store_idx %arg7[%max3A_1024, %add3A_1027], %broadcast_in_dim3A_9 masked %ge3A_1030 : memref<128x128xf32, #tpu.memory_space<vmem>>[vector<16xi32>, vector<16xi32>], vector<16xf32>, vector<16xi1>
          %add3A_1031 = arith.constant 50 : i32
          %add3A_1032 = arith.addi %add3A_1031, %sub3A_958 : i32
          %get3A_1033 = arith.index_cast %add3A_1032 : i32 to index
          %get3A_1034 = arith.constant 64 : index
          %get3A_1035 = tpu.vector_load %arg4[%get3A_1033, %get3A_1034] {strides = array<i32>} : memref<100x128xf32, #tpu.memory_space<vmem>>, vector<16xf32>,
          %convert_element_type3A_1036 = arith.fptosi %get3A_1035 : vector<16xf32> to vector<16xi32>
          %sub3A_1037 = arith.constant 126 : i32
          %sub3A_1038 = vector.broadcast %sub3A_1037 : i32 to vector<16xi32>
          %sub3A_1039 = arith.subi %convert_element_type3A_1036, %sub3A_1038 : vector<16xi32>
          %max3A_1040 = arith.constant 0 : i32
          %max3A_1041 = vector.broadcast %max3A_1040 : i32 to vector<16xi32>
          %max3A_1042 = arith.maxsi %sub3A_1039, %max3A_1041 : vector<16xi32>
          %add3A_1043 = arith.constant 64 : i32
          %add3A_1044 = vector.broadcast %add3A_1043 : i32 to vector<16xi32>
          %add3A_1045 = arith.addi %iota3A, %add3A_1044 : vector<16xi32>
          %ge3A_1046 = arith.constant 126 : i32
          %ge3A_1047 = vector.broadcast %ge3A_1046 : i32 to vector<16xi32>
          %ge3A_1048 = arith.cmpi sge, %convert_element_type3A_1036, %ge3A_1047 : vector<16xi32>
          tpu.vector_store_idx %arg7[%max3A_1042, %add3A_1045], %broadcast_in_dim3A_9 masked %ge3A_1048 : memref<128x128xf32, #tpu.memory_space<vmem>>[vector<16xi32>, vector<16xi32>], vector<16xf32>, vector<16xi1>
          %add3A_1049 = arith.constant 50 : i32
          %add3A_1050 = arith.addi %add3A_1049, %sub3A_958 : i32
          %get3A_1051 = arith.index_cast %add3A_1050 : i32 to index
          %get3A_1052 = arith.constant 80 : index
          %get3A_1053 = tpu.vector_load %arg4[%get3A_1051, %get3A_1052] {strides = array<i32>} : memref<100x128xf32, #tpu.memory_space<vmem>>, vector<16xf32>,
          %convert_element_type3A_1054 = arith.fptosi %get3A_1053 : vector<16xf32> to vector<16xi32>
          %sub3A_1055 = arith.constant 126 : i32
          %sub3A_1056 = vector.broadcast %sub3A_1055 : i32 to vector<16xi32>
          %sub3A_1057 = arith.subi %convert_element_type3A_1054, %sub3A_1056 : vector<16xi32>
          %max3A_1058 = arith.constant 0 : i32
          %max3A_1059 = vector.broadcast %max3A_1058 : i32 to vector<16xi32>
          %max3A_1060 = arith.maxsi %sub3A_1057, %max3A_1059 : vector<16xi32>
          %add3A_1061 = arith.constant 80 : i32
          %add3A_1062 = vector.broadcast %add3A_1061 : i32 to vector<16xi32>
          %add3A_1063 = arith.addi %iota3A, %add3A_1062 : vector<16xi32>
          %ge3A_1064 = arith.constant 126 : i32
          %ge3A_1065 = vector.broadcast %ge3A_1064 : i32 to vector<16xi32>
          %ge3A_1066 = arith.cmpi sge, %convert_element_type3A_1054, %ge3A_1065 : vector<16xi32>
          tpu.vector_store_idx %arg7[%max3A_1060, %add3A_1063], %broadcast_in_dim3A_9 masked %ge3A_1066 : memref<128x128xf32, #tpu.memory_space<vmem>>[vector<16xi32>, vector<16xi32>], vector<16xf32>, vector<16xi1>
          %add3A_1067 = arith.constant 50 : i32
          %add3A_1068 = arith.addi %add3A_1067, %sub3A_958 : i32
          %get3A_1069 = arith.index_cast %add3A_1068 : i32 to index
          %get3A_1070 = arith.constant 96 : index
          %get3A_1071 = tpu.vector_load %arg4[%get3A_1069, %get3A_1070] {strides = array<i32>} : memref<100x128xf32, #tpu.memory_space<vmem>>, vector<16xf32>,
          %convert_element_type3A_1072 = arith.fptosi %get3A_1071 : vector<16xf32> to vector<16xi32>
          %sub3A_1073 = arith.constant 126 : i32
          %sub3A_1074 = vector.broadcast %sub3A_1073 : i32 to vector<16xi32>
          %sub3A_1075 = arith.subi %convert_element_type3A_1072, %sub3A_1074 : vector<16xi32>
          %max3A_1076 = arith.constant 0 : i32
          %max3A_1077 = vector.broadcast %max3A_1076 : i32 to vector<16xi32>
          %max3A_1078 = arith.maxsi %sub3A_1075, %max3A_1077 : vector<16xi32>
          %add3A_1079 = arith.constant 96 : i32
          %add3A_1080 = vector.broadcast %add3A_1079 : i32 to vector<16xi32>
          %add3A_1081 = arith.addi %iota3A, %add3A_1080 : vector<16xi32>
          %ge3A_1082 = arith.constant 126 : i32
          %ge3A_1083 = vector.broadcast %ge3A_1082 : i32 to vector<16xi32>
          %ge3A_1084 = arith.cmpi sge, %convert_element_type3A_1072, %ge3A_1083 : vector<16xi32>
          tpu.vector_store_idx %arg7[%max3A_1078, %add3A_1081], %broadcast_in_dim3A_9 masked %ge3A_1084 : memref<128x128xf32, #tpu.memory_space<vmem>>[vector<16xi32>, vector<16xi32>], vector<16xf32>, vector<16xi1>
          %add3A_1085 = arith.constant 50 : i32
          %add3A_1086 = arith.addi %add3A_1085, %sub3A_958 : i32
          %get3A_1087 = arith.index_cast %add3A_1086 : i32 to index
          %get3A_1088 = arith.constant 112 : index
          %get3A_1089 = tpu.vector_load %arg4[%get3A_1087, %get3A_1088] {strides = array<i32>} : memref<100x128xf32, #tpu.memory_space<vmem>>, vector<16xf32>,
          %convert_element_type3A_1090 = arith.fptosi %get3A_1089 : vector<16xf32> to vector<16xi32>
          %sub3A_1091 = arith.constant 126 : i32
          %sub3A_1092 = vector.broadcast %sub3A_1091 : i32 to vector<16xi32>
          %sub3A_1093 = arith.subi %convert_element_type3A_1090, %sub3A_1092 : vector<16xi32>
          %max3A_1094 = arith.constant 0 : i32
          %max3A_1095 = vector.broadcast %max3A_1094 : i32 to vector<16xi32>
          %max3A_1096 = arith.maxsi %sub3A_1093, %max3A_1095 : vector<16xi32>
          %add3A_1097 = arith.constant 112 : i32
          %add3A_1098 = vector.broadcast %add3A_1097 : i32 to vector<16xi32>
          %add3A_1099 = arith.addi %iota3A, %add3A_1098 : vector<16xi32>
          %ge3A_1100 = arith.constant 126 : i32
          %ge3A_1101 = vector.broadcast %ge3A_1100 : i32 to vector<16xi32>
          %ge3A_1102 = arith.cmpi sge, %convert_element_type3A_1090, %ge3A_1101 : vector<16xi32>
          tpu.vector_store_idx %arg7[%max3A_1096, %add3A_1099], %broadcast_in_dim3A_9 masked %ge3A_1102 : memref<128x128xf32, #tpu.memory_space<vmem>>[vector<16xi32>, vector<16xi32>], vector<16xf32>, vector<16xi1>
        } else {
        }
        %add3A_813 = arith.constant 50 : i32
        %add3A_814 = arith.addi %add3A_813, %sub3A_802 : i32
        %get3A_815 = arith.index_cast %add3A_814 : i32 to index
        %get3A_816 = arith.constant 0 : index
        %get3A_817 = tpu.vector_load %arg4[%get3A_815, %get3A_816] {strides = array<i32>} : memref<100x128xf32, #tpu.memory_space<vmem>>, vector<16xf32>,
        %convert_element_type3A_818 = arith.fptosi %get3A_817 : vector<16xf32> to vector<16xi32>
        %add3A_819 = arith.constant 2 : i32
        %add3A_820 = vector.broadcast %add3A_819 : i32 to vector<16xi32>
        %add3A_821 = arith.addi %convert_element_type3A_818, %add3A_820 : vector<16xi32>
        %min3A_822 = arith.constant 127 : i32
        %min3A_823 = vector.broadcast %min3A_822 : i32 to vector<16xi32>
        %min3A_824 = arith.minsi %add3A_821, %min3A_823 : vector<16xi32>
        %add3A_825 = arith.constant 0 : i32
        %add3A_826 = vector.broadcast %add3A_825 : i32 to vector<16xi32>
        %add3A_827 = arith.addi %iota3A, %add3A_826 : vector<16xi32>
        %lt3A_828 = arith.constant 126 : i32
        %lt3A_829 = vector.broadcast %lt3A_828 : i32 to vector<16xi32>
        %lt3A_830 = arith.cmpi slt, %convert_element_type3A_818, %lt3A_829 : vector<16xi32>
        tpu.vector_store_idx %arg7[%min3A_824, %add3A_827], %broadcast_in_dim3A_9 masked %lt3A_830 : memref<128x128xf32, #tpu.memory_space<vmem>>[vector<16xi32>, vector<16xi32>], vector<16xf32>, vector<16xi1>
        %add3A_831 = arith.constant 50 : i32
        %add3A_832 = arith.addi %add3A_831, %sub3A_802 : i32
        %get3A_833 = arith.index_cast %add3A_832 : i32 to index
        %get3A_834 = arith.constant 16 : index
        %get3A_835 = tpu.vector_load %arg4[%get3A_833, %get3A_834] {strides = array<i32>} : memref<100x128xf32, #tpu.memory_space<vmem>>, vector<16xf32>,
        %convert_element_type3A_836 = arith.fptosi %get3A_835 : vector<16xf32> to vector<16xi32>
        %add3A_837 = arith.constant 2 : i32
        %add3A_838 = vector.broadcast %add3A_837 : i32 to vector<16xi32>
        %add3A_839 = arith.addi %convert_element_type3A_836, %add3A_838 : vector<16xi32>
        %min3A_840 = arith.constant 127 : i32
        %min3A_841 = vector.broadcast %min3A_840 : i32 to vector<16xi32>
        %min3A_842 = arith.minsi %add3A_839, %min3A_841 : vector<16xi32>
        %add3A_843 = arith.constant 16 : i32
        %add3A_844 = vector.broadcast %add3A_843 : i32 to vector<16xi32>
        %add3A_845 = arith.addi %iota3A, %add3A_844 : vector<16xi32>
        %lt3A_846 = arith.constant 126 : i32
        %lt3A_847 = vector.broadcast %lt3A_846 : i32 to vector<16xi32>
        %lt3A_848 = arith.cmpi slt, %convert_element_type3A_836, %lt3A_847 : vector<16xi32>
        tpu.vector_store_idx %arg7[%min3A_842, %add3A_845], %broadcast_in_dim3A_9 masked %lt3A_848 : memref<128x128xf32, #tpu.memory_space<vmem>>[vector<16xi32>, vector<16xi32>], vector<16xf32>, vector<16xi1>
        %add3A_849 = arith.constant 50 : i32
        %add3A_850 = arith.addi %add3A_849, %sub3A_802 : i32
        %get3A_851 = arith.index_cast %add3A_850 : i32 to index
        %get3A_852 = arith.constant 32 : index
        %get3A_853 = tpu.vector_load %arg4[%get3A_851, %get3A_852] {strides = array<i32>} : memref<100x128xf32, #tpu.memory_space<vmem>>, vector<16xf32>,
        %convert_element_type3A_854 = arith.fptosi %get3A_853 : vector<16xf32> to vector<16xi32>
        %add3A_855 = arith.constant 2 : i32
        %add3A_856 = vector.broadcast %add3A_855 : i32 to vector<16xi32>
        %add3A_857 = arith.addi %convert_element_type3A_854, %add3A_856 : vector<16xi32>
        %min3A_858 = arith.constant 127 : i32
        %min3A_859 = vector.broadcast %min3A_858 : i32 to vector<16xi32>
        %min3A_860 = arith.minsi %add3A_857, %min3A_859 : vector<16xi32>
        %add3A_861 = arith.constant 32 : i32
        %add3A_862 = vector.broadcast %add3A_861 : i32 to vector<16xi32>
        %add3A_863 = arith.addi %iota3A, %add3A_862 : vector<16xi32>
        %lt3A_864 = arith.constant 126 : i32
        %lt3A_865 = vector.broadcast %lt3A_864 : i32 to vector<16xi32>
        %lt3A_866 = arith.cmpi slt, %convert_element_type3A_854, %lt3A_865 : vector<16xi32>
        tpu.vector_store_idx %arg7[%min3A_860, %add3A_863], %broadcast_in_dim3A_9 masked %lt3A_866 : memref<128x128xf32, #tpu.memory_space<vmem>>[vector<16xi32>, vector<16xi32>], vector<16xf32>, vector<16xi1>
        %add3A_867 = arith.constant 50 : i32
        %add3A_868 = arith.addi %add3A_867, %sub3A_802 : i32
        %get3A_869 = arith.index_cast %add3A_868 : i32 to index
        %get3A_870 = arith.constant 48 : index
        %get3A_871 = tpu.vector_load %arg4[%get3A_869, %get3A_870] {strides = array<i32>} : memref<100x128xf32, #tpu.memory_space<vmem>>, vector<16xf32>,
        %convert_element_type3A_872 = arith.fptosi %get3A_871 : vector<16xf32> to vector<16xi32>
        %add3A_873 = arith.constant 2 : i32
        %add3A_874 = vector.broadcast %add3A_873 : i32 to vector<16xi32>
        %add3A_875 = arith.addi %convert_element_type3A_872, %add3A_874 : vector<16xi32>
        %min3A_876 = arith.constant 127 : i32
        %min3A_877 = vector.broadcast %min3A_876 : i32 to vector<16xi32>
        %min3A_878 = arith.minsi %add3A_875, %min3A_877 : vector<16xi32>
        %add3A_879 = arith.constant 48 : i32
        %add3A_880 = vector.broadcast %add3A_879 : i32 to vector<16xi32>
        %add3A_881 = arith.addi %iota3A, %add3A_880 : vector<16xi32>
        %lt3A_882 = arith.constant 126 : i32
        %lt3A_883 = vector.broadcast %lt3A_882 : i32 to vector<16xi32>
        %lt3A_884 = arith.cmpi slt, %convert_element_type3A_872, %lt3A_883 : vector<16xi32>
        tpu.vector_store_idx %arg7[%min3A_878, %add3A_881], %broadcast_in_dim3A_9 masked %lt3A_884 : memref<128x128xf32, #tpu.memory_space<vmem>>[vector<16xi32>, vector<16xi32>], vector<16xf32>, vector<16xi1>
        %add3A_885 = arith.constant 50 : i32
        %add3A_886 = arith.addi %add3A_885, %sub3A_802 : i32
        %get3A_887 = arith.index_cast %add3A_886 : i32 to index
        %get3A_888 = arith.constant 64 : index
        %get3A_889 = tpu.vector_load %arg4[%get3A_887, %get3A_888] {strides = array<i32>} : memref<100x128xf32, #tpu.memory_space<vmem>>, vector<16xf32>,
        %convert_element_type3A_890 = arith.fptosi %get3A_889 : vector<16xf32> to vector<16xi32>
        %add3A_891 = arith.constant 2 : i32
        %add3A_892 = vector.broadcast %add3A_891 : i32 to vector<16xi32>
        %add3A_893 = arith.addi %convert_element_type3A_890, %add3A_892 : vector<16xi32>
        %min3A_894 = arith.constant 127 : i32
        %min3A_895 = vector.broadcast %min3A_894 : i32 to vector<16xi32>
        %min3A_896 = arith.minsi %add3A_893, %min3A_895 : vector<16xi32>
        %add3A_897 = arith.constant 64 : i32
        %add3A_898 = vector.broadcast %add3A_897 : i32 to vector<16xi32>
        %add3A_899 = arith.addi %iota3A, %add3A_898 : vector<16xi32>
        %lt3A_900 = arith.constant 126 : i32
        %lt3A_901 = vector.broadcast %lt3A_900 : i32 to vector<16xi32>
        %lt3A_902 = arith.cmpi slt, %convert_element_type3A_890, %lt3A_901 : vector<16xi32>
        tpu.vector_store_idx %arg7[%min3A_896, %add3A_899], %broadcast_in_dim3A_9 masked %lt3A_902 : memref<128x128xf32, #tpu.memory_space<vmem>>[vector<16xi32>, vector<16xi32>], vector<16xf32>, vector<16xi1>
        %add3A_903 = arith.constant 50 : i32
        %add3A_904 = arith.addi %add3A_903, %sub3A_802 : i32
        %get3A_905 = arith.index_cast %add3A_904 : i32 to index
        %get3A_906 = arith.constant 80 : index
        %get3A_907 = tpu.vector_load %arg4[%get3A_905, %get3A_906] {strides = array<i32>} : memref<100x128xf32, #tpu.memory_space<vmem>>, vector<16xf32>,
        %convert_element_type3A_908 = arith.fptosi %get3A_907 : vector<16xf32> to vector<16xi32>
        %add3A_909 = arith.constant 2 : i32
        %add3A_910 = vector.broadcast %add3A_909 : i32 to vector<16xi32>
        %add3A_911 = arith.addi %convert_element_type3A_908, %add3A_910 : vector<16xi32>
        %min3A_912 = arith.constant 127 : i32
        %min3A_913 = vector.broadcast %min3A_912 : i32 to vector<16xi32>
        %min3A_914 = arith.minsi %add3A_911, %min3A_913 : vector<16xi32>
        %add3A_915 = arith.constant 80 : i32
        %add3A_916 = vector.broadcast %add3A_915 : i32 to vector<16xi32>
        %add3A_917 = arith.addi %iota3A, %add3A_916 : vector<16xi32>
        %lt3A_918 = arith.constant 126 : i32
        %lt3A_919 = vector.broadcast %lt3A_918 : i32 to vector<16xi32>
        %lt3A_920 = arith.cmpi slt, %convert_element_type3A_908, %lt3A_919 : vector<16xi32>
        tpu.vector_store_idx %arg7[%min3A_914, %add3A_917], %broadcast_in_dim3A_9 masked %lt3A_920 : memref<128x128xf32, #tpu.memory_space<vmem>>[vector<16xi32>, vector<16xi32>], vector<16xf32>, vector<16xi1>
        %add3A_921 = arith.constant 50 : i32
        %add3A_922 = arith.addi %add3A_921, %sub3A_802 : i32
        %get3A_923 = arith.index_cast %add3A_922 : i32 to index
        %get3A_924 = arith.constant 96 : index
        %get3A_925 = tpu.vector_load %arg4[%get3A_923, %get3A_924] {strides = array<i32>} : memref<100x128xf32, #tpu.memory_space<vmem>>, vector<16xf32>,
        %convert_element_type3A_926 = arith.fptosi %get3A_925 : vector<16xf32> to vector<16xi32>
        %add3A_927 = arith.constant 2 : i32
        %add3A_928 = vector.broadcast %add3A_927 : i32 to vector<16xi32>
        %add3A_929 = arith.addi %convert_element_type3A_926, %add3A_928 : vector<16xi32>
        %min3A_930 = arith.constant 127 : i32
        %min3A_931 = vector.broadcast %min3A_930 : i32 to vector<16xi32>
        %min3A_932 = arith.minsi %add3A_929, %min3A_931 : vector<16xi32>
        %add3A_933 = arith.constant 96 : i32
        %add3A_934 = vector.broadcast %add3A_933 : i32 to vector<16xi32>
        %add3A_935 = arith.addi %iota3A, %add3A_934 : vector<16xi32>
        %lt3A_936 = arith.constant 126 : i32
        %lt3A_937 = vector.broadcast %lt3A_936 : i32 to vector<16xi32>
        %lt3A_938 = arith.cmpi slt, %convert_element_type3A_926, %lt3A_937 : vector<16xi32>
        tpu.vector_store_idx %arg7[%min3A_932, %add3A_935], %broadcast_in_dim3A_9 masked %lt3A_938 : memref<128x128xf32, #tpu.memory_space<vmem>>[vector<16xi32>, vector<16xi32>], vector<16xf32>, vector<16xi1>
        %add3A_939 = arith.constant 50 : i32
        %add3A_940 = arith.addi %add3A_939, %sub3A_802 : i32
        %get3A_941 = arith.index_cast %add3A_940 : i32 to index
        %get3A_942 = arith.constant 112 : index
        %get3A_943 = tpu.vector_load %arg4[%get3A_941, %get3A_942] {strides = array<i32>} : memref<100x128xf32, #tpu.memory_space<vmem>>, vector<16xf32>,
        %convert_element_type3A_944 = arith.fptosi %get3A_943 : vector<16xf32> to vector<16xi32>
        %add3A_945 = arith.constant 2 : i32
        %add3A_946 = vector.broadcast %add3A_945 : i32 to vector<16xi32>
        %add3A_947 = arith.addi %convert_element_type3A_944, %add3A_946 : vector<16xi32>
        %min3A_948 = arith.constant 127 : i32
        %min3A_949 = vector.broadcast %min3A_948 : i32 to vector<16xi32>
        %min3A_950 = arith.minsi %add3A_947, %min3A_949 : vector<16xi32>
        %add3A_951 = arith.constant 112 : i32
        %add3A_952 = vector.broadcast %add3A_951 : i32 to vector<16xi32>
        %add3A_953 = arith.addi %iota3A, %add3A_952 : vector<16xi32>
        %lt3A_954 = arith.constant 126 : i32
        %lt3A_955 = vector.broadcast %lt3A_954 : i32 to vector<16xi32>
        %lt3A_956 = arith.cmpi slt, %convert_element_type3A_944, %lt3A_955 : vector<16xi32>
        tpu.vector_store_idx %arg7[%min3A_950, %add3A_953], %broadcast_in_dim3A_9 masked %lt3A_956 : memref<128x128xf32, #tpu.memory_space<vmem>>[vector<16xi32>, vector<16xi32>], vector<16xf32>, vector<16xi1>
      } else {
      }
      %eq3A_637 = arith.constant 0 : i32
      %eq3A_638 = arith.cmpi eq, %add3A_631, %eq3A_637 : i32
      %convert_element_type3A_639 = arith.extui %eq3A_638 : i1 to i32
      %cond3A_640 = arith.constant 0 : i32
      %cond3A_641 = arith.cmpi ne, %convert_element_type3A_639, %cond3A_640 : i32
      scf.if %cond3A_641 {
        %get3A_797 = arith.constant 48 : i32
        %get3A_798 = arith.index_cast %get3A_797 : i32 to index
        %get3A_799 = arith.constant 0 : index
        %get3A_800 = tpu.vector_load %arg4[%get3A_798, %get3A_799] {strides = array<i32>} : memref<100x128xf32, #tpu.memory_space<vmem>>, vector<16xf32>,
        %swap3A = arith.constant 0 : i32
        %swap3A_801 = arith.index_cast %swap3A : i32 to index
        %swap3A_802 = arith.constant 0 : index
        %swap3A_803 = tpu.vector_load %arg7[%swap3A_801, %swap3A_802] {strides = array<i32>} : memref<128x128xf32, #tpu.memory_space<vmem>>, vector<16xf32>,
        tpu.vector_store %arg7[%swap3A_801, %swap3A_802], %get3A_800 {strides = array<i32>} : memref<128x128xf32, #tpu.memory_space<vmem>>, vector<16xf32>,
        %get3A_804 = arith.constant 49 : i32
        %get3A_805 = arith.index_cast %get3A_804 : i32 to index
        %get3A_806 = arith.constant 0 : index
        %get3A_807 = tpu.vector_load %arg4[%get3A_805, %get3A_806] {strides = array<i32>} : memref<100x128xf32, #tpu.memory_space<vmem>>, vector<16xf32>,
        %swap3A_808 = arith.constant 1 : i32
        %swap3A_809 = arith.index_cast %swap3A_808 : i32 to index
        %swap3A_810 = arith.constant 0 : index
        %swap3A_811 = tpu.vector_load %arg7[%swap3A_809, %swap3A_810] {strides = array<i32>} : memref<128x128xf32, #tpu.memory_space<vmem>>, vector<16xf32>,
        tpu.vector_store %arg7[%swap3A_809, %swap3A_810], %get3A_807 {strides = array<i32>} : memref<128x128xf32, #tpu.memory_space<vmem>>, vector<16xf32>,
        %get3A_812 = arith.constant 48 : i32
        %get3A_813 = arith.index_cast %get3A_812 : i32 to index
        %get3A_814 = arith.constant 16 : index
        %get3A_815 = tpu.vector_load %arg4[%get3A_813, %get3A_814] {strides = array<i32>} : memref<100x128xf32, #tpu.memory_space<vmem>>, vector<16xf32>,
        %swap3A_816 = arith.constant 0 : i32
        %swap3A_817 = arith.index_cast %swap3A_816 : i32 to index
        %swap3A_818 = arith.constant 16 : index
        %swap3A_819 = tpu.vector_load %arg7[%swap3A_817, %swap3A_818] {strides = array<i32>} : memref<128x128xf32, #tpu.memory_space<vmem>>, vector<16xf32>,
        tpu.vector_store %arg7[%swap3A_817, %swap3A_818], %get3A_815 {strides = array<i32>} : memref<128x128xf32, #tpu.memory_space<vmem>>, vector<16xf32>,
        %get3A_820 = arith.constant 49 : i32
        %get3A_821 = arith.index_cast %get3A_820 : i32 to index
        %get3A_822 = arith.constant 16 : index
        %get3A_823 = tpu.vector_load %arg4[%get3A_821, %get3A_822] {strides = array<i32>} : memref<100x128xf32, #tpu.memory_space<vmem>>, vector<16xf32>,
        %swap3A_824 = arith.constant 1 : i32
        %swap3A_825 = arith.index_cast %swap3A_824 : i32 to index
        %swap3A_826 = arith.constant 16 : index
        %swap3A_827 = tpu.vector_load %arg7[%swap3A_825, %swap3A_826] {strides = array<i32>} : memref<128x128xf32, #tpu.memory_space<vmem>>, vector<16xf32>,
        tpu.vector_store %arg7[%swap3A_825, %swap3A_826], %get3A_823 {strides = array<i32>} : memref<128x128xf32, #tpu.memory_space<vmem>>, vector<16xf32>,
        %get3A_828 = arith.constant 48 : i32
        %get3A_829 = arith.index_cast %get3A_828 : i32 to index
        %get3A_830 = arith.constant 32 : index
        %get3A_831 = tpu.vector_load %arg4[%get3A_829, %get3A_830] {strides = array<i32>} : memref<100x128xf32, #tpu.memory_space<vmem>>, vector<16xf32>,
        %swap3A_832 = arith.constant 0 : i32
        %swap3A_833 = arith.index_cast %swap3A_832 : i32 to index
        %swap3A_834 = arith.constant 32 : index
        %swap3A_835 = tpu.vector_load %arg7[%swap3A_833, %swap3A_834] {strides = array<i32>} : memref<128x128xf32, #tpu.memory_space<vmem>>, vector<16xf32>,
        tpu.vector_store %arg7[%swap3A_833, %swap3A_834], %get3A_831 {strides = array<i32>} : memref<128x128xf32, #tpu.memory_space<vmem>>, vector<16xf32>,
        %get3A_836 = arith.constant 49 : i32
        %get3A_837 = arith.index_cast %get3A_836 : i32 to index
        %get3A_838 = arith.constant 32 : index
        %get3A_839 = tpu.vector_load %arg4[%get3A_837, %get3A_838] {strides = array<i32>} : memref<100x128xf32, #tpu.memory_space<vmem>>, vector<16xf32>,
        %swap3A_840 = arith.constant 1 : i32
        %swap3A_841 = arith.index_cast %swap3A_840 : i32 to index
        %swap3A_842 = arith.constant 32 : index
        %swap3A_843 = tpu.vector_load %arg7[%swap3A_841, %swap3A_842] {strides = array<i32>} : memref<128x128xf32, #tpu.memory_space<vmem>>, vector<16xf32>,
        tpu.vector_store %arg7[%swap3A_841, %swap3A_842], %get3A_839 {strides = array<i32>} : memref<128x128xf32, #tpu.memory_space<vmem>>, vector<16xf32>,
        %get3A_844 = arith.constant 48 : i32
        %get3A_845 = arith.index_cast %get3A_844 : i32 to index
        %get3A_846 = arith.constant 48 : index
        %get3A_847 = tpu.vector_load %arg4[%get3A_845, %get3A_846] {strides = array<i32>} : memref<100x128xf32, #tpu.memory_space<vmem>>, vector<16xf32>,
        %swap3A_848 = arith.constant 0 : i32
        %swap3A_849 = arith.index_cast %swap3A_848 : i32 to index
        %swap3A_850 = arith.constant 48 : index
        %swap3A_851 = tpu.vector_load %arg7[%swap3A_849, %swap3A_850] {strides = array<i32>} : memref<128x128xf32, #tpu.memory_space<vmem>>, vector<16xf32>,
        tpu.vector_store %arg7[%swap3A_849, %swap3A_850], %get3A_847 {strides = array<i32>} : memref<128x128xf32, #tpu.memory_space<vmem>>, vector<16xf32>,
        %get3A_852 = arith.constant 49 : i32
        %get3A_853 = arith.index_cast %get3A_852 : i32 to index
        %get3A_854 = arith.constant 48 : index
        %get3A_855 = tpu.vector_load %arg4[%get3A_853, %get3A_854] {strides = array<i32>} : memref<100x128xf32, #tpu.memory_space<vmem>>, vector<16xf32>,
        %swap3A_856 = arith.constant 1 : i32
        %swap3A_857 = arith.index_cast %swap3A_856 : i32 to index
        %swap3A_858 = arith.constant 48 : index
        %swap3A_859 = tpu.vector_load %arg7[%swap3A_857, %swap3A_858] {strides = array<i32>} : memref<128x128xf32, #tpu.memory_space<vmem>>, vector<16xf32>,
        tpu.vector_store %arg7[%swap3A_857, %swap3A_858], %get3A_855 {strides = array<i32>} : memref<128x128xf32, #tpu.memory_space<vmem>>, vector<16xf32>,
        %get3A_860 = arith.constant 48 : i32
        %get3A_861 = arith.index_cast %get3A_860 : i32 to index
        %get3A_862 = arith.constant 64 : index
        %get3A_863 = tpu.vector_load %arg4[%get3A_861, %get3A_862] {strides = array<i32>} : memref<100x128xf32, #tpu.memory_space<vmem>>, vector<16xf32>,
        %swap3A_864 = arith.constant 0 : i32
        %swap3A_865 = arith.index_cast %swap3A_864 : i32 to index
        %swap3A_866 = arith.constant 64 : index
        %swap3A_867 = tpu.vector_load %arg7[%swap3A_865, %swap3A_866] {strides = array<i32>} : memref<128x128xf32, #tpu.memory_space<vmem>>, vector<16xf32>,
        tpu.vector_store %arg7[%swap3A_865, %swap3A_866], %get3A_863 {strides = array<i32>} : memref<128x128xf32, #tpu.memory_space<vmem>>, vector<16xf32>,
        %get3A_868 = arith.constant 49 : i32
        %get3A_869 = arith.index_cast %get3A_868 : i32 to index
        %get3A_870 = arith.constant 64 : index
        %get3A_871 = tpu.vector_load %arg4[%get3A_869, %get3A_870] {strides = array<i32>} : memref<100x128xf32, #tpu.memory_space<vmem>>, vector<16xf32>,
        %swap3A_872 = arith.constant 1 : i32
        %swap3A_873 = arith.index_cast %swap3A_872 : i32 to index
        %swap3A_874 = arith.constant 64 : index
        %swap3A_875 = tpu.vector_load %arg7[%swap3A_873, %swap3A_874] {strides = array<i32>} : memref<128x128xf32, #tpu.memory_space<vmem>>, vector<16xf32>,
        tpu.vector_store %arg7[%swap3A_873, %swap3A_874], %get3A_871 {strides = array<i32>} : memref<128x128xf32, #tpu.memory_space<vmem>>, vector<16xf32>,
        %get3A_876 = arith.constant 48 : i32
        %get3A_877 = arith.index_cast %get3A_876 : i32 to index
        %get3A_878 = arith.constant 80 : index
        %get3A_879 = tpu.vector_load %arg4[%get3A_877, %get3A_878] {strides = array<i32>} : memref<100x128xf32, #tpu.memory_space<vmem>>, vector<16xf32>,
        %swap3A_880 = arith.constant 0 : i32
        %swap3A_881 = arith.index_cast %swap3A_880 : i32 to index
        %swap3A_882 = arith.constant 80 : index
        %swap3A_883 = tpu.vector_load %arg7[%swap3A_881, %swap3A_882] {strides = array<i32>} : memref<128x128xf32, #tpu.memory_space<vmem>>, vector<16xf32>,
        tpu.vector_store %arg7[%swap3A_881, %swap3A_882], %get3A_879 {strides = array<i32>} : memref<128x128xf32, #tpu.memory_space<vmem>>, vector<16xf32>,
        %get3A_884 = arith.constant 49 : i32
        %get3A_885 = arith.index_cast %get3A_884 : i32 to index
        %get3A_886 = arith.constant 80 : index
        %get3A_887 = tpu.vector_load %arg4[%get3A_885, %get3A_886] {strides = array<i32>} : memref<100x128xf32, #tpu.memory_space<vmem>>, vector<16xf32>,
        %swap3A_888 = arith.constant 1 : i32
        %swap3A_889 = arith.index_cast %swap3A_888 : i32 to index
        %swap3A_890 = arith.constant 80 : index
        %swap3A_891 = tpu.vector_load %arg7[%swap3A_889, %swap3A_890] {strides = array<i32>} : memref<128x128xf32, #tpu.memory_space<vmem>>, vector<16xf32>,
        tpu.vector_store %arg7[%swap3A_889, %swap3A_890], %get3A_887 {strides = array<i32>} : memref<128x128xf32, #tpu.memory_space<vmem>>, vector<16xf32>,
        %get3A_892 = arith.constant 48 : i32
        %get3A_893 = arith.index_cast %get3A_892 : i32 to index
        %get3A_894 = arith.constant 96 : index
        %get3A_895 = tpu.vector_load %arg4[%get3A_893, %get3A_894] {strides = array<i32>} : memref<100x128xf32, #tpu.memory_space<vmem>>, vector<16xf32>,
        %swap3A_896 = arith.constant 0 : i32
        %swap3A_897 = arith.index_cast %swap3A_896 : i32 to index
        %swap3A_898 = arith.constant 96 : index
        %swap3A_899 = tpu.vector_load %arg7[%swap3A_897, %swap3A_898] {strides = array<i32>} : memref<128x128xf32, #tpu.memory_space<vmem>>, vector<16xf32>,
        tpu.vector_store %arg7[%swap3A_897, %swap3A_898], %get3A_895 {strides = array<i32>} : memref<128x128xf32, #tpu.memory_space<vmem>>, vector<16xf32>,
        %get3A_900 = arith.constant 49 : i32
        %get3A_901 = arith.index_cast %get3A_900 : i32 to index
        %get3A_902 = arith.constant 96 : index
        %get3A_903 = tpu.vector_load %arg4[%get3A_901, %get3A_902] {strides = array<i32>} : memref<100x128xf32, #tpu.memory_space<vmem>>, vector<16xf32>,
        %swap3A_904 = arith.constant 1 : i32
        %swap3A_905 = arith.index_cast %swap3A_904 : i32 to index
        %swap3A_906 = arith.constant 96 : index
        %swap3A_907 = tpu.vector_load %arg7[%swap3A_905, %swap3A_906] {strides = array<i32>} : memref<128x128xf32, #tpu.memory_space<vmem>>, vector<16xf32>,
        tpu.vector_store %arg7[%swap3A_905, %swap3A_906], %get3A_903 {strides = array<i32>} : memref<128x128xf32, #tpu.memory_space<vmem>>, vector<16xf32>,
        %get3A_908 = arith.constant 48 : i32
        %get3A_909 = arith.index_cast %get3A_908 : i32 to index
        %get3A_910 = arith.constant 112 : index
        %get3A_911 = tpu.vector_load %arg4[%get3A_909, %get3A_910] {strides = array<i32>} : memref<100x128xf32, #tpu.memory_space<vmem>>, vector<16xf32>,
        %swap3A_912 = arith.constant 0 : i32
        %swap3A_913 = arith.index_cast %swap3A_912 : i32 to index
        %swap3A_914 = arith.constant 112 : index
        %swap3A_915 = tpu.vector_load %arg7[%swap3A_913, %swap3A_914] {strides = array<i32>} : memref<128x128xf32, #tpu.memory_space<vmem>>, vector<16xf32>,
        tpu.vector_store %arg7[%swap3A_913, %swap3A_914], %get3A_911 {strides = array<i32>} : memref<128x128xf32, #tpu.memory_space<vmem>>, vector<16xf32>,
        %get3A_916 = arith.constant 49 : i32
        %get3A_917 = arith.index_cast %get3A_916 : i32 to index
        %get3A_918 = arith.constant 112 : index
        %get3A_919 = tpu.vector_load %arg4[%get3A_917, %get3A_918] {strides = array<i32>} : memref<100x128xf32, #tpu.memory_space<vmem>>, vector<16xf32>,
        %swap3A_920 = arith.constant 1 : i32
        %swap3A_921 = arith.index_cast %swap3A_920 : i32 to index
        %swap3A_922 = arith.constant 112 : index
        %swap3A_923 = tpu.vector_load %arg7[%swap3A_921, %swap3A_922] {strides = array<i32>} : memref<128x128xf32, #tpu.memory_space<vmem>>, vector<16xf32>,
        tpu.vector_store %arg7[%swap3A_921, %swap3A_922], %get3A_919 {strides = array<i32>} : memref<128x128xf32, #tpu.memory_space<vmem>>, vector<16xf32>,
      } else {
      }
      %gt3A_642 = arith.constant 0 : i32
      %gt3A_643 = arith.cmpi sgt, %add3A_631, %gt3A_642 : i32
      %convert_element_type3A_644 = arith.extui %gt3A_643 : i1 to i32
      %cond3A_645 = arith.constant 0 : i32
      %cond3A_646 = arith.cmpi ne, %convert_element_type3A_644, %cond3A_645 : i32
      scf.if %cond3A_646 {
        %sub3A_797 = arith.constant 1 : i32
        %sub3A_798 = arith.subi %add3A_631, %sub3A_797 : i32
        %add3A_799 = arith.constant 50 : i32
        %add3A_800 = arith.addi %add3A_799, %sub3A_798 : i32
        %get3A_801 = arith.index_cast %add3A_800 : i32 to index
        %get3A_802 = arith.constant 0 : index
        %get3A_803 = tpu.vector_load %arg4[%get3A_801, %get3A_802] {strides = array<i32>} : memref<100x128xf32, #tpu.memory_space<vmem>>, vector<16xf32>,
        %convert_element_type3A_804 = arith.fptosi %get3A_803 : vector<16xf32> to vector<16xi32>
        %sub3A_805 = arith.constant 126 : i32
        %sub3A_806 = vector.broadcast %sub3A_805 : i32 to vector<16xi32>
        %sub3A_807 = arith.subi %convert_element_type3A_804, %sub3A_806 : vector<16xi32>
        %max3A_808 = arith.constant 0 : i32
        %max3A_809 = vector.broadcast %max3A_808 : i32 to vector<16xi32>
        %max3A_810 = arith.maxsi %sub3A_807, %max3A_809 : vector<16xi32>
        %add3A_811 = arith.constant 0 : i32
        %add3A_812 = vector.broadcast %add3A_811 : i32 to vector<16xi32>
        %add3A_813 = arith.addi %iota3A, %add3A_812 : vector<16xi32>
        %ge3A_814 = arith.constant 126 : i32
        %ge3A_815 = vector.broadcast %ge3A_814 : i32 to vector<16xi32>
        %ge3A_816 = arith.cmpi sge, %convert_element_type3A_804, %ge3A_815 : vector<16xi32>
        tpu.vector_store_idx %arg7[%max3A_810, %add3A_813], %broadcast_in_dim3A_11 masked %ge3A_816 : memref<128x128xf32, #tpu.memory_space<vmem>>[vector<16xi32>, vector<16xi32>], vector<16xf32>, vector<16xi1>
        %add3A_817 = arith.constant 50 : i32
        %add3A_818 = arith.addi %add3A_817, %sub3A_798 : i32
        %get3A_819 = arith.index_cast %add3A_818 : i32 to index
        %get3A_820 = arith.constant 16 : index
        %get3A_821 = tpu.vector_load %arg4[%get3A_819, %get3A_820] {strides = array<i32>} : memref<100x128xf32, #tpu.memory_space<vmem>>, vector<16xf32>,
        %convert_element_type3A_822 = arith.fptosi %get3A_821 : vector<16xf32> to vector<16xi32>
        %sub3A_823 = arith.constant 126 : i32
        %sub3A_824 = vector.broadcast %sub3A_823 : i32 to vector<16xi32>
        %sub3A_825 = arith.subi %convert_element_type3A_822, %sub3A_824 : vector<16xi32>
        %max3A_826 = arith.constant 0 : i32
        %max3A_827 = vector.broadcast %max3A_826 : i32 to vector<16xi32>
        %max3A_828 = arith.maxsi %sub3A_825, %max3A_827 : vector<16xi32>
        %add3A_829 = arith.constant 16 : i32
        %add3A_830 = vector.broadcast %add3A_829 : i32 to vector<16xi32>
        %add3A_831 = arith.addi %iota3A, %add3A_830 : vector<16xi32>
        %ge3A_832 = arith.constant 126 : i32
        %ge3A_833 = vector.broadcast %ge3A_832 : i32 to vector<16xi32>
        %ge3A_834 = arith.cmpi sge, %convert_element_type3A_822, %ge3A_833 : vector<16xi32>
        tpu.vector_store_idx %arg7[%max3A_828, %add3A_831], %broadcast_in_dim3A_11 masked %ge3A_834 : memref<128x128xf32, #tpu.memory_space<vmem>>[vector<16xi32>, vector<16xi32>], vector<16xf32>, vector<16xi1>
        %add3A_835 = arith.constant 50 : i32
        %add3A_836 = arith.addi %add3A_835, %sub3A_798 : i32
        %get3A_837 = arith.index_cast %add3A_836 : i32 to index
        %get3A_838 = arith.constant 32 : index
        %get3A_839 = tpu.vector_load %arg4[%get3A_837, %get3A_838] {strides = array<i32>} : memref<100x128xf32, #tpu.memory_space<vmem>>, vector<16xf32>,
        %convert_element_type3A_840 = arith.fptosi %get3A_839 : vector<16xf32> to vector<16xi32>
        %sub3A_841 = arith.constant 126 : i32
        %sub3A_842 = vector.broadcast %sub3A_841 : i32 to vector<16xi32>
        %sub3A_843 = arith.subi %convert_element_type3A_840, %sub3A_842 : vector<16xi32>
        %max3A_844 = arith.constant 0 : i32
        %max3A_845 = vector.broadcast %max3A_844 : i32 to vector<16xi32>
        %max3A_846 = arith.maxsi %sub3A_843, %max3A_845 : vector<16xi32>
        %add3A_847 = arith.constant 32 : i32
        %add3A_848 = vector.broadcast %add3A_847 : i32 to vector<16xi32>
        %add3A_849 = arith.addi %iota3A, %add3A_848 : vector<16xi32>
        %ge3A_850 = arith.constant 126 : i32
        %ge3A_851 = vector.broadcast %ge3A_850 : i32 to vector<16xi32>
        %ge3A_852 = arith.cmpi sge, %convert_element_type3A_840, %ge3A_851 : vector<16xi32>
        tpu.vector_store_idx %arg7[%max3A_846, %add3A_849], %broadcast_in_dim3A_11 masked %ge3A_852 : memref<128x128xf32, #tpu.memory_space<vmem>>[vector<16xi32>, vector<16xi32>], vector<16xf32>, vector<16xi1>
        %add3A_853 = arith.constant 50 : i32
        %add3A_854 = arith.addi %add3A_853, %sub3A_798 : i32
        %get3A_855 = arith.index_cast %add3A_854 : i32 to index
        %get3A_856 = arith.constant 48 : index
        %get3A_857 = tpu.vector_load %arg4[%get3A_855, %get3A_856] {strides = array<i32>} : memref<100x128xf32, #tpu.memory_space<vmem>>, vector<16xf32>,
        %convert_element_type3A_858 = arith.fptosi %get3A_857 : vector<16xf32> to vector<16xi32>
        %sub3A_859 = arith.constant 126 : i32
        %sub3A_860 = vector.broadcast %sub3A_859 : i32 to vector<16xi32>
        %sub3A_861 = arith.subi %convert_element_type3A_858, %sub3A_860 : vector<16xi32>
        %max3A_862 = arith.constant 0 : i32
        %max3A_863 = vector.broadcast %max3A_862 : i32 to vector<16xi32>
        %max3A_864 = arith.maxsi %sub3A_861, %max3A_863 : vector<16xi32>
        %add3A_865 = arith.constant 48 : i32
        %add3A_866 = vector.broadcast %add3A_865 : i32 to vector<16xi32>
        %add3A_867 = arith.addi %iota3A, %add3A_866 : vector<16xi32>
        %ge3A_868 = arith.constant 126 : i32
        %ge3A_869 = vector.broadcast %ge3A_868 : i32 to vector<16xi32>
        %ge3A_870 = arith.cmpi sge, %convert_element_type3A_858, %ge3A_869 : vector<16xi32>
        tpu.vector_store_idx %arg7[%max3A_864, %add3A_867], %broadcast_in_dim3A_11 masked %ge3A_870 : memref<128x128xf32, #tpu.memory_space<vmem>>[vector<16xi32>, vector<16xi32>], vector<16xf32>, vector<16xi1>
        %add3A_871 = arith.constant 50 : i32
        %add3A_872 = arith.addi %add3A_871, %sub3A_798 : i32
        %get3A_873 = arith.index_cast %add3A_872 : i32 to index
        %get3A_874 = arith.constant 64 : index
        %get3A_875 = tpu.vector_load %arg4[%get3A_873, %get3A_874] {strides = array<i32>} : memref<100x128xf32, #tpu.memory_space<vmem>>, vector<16xf32>,
        %convert_element_type3A_876 = arith.fptosi %get3A_875 : vector<16xf32> to vector<16xi32>
        %sub3A_877 = arith.constant 126 : i32
        %sub3A_878 = vector.broadcast %sub3A_877 : i32 to vector<16xi32>
        %sub3A_879 = arith.subi %convert_element_type3A_876, %sub3A_878 : vector<16xi32>
        %max3A_880 = arith.constant 0 : i32
        %max3A_881 = vector.broadcast %max3A_880 : i32 to vector<16xi32>
        %max3A_882 = arith.maxsi %sub3A_879, %max3A_881 : vector<16xi32>
        %add3A_883 = arith.constant 64 : i32
        %add3A_884 = vector.broadcast %add3A_883 : i32 to vector<16xi32>
        %add3A_885 = arith.addi %iota3A, %add3A_884 : vector<16xi32>
        %ge3A_886 = arith.constant 126 : i32
        %ge3A_887 = vector.broadcast %ge3A_886 : i32 to vector<16xi32>
        %ge3A_888 = arith.cmpi sge, %convert_element_type3A_876, %ge3A_887 : vector<16xi32>
        tpu.vector_store_idx %arg7[%max3A_882, %add3A_885], %broadcast_in_dim3A_11 masked %ge3A_888 : memref<128x128xf32, #tpu.memory_space<vmem>>[vector<16xi32>, vector<16xi32>], vector<16xf32>, vector<16xi1>
        %add3A_889 = arith.constant 50 : i32
        %add3A_890 = arith.addi %add3A_889, %sub3A_798 : i32
        %get3A_891 = arith.index_cast %add3A_890 : i32 to index
        %get3A_892 = arith.constant 80 : index
        %get3A_893 = tpu.vector_load %arg4[%get3A_891, %get3A_892] {strides = array<i32>} : memref<100x128xf32, #tpu.memory_space<vmem>>, vector<16xf32>,
        %convert_element_type3A_894 = arith.fptosi %get3A_893 : vector<16xf32> to vector<16xi32>
        %sub3A_895 = arith.constant 126 : i32
        %sub3A_896 = vector.broadcast %sub3A_895 : i32 to vector<16xi32>
        %sub3A_897 = arith.subi %convert_element_type3A_894, %sub3A_896 : vector<16xi32>
        %max3A_898 = arith.constant 0 : i32
        %max3A_899 = vector.broadcast %max3A_898 : i32 to vector<16xi32>
        %max3A_900 = arith.maxsi %sub3A_897, %max3A_899 : vector<16xi32>
        %add3A_901 = arith.constant 80 : i32
        %add3A_902 = vector.broadcast %add3A_901 : i32 to vector<16xi32>
        %add3A_903 = arith.addi %iota3A, %add3A_902 : vector<16xi32>
        %ge3A_904 = arith.constant 126 : i32
        %ge3A_905 = vector.broadcast %ge3A_904 : i32 to vector<16xi32>
        %ge3A_906 = arith.cmpi sge, %convert_element_type3A_894, %ge3A_905 : vector<16xi32>
        tpu.vector_store_idx %arg7[%max3A_900, %add3A_903], %broadcast_in_dim3A_11 masked %ge3A_906 : memref<128x128xf32, #tpu.memory_space<vmem>>[vector<16xi32>, vector<16xi32>], vector<16xf32>, vector<16xi1>
        %add3A_907 = arith.constant 50 : i32
        %add3A_908 = arith.addi %add3A_907, %sub3A_798 : i32
        %get3A_909 = arith.index_cast %add3A_908 : i32 to index
        %get3A_910 = arith.constant 96 : index
        %get3A_911 = tpu.vector_load %arg4[%get3A_909, %get3A_910] {strides = array<i32>} : memref<100x128xf32, #tpu.memory_space<vmem>>, vector<16xf32>,
        %convert_element_type3A_912 = arith.fptosi %get3A_911 : vector<16xf32> to vector<16xi32>
        %sub3A_913 = arith.constant 126 : i32
        %sub3A_914 = vector.broadcast %sub3A_913 : i32 to vector<16xi32>
        %sub3A_915 = arith.subi %convert_element_type3A_912, %sub3A_914 : vector<16xi32>
        %max3A_916 = arith.constant 0 : i32
        %max3A_917 = vector.broadcast %max3A_916 : i32 to vector<16xi32>
        %max3A_918 = arith.maxsi %sub3A_915, %max3A_917 : vector<16xi32>
        %add3A_919 = arith.constant 96 : i32
        %add3A_920 = vector.broadcast %add3A_919 : i32 to vector<16xi32>
        %add3A_921 = arith.addi %iota3A, %add3A_920 : vector<16xi32>
        %ge3A_922 = arith.constant 126 : i32
        %ge3A_923 = vector.broadcast %ge3A_922 : i32 to vector<16xi32>
        %ge3A_924 = arith.cmpi sge, %convert_element_type3A_912, %ge3A_923 : vector<16xi32>
        tpu.vector_store_idx %arg7[%max3A_918, %add3A_921], %broadcast_in_dim3A_11 masked %ge3A_924 : memref<128x128xf32, #tpu.memory_space<vmem>>[vector<16xi32>, vector<16xi32>], vector<16xf32>, vector<16xi1>
        %add3A_925 = arith.constant 50 : i32
        %add3A_926 = arith.addi %add3A_925, %sub3A_798 : i32
        %get3A_927 = arith.index_cast %add3A_926 : i32 to index
        %get3A_928 = arith.constant 112 : index
        %get3A_929 = tpu.vector_load %arg4[%get3A_927, %get3A_928] {strides = array<i32>} : memref<100x128xf32, #tpu.memory_space<vmem>>, vector<16xf32>,
        %convert_element_type3A_930 = arith.fptosi %get3A_929 : vector<16xf32> to vector<16xi32>
        %sub3A_931 = arith.constant 126 : i32
        %sub3A_932 = vector.broadcast %sub3A_931 : i32 to vector<16xi32>
        %sub3A_933 = arith.subi %convert_element_type3A_930, %sub3A_932 : vector<16xi32>
        %max3A_934 = arith.constant 0 : i32
        %max3A_935 = vector.broadcast %max3A_934 : i32 to vector<16xi32>
        %max3A_936 = arith.maxsi %sub3A_933, %max3A_935 : vector<16xi32>
        %add3A_937 = arith.constant 112 : i32
        %add3A_938 = vector.broadcast %add3A_937 : i32 to vector<16xi32>
        %add3A_939 = arith.addi %iota3A, %add3A_938 : vector<16xi32>
        %ge3A_940 = arith.constant 126 : i32
        %ge3A_941 = vector.broadcast %ge3A_940 : i32 to vector<16xi32>
        %ge3A_942 = arith.cmpi sge, %convert_element_type3A_930, %ge3A_941 : vector<16xi32>
        tpu.vector_store_idx %arg7[%max3A_936, %add3A_939], %broadcast_in_dim3A_11 masked %ge3A_942 : memref<128x128xf32, #tpu.memory_space<vmem>>[vector<16xi32>, vector<16xi32>], vector<16xf32>, vector<16xi1>
      } else {
      }
      %add3A_647 = arith.constant 50 : i32
      %add3A_648 = arith.addi %add3A_647, %add3A_631 : i32
      %get3A_649 = arith.index_cast %add3A_648 : i32 to index
      %get3A_650 = arith.constant 0 : index
      %get3A_651 = tpu.vector_load %arg4[%get3A_649, %get3A_650] {strides = array<i32>} : memref<100x128xf32, #tpu.memory_space<vmem>>, vector<16xf32>,
      %convert_element_type3A_652 = arith.fptosi %get3A_651 : vector<16xf32> to vector<16xi32>
      %add3A_653 = arith.constant 2 : i32
      %add3A_654 = vector.broadcast %add3A_653 : i32 to vector<16xi32>
      %add3A_655 = arith.addi %convert_element_type3A_652, %add3A_654 : vector<16xi32>
      %min3A_656 = arith.constant 127 : i32
      %min3A_657 = vector.broadcast %min3A_656 : i32 to vector<16xi32>
      %min3A_658 = arith.minsi %add3A_655, %min3A_657 : vector<16xi32>
      %add3A_659 = arith.constant 0 : i32
      %add3A_660 = vector.broadcast %add3A_659 : i32 to vector<16xi32>
      %add3A_661 = arith.addi %iota3A, %add3A_660 : vector<16xi32>
      %lt3A_662 = arith.constant 126 : i32
      %lt3A_663 = vector.broadcast %lt3A_662 : i32 to vector<16xi32>
      %lt3A_664 = arith.cmpi slt, %convert_element_type3A_652, %lt3A_663 : vector<16xi32>
      tpu.vector_store_idx %arg7[%min3A_658, %add3A_661], %broadcast_in_dim3A_11 masked %lt3A_664 : memref<128x128xf32, #tpu.memory_space<vmem>>[vector<16xi32>, vector<16xi32>], vector<16xf32>, vector<16xi1>
      %add3A_665 = arith.constant 50 : i32
      %add3A_666 = arith.addi %add3A_665, %add3A_631 : i32
      %get3A_667 = arith.index_cast %add3A_666 : i32 to index
      %get3A_668 = arith.constant 16 : index
      %get3A_669 = tpu.vector_load %arg4[%get3A_667, %get3A_668] {strides = array<i32>} : memref<100x128xf32, #tpu.memory_space<vmem>>, vector<16xf32>,
      %convert_element_type3A_670 = arith.fptosi %get3A_669 : vector<16xf32> to vector<16xi32>
      %add3A_671 = arith.constant 2 : i32
      %add3A_672 = vector.broadcast %add3A_671 : i32 to vector<16xi32>
      %add3A_673 = arith.addi %convert_element_type3A_670, %add3A_672 : vector<16xi32>
      %min3A_674 = arith.constant 127 : i32
      %min3A_675 = vector.broadcast %min3A_674 : i32 to vector<16xi32>
      %min3A_676 = arith.minsi %add3A_673, %min3A_675 : vector<16xi32>
      %add3A_677 = arith.constant 16 : i32
      %add3A_678 = vector.broadcast %add3A_677 : i32 to vector<16xi32>
      %add3A_679 = arith.addi %iota3A, %add3A_678 : vector<16xi32>
      %lt3A_680 = arith.constant 126 : i32
      %lt3A_681 = vector.broadcast %lt3A_680 : i32 to vector<16xi32>
      %lt3A_682 = arith.cmpi slt, %convert_element_type3A_670, %lt3A_681 : vector<16xi32>
      tpu.vector_store_idx %arg7[%min3A_676, %add3A_679], %broadcast_in_dim3A_11 masked %lt3A_682 : memref<128x128xf32, #tpu.memory_space<vmem>>[vector<16xi32>, vector<16xi32>], vector<16xf32>, vector<16xi1>
      %add3A_683 = arith.constant 50 : i32
      %add3A_684 = arith.addi %add3A_683, %add3A_631 : i32
      %get3A_685 = arith.index_cast %add3A_684 : i32 to index
      %get3A_686 = arith.constant 32 : index
      %get3A_687 = tpu.vector_load %arg4[%get3A_685, %get3A_686] {strides = array<i32>} : memref<100x128xf32, #tpu.memory_space<vmem>>, vector<16xf32>,
      %convert_element_type3A_688 = arith.fptosi %get3A_687 : vector<16xf32> to vector<16xi32>
      %add3A_689 = arith.constant 2 : i32
      %add3A_690 = vector.broadcast %add3A_689 : i32 to vector<16xi32>
      %add3A_691 = arith.addi %convert_element_type3A_688, %add3A_690 : vector<16xi32>
      %min3A_692 = arith.constant 127 : i32
      %min3A_693 = vector.broadcast %min3A_692 : i32 to vector<16xi32>
      %min3A_694 = arith.minsi %add3A_691, %min3A_693 : vector<16xi32>
      %add3A_695 = arith.constant 32 : i32
      %add3A_696 = vector.broadcast %add3A_695 : i32 to vector<16xi32>
      %add3A_697 = arith.addi %iota3A, %add3A_696 : vector<16xi32>
      %lt3A_698 = arith.constant 126 : i32
      %lt3A_699 = vector.broadcast %lt3A_698 : i32 to vector<16xi32>
      %lt3A_700 = arith.cmpi slt, %convert_element_type3A_688, %lt3A_699 : vector<16xi32>
      tpu.vector_store_idx %arg7[%min3A_694, %add3A_697], %broadcast_in_dim3A_11 masked %lt3A_700 : memref<128x128xf32, #tpu.memory_space<vmem>>[vector<16xi32>, vector<16xi32>], vector<16xf32>, vector<16xi1>
      %add3A_701 = arith.constant 50 : i32
      %add3A_702 = arith.addi %add3A_701, %add3A_631 : i32
      %get3A_703 = arith.index_cast %add3A_702 : i32 to index
      %get3A_704 = arith.constant 48 : index
      %get3A_705 = tpu.vector_load %arg4[%get3A_703, %get3A_704] {strides = array<i32>} : memref<100x128xf32, #tpu.memory_space<vmem>>, vector<16xf32>,
      %convert_element_type3A_706 = arith.fptosi %get3A_705 : vector<16xf32> to vector<16xi32>
      %add3A_707 = arith.constant 2 : i32
      %add3A_708 = vector.broadcast %add3A_707 : i32 to vector<16xi32>
      %add3A_709 = arith.addi %convert_element_type3A_706, %add3A_708 : vector<16xi32>
      %min3A_710 = arith.constant 127 : i32
      %min3A_711 = vector.broadcast %min3A_710 : i32 to vector<16xi32>
      %min3A_712 = arith.minsi %add3A_709, %min3A_711 : vector<16xi32>
      %add3A_713 = arith.constant 48 : i32
      %add3A_714 = vector.broadcast %add3A_713 : i32 to vector<16xi32>
      %add3A_715 = arith.addi %iota3A, %add3A_714 : vector<16xi32>
      %lt3A_716 = arith.constant 126 : i32
      %lt3A_717 = vector.broadcast %lt3A_716 : i32 to vector<16xi32>
      %lt3A_718 = arith.cmpi slt, %convert_element_type3A_706, %lt3A_717 : vector<16xi32>
      tpu.vector_store_idx %arg7[%min3A_712, %add3A_715], %broadcast_in_dim3A_11 masked %lt3A_718 : memref<128x128xf32, #tpu.memory_space<vmem>>[vector<16xi32>, vector<16xi32>], vector<16xf32>, vector<16xi1>
      %add3A_719 = arith.constant 50 : i32
      %add3A_720 = arith.addi %add3A_719, %add3A_631 : i32
      %get3A_721 = arith.index_cast %add3A_720 : i32 to index
      %get3A_722 = arith.constant 64 : index
      %get3A_723 = tpu.vector_load %arg4[%get3A_721, %get3A_722] {strides = array<i32>} : memref<100x128xf32, #tpu.memory_space<vmem>>, vector<16xf32>,
      %convert_element_type3A_724 = arith.fptosi %get3A_723 : vector<16xf32> to vector<16xi32>
      %add3A_725 = arith.constant 2 : i32
      %add3A_726 = vector.broadcast %add3A_725 : i32 to vector<16xi32>
      %add3A_727 = arith.addi %convert_element_type3A_724, %add3A_726 : vector<16xi32>
      %min3A_728 = arith.constant 127 : i32
      %min3A_729 = vector.broadcast %min3A_728 : i32 to vector<16xi32>
      %min3A_730 = arith.minsi %add3A_727, %min3A_729 : vector<16xi32>
      %add3A_731 = arith.constant 64 : i32
      %add3A_732 = vector.broadcast %add3A_731 : i32 to vector<16xi32>
      %add3A_733 = arith.addi %iota3A, %add3A_732 : vector<16xi32>
      %lt3A_734 = arith.constant 126 : i32
      %lt3A_735 = vector.broadcast %lt3A_734 : i32 to vector<16xi32>
      %lt3A_736 = arith.cmpi slt, %convert_element_type3A_724, %lt3A_735 : vector<16xi32>
      tpu.vector_store_idx %arg7[%min3A_730, %add3A_733], %broadcast_in_dim3A_11 masked %lt3A_736 : memref<128x128xf32, #tpu.memory_space<vmem>>[vector<16xi32>, vector<16xi32>], vector<16xf32>, vector<16xi1>
      %add3A_737 = arith.constant 50 : i32
      %add3A_738 = arith.addi %add3A_737, %add3A_631 : i32
      %get3A_739 = arith.index_cast %add3A_738 : i32 to index
      %get3A_740 = arith.constant 80 : index
      %get3A_741 = tpu.vector_load %arg4[%get3A_739, %get3A_740] {strides = array<i32>} : memref<100x128xf32, #tpu.memory_space<vmem>>, vector<16xf32>,
      %convert_element_type3A_742 = arith.fptosi %get3A_741 : vector<16xf32> to vector<16xi32>
      %add3A_743 = arith.constant 2 : i32
      %add3A_744 = vector.broadcast %add3A_743 : i32 to vector<16xi32>
      %add3A_745 = arith.addi %convert_element_type3A_742, %add3A_744 : vector<16xi32>
      %min3A_746 = arith.constant 127 : i32
      %min3A_747 = vector.broadcast %min3A_746 : i32 to vector<16xi32>
      %min3A_748 = arith.minsi %add3A_745, %min3A_747 : vector<16xi32>
      %add3A_749 = arith.constant 80 : i32
      %add3A_750 = vector.broadcast %add3A_749 : i32 to vector<16xi32>
      %add3A_751 = arith.addi %iota3A, %add3A_750 : vector<16xi32>
      %lt3A_752 = arith.constant 126 : i32
      %lt3A_753 = vector.broadcast %lt3A_752 : i32 to vector<16xi32>
      %lt3A_754 = arith.cmpi slt, %convert_element_type3A_742, %lt3A_753 : vector<16xi32>
      tpu.vector_store_idx %arg7[%min3A_748, %add3A_751], %broadcast_in_dim3A_11 masked %lt3A_754 : memref<128x128xf32, #tpu.memory_space<vmem>>[vector<16xi32>, vector<16xi32>], vector<16xf32>, vector<16xi1>
      %add3A_755 = arith.constant 50 : i32
      %add3A_756 = arith.addi %add3A_755, %add3A_631 : i32
      %get3A_757 = arith.index_cast %add3A_756 : i32 to index
      %get3A_758 = arith.constant 96 : index
      %get3A_759 = tpu.vector_load %arg4[%get3A_757, %get3A_758] {strides = array<i32>} : memref<100x128xf32, #tpu.memory_space<vmem>>, vector<16xf32>,
      %convert_element_type3A_760 = arith.fptosi %get3A_759 : vector<16xf32> to vector<16xi32>
      %add3A_761 = arith.constant 2 : i32
      %add3A_762 = vector.broadcast %add3A_761 : i32 to vector<16xi32>
      %add3A_763 = arith.addi %convert_element_type3A_760, %add3A_762 : vector<16xi32>
      %min3A_764 = arith.constant 127 : i32
      %min3A_765 = vector.broadcast %min3A_764 : i32 to vector<16xi32>
      %min3A_766 = arith.minsi %add3A_763, %min3A_765 : vector<16xi32>
      %add3A_767 = arith.constant 96 : i32
      %add3A_768 = vector.broadcast %add3A_767 : i32 to vector<16xi32>
      %add3A_769 = arith.addi %iota3A, %add3A_768 : vector<16xi32>
      %lt3A_770 = arith.constant 126 : i32
      %lt3A_771 = vector.broadcast %lt3A_770 : i32 to vector<16xi32>
      %lt3A_772 = arith.cmpi slt, %convert_element_type3A_760, %lt3A_771 : vector<16xi32>
      tpu.vector_store_idx %arg7[%min3A_766, %add3A_769], %broadcast_in_dim3A_11 masked %lt3A_772 : memref<128x128xf32, #tpu.memory_space<vmem>>[vector<16xi32>, vector<16xi32>], vector<16xf32>, vector<16xi1>
      %add3A_773 = arith.constant 50 : i32
      %add3A_774 = arith.addi %add3A_773, %add3A_631 : i32
      %get3A_775 = arith.index_cast %add3A_774 : i32 to index
      %get3A_776 = arith.constant 112 : index
      %get3A_777 = tpu.vector_load %arg4[%get3A_775, %get3A_776] {strides = array<i32>} : memref<100x128xf32, #tpu.memory_space<vmem>>, vector<16xf32>,
      %convert_element_type3A_778 = arith.fptosi %get3A_777 : vector<16xf32> to vector<16xi32>
      %add3A_779 = arith.constant 2 : i32
      %add3A_780 = vector.broadcast %add3A_779 : i32 to vector<16xi32>
      %add3A_781 = arith.addi %convert_element_type3A_778, %add3A_780 : vector<16xi32>
      %min3A_782 = arith.constant 127 : i32
      %min3A_783 = vector.broadcast %min3A_782 : i32 to vector<16xi32>
      %min3A_784 = arith.minsi %add3A_781, %min3A_783 : vector<16xi32>
      %add3A_785 = arith.constant 112 : i32
      %add3A_786 = vector.broadcast %add3A_785 : i32 to vector<16xi32>
      %add3A_787 = arith.addi %iota3A, %add3A_786 : vector<16xi32>
      %lt3A_788 = arith.constant 126 : i32
      %lt3A_789 = vector.broadcast %lt3A_788 : i32 to vector<16xi32>
      %lt3A_790 = arith.cmpi slt, %convert_element_type3A_778, %lt3A_789 : vector<16xi32>
      tpu.vector_store_idx %arg7[%min3A_784, %add3A_787], %broadcast_in_dim3A_11 masked %lt3A_790 : memref<128x128xf32, #tpu.memory_space<vmem>>[vector<16xi32>, vector<16xi32>], vector<16xf32>, vector<16xi1>
      %mul3A_791 = arith.constant 128 : i32
      %mul3A_792 = arith.muli %add3A_631, %mul3A_791 : i32
      %add3A_793 = arith.constant 48 : i32
      %add3A_794 = arith.addi %add3A_793, %mul3A_792 : i32
      %dma_start3A_795 = tpu.memref_slice %arg3[%add3A_794, %mul3A_2] : memref<6450x4096xf32, #tpu.memory_space<hbm>> -> memref<128x128xf32, #tpu.memory_space<hbm>>
      %dma_start3A_796 = tpu.memref_slice %arg3[%add3A_794, %mul3A_2] : memref<6450x4096xf32, #tpu.memory_space<hbm>> -> memref<128x128xf32, #tpu.memory_space<hbm>>
      tpu.enqueue_dma source(%arg7 : memref<128x128xf32, #tpu.memory_space<vmem>>) target(%dma_start3A_796 : memref<128x128xf32, #tpu.memory_space<hbm>>) target_semaphore(%arg11 : memref<!tpu.dma_semaphore, #tpu.memory_space<semaphore_mem>>)
    }
    %scan3A_29 = arith.constant 25 : i32
    %dma_wait3A_30 = arith.constant 0 : i32
    %dma_wait3A_31 = tpu.memref_slice %arg3[%dma_wait3A_30, %mul3A_2] : memref<6450x4096xf32, #tpu.memory_space<hbm>> -> memref<128x128xf32, #tpu.memory_space<hbm>>
    %dma_wait3A_32 = arith.constant 0 : i32
    %dma_wait3A_33 = tpu.memref_slice %arg3[%dma_wait3A_32, %mul3A_2] : memref<6450x4096xf32, #tpu.memory_space<hbm>> -> memref<128x128xf32, #tpu.memory_space<hbm>>
    tpu.wait_dma2 semaphore(%arg10 : memref<!tpu.dma_semaphore, #tpu.memory_space<semaphore_mem>>) src(%arg6 : memref<128x128xf32, #tpu.memory_space<vmem>>) dst(%dma_wait3A_33 : memref<128x128xf32, #tpu.memory_space<hbm>>)
    %get3A = arith.constant 97 : i32
    %get3A_34 = arith.index_cast %get3A : i32 to index
    %get3A_35 = arith.constant 0 : index
    %get3A_36 = tpu.vector_load %arg4[%get3A_34, %get3A_35] {strides = array<i32>} : memref<100x128xf32, #tpu.memory_space<vmem>>, vector<16xf32>,
    %convert_element_type3A = arith.fptosi %get3A_36 : vector<16xf32> to vector<16xi32>
    %sub3A = arith.constant 126 : i32
    %sub3A_37 = vector.broadcast %sub3A : i32 to vector<16xi32>
    %sub3A_38 = arith.subi %convert_element_type3A, %sub3A_37 : vector<16xi32>
    %max3A = arith.constant 0 : i32
    %max3A_39 = vector.broadcast %max3A : i32 to vector<16xi32>
    %max3A_40 = arith.maxsi %sub3A_38, %max3A_39 : vector<16xi32>
    %add3A_41 = arith.constant 0 : i32
    %add3A_42 = vector.broadcast %add3A_41 : i32 to vector<16xi32>
    %add3A_43 = arith.addi %iota3A, %add3A_42 : vector<16xi32>
    %ge3A = arith.constant 126 : i32
    %ge3A_44 = vector.broadcast %ge3A : i32 to vector<16xi32>
    %ge3A_45 = arith.cmpi sge, %convert_element_type3A, %ge3A_44 : vector<16xi32>
    tpu.vector_store_idx %arg6[%max3A_40, %add3A_43], %broadcast_in_dim3A_9 masked %ge3A_45 : memref<128x128xf32, #tpu.memory_space<vmem>>[vector<16xi32>, vector<16xi32>], vector<16xf32>, vector<16xi1>
    %get3A_46 = arith.constant 97 : i32
    %get3A_47 = arith.index_cast %get3A_46 : i32 to index
    %get3A_48 = arith.constant 16 : index
    %get3A_49 = tpu.vector_load %arg4[%get3A_47, %get3A_48] {strides = array<i32>} : memref<100x128xf32, #tpu.memory_space<vmem>>, vector<16xf32>,
    %convert_element_type3A_50 = arith.fptosi %get3A_49 : vector<16xf32> to vector<16xi32>
    %sub3A_51 = arith.constant 126 : i32
    %sub3A_52 = vector.broadcast %sub3A_51 : i32 to vector<16xi32>
    %sub3A_53 = arith.subi %convert_element_type3A_50, %sub3A_52 : vector<16xi32>
    %max3A_54 = arith.constant 0 : i32
    %max3A_55 = vector.broadcast %max3A_54 : i32 to vector<16xi32>
    %max3A_56 = arith.maxsi %sub3A_53, %max3A_55 : vector<16xi32>
    %add3A_57 = arith.constant 16 : i32
    %add3A_58 = vector.broadcast %add3A_57 : i32 to vector<16xi32>
    %add3A_59 = arith.addi %iota3A, %add3A_58 : vector<16xi32>
    %ge3A_60 = arith.constant 126 : i32
    %ge3A_61 = vector.broadcast %ge3A_60 : i32 to vector<16xi32>
    %ge3A_62 = arith.cmpi sge, %convert_element_type3A_50, %ge3A_61 : vector<16xi32>
    tpu.vector_store_idx %arg6[%max3A_56, %add3A_59], %broadcast_in_dim3A_9 masked %ge3A_62 : memref<128x128xf32, #tpu.memory_space<vmem>>[vector<16xi32>, vector<16xi32>], vector<16xf32>, vector<16xi1>
    %get3A_63 = arith.constant 97 : i32
    %get3A_64 = arith.index_cast %get3A_63 : i32 to index
    %get3A_65 = arith.constant 32 : index
    %get3A_66 = tpu.vector_load %arg4[%get3A_64, %get3A_65] {strides = array<i32>} : memref<100x128xf32, #tpu.memory_space<vmem>>, vector<16xf32>,
    %convert_element_type3A_67 = arith.fptosi %get3A_66 : vector<16xf32> to vector<16xi32>
    %sub3A_68 = arith.constant 126 : i32
    %sub3A_69 = vector.broadcast %sub3A_68 : i32 to vector<16xi32>
    %sub3A_70 = arith.subi %convert_element_type3A_67, %sub3A_69 : vector<16xi32>
    %max3A_71 = arith.constant 0 : i32
    %max3A_72 = vector.broadcast %max3A_71 : i32 to vector<16xi32>
    %max3A_73 = arith.maxsi %sub3A_70, %max3A_72 : vector<16xi32>
    %add3A_74 = arith.constant 32 : i32
    %add3A_75 = vector.broadcast %add3A_74 : i32 to vector<16xi32>
    %add3A_76 = arith.addi %iota3A, %add3A_75 : vector<16xi32>
    %ge3A_77 = arith.constant 126 : i32
    %ge3A_78 = vector.broadcast %ge3A_77 : i32 to vector<16xi32>
    %ge3A_79 = arith.cmpi sge, %convert_element_type3A_67, %ge3A_78 : vector<16xi32>
    tpu.vector_store_idx %arg6[%max3A_73, %add3A_76], %broadcast_in_dim3A_9 masked %ge3A_79 : memref<128x128xf32, #tpu.memory_space<vmem>>[vector<16xi32>, vector<16xi32>], vector<16xf32>, vector<16xi1>
    %get3A_80 = arith.constant 97 : i32
    %get3A_81 = arith.index_cast %get3A_80 : i32 to index
    %get3A_82 = arith.constant 48 : index
    %get3A_83 = tpu.vector_load %arg4[%get3A_81, %get3A_82] {strides = array<i32>} : memref<100x128xf32, #tpu.memory_space<vmem>>, vector<16xf32>,
    %convert_element_type3A_84 = arith.fptosi %get3A_83 : vector<16xf32> to vector<16xi32>
    %sub3A_85 = arith.constant 126 : i32
    %sub3A_86 = vector.broadcast %sub3A_85 : i32 to vector<16xi32>
    %sub3A_87 = arith.subi %convert_element_type3A_84, %sub3A_86 : vector<16xi32>
    %max3A_88 = arith.constant 0 : i32
    %max3A_89 = vector.broadcast %max3A_88 : i32 to vector<16xi32>
    %max3A_90 = arith.maxsi %sub3A_87, %max3A_89 : vector<16xi32>
    %add3A_91 = arith.constant 48 : i32
    %add3A_92 = vector.broadcast %add3A_91 : i32 to vector<16xi32>
    %add3A_93 = arith.addi %iota3A, %add3A_92 : vector<16xi32>
    %ge3A_94 = arith.constant 126 : i32
    %ge3A_95 = vector.broadcast %ge3A_94 : i32 to vector<16xi32>
    %ge3A_96 = arith.cmpi sge, %convert_element_type3A_84, %ge3A_95 : vector<16xi32>
    tpu.vector_store_idx %arg6[%max3A_90, %add3A_93], %broadcast_in_dim3A_9 masked %ge3A_96 : memref<128x128xf32, #tpu.memory_space<vmem>>[vector<16xi32>, vector<16xi32>], vector<16xf32>, vector<16xi1>
    %get3A_97 = arith.constant 97 : i32
    %get3A_98 = arith.index_cast %get3A_97 : i32 to index
    %get3A_99 = arith.constant 64 : index
    %get3A_100 = tpu.vector_load %arg4[%get3A_98, %get3A_99] {strides = array<i32>} : memref<100x128xf32, #tpu.memory_space<vmem>>, vector<16xf32>,
    %convert_element_type3A_101 = arith.fptosi %get3A_100 : vector<16xf32> to vector<16xi32>
    %sub3A_102 = arith.constant 126 : i32
    %sub3A_103 = vector.broadcast %sub3A_102 : i32 to vector<16xi32>
    %sub3A_104 = arith.subi %convert_element_type3A_101, %sub3A_103 : vector<16xi32>
    %max3A_105 = arith.constant 0 : i32
    %max3A_106 = vector.broadcast %max3A_105 : i32 to vector<16xi32>
    %max3A_107 = arith.maxsi %sub3A_104, %max3A_106 : vector<16xi32>
    %add3A_108 = arith.constant 64 : i32
    %add3A_109 = vector.broadcast %add3A_108 : i32 to vector<16xi32>
    %add3A_110 = arith.addi %iota3A, %add3A_109 : vector<16xi32>
    %ge3A_111 = arith.constant 126 : i32
    %ge3A_112 = vector.broadcast %ge3A_111 : i32 to vector<16xi32>
    %ge3A_113 = arith.cmpi sge, %convert_element_type3A_101, %ge3A_112 : vector<16xi32>
    tpu.vector_store_idx %arg6[%max3A_107, %add3A_110], %broadcast_in_dim3A_9 masked %ge3A_113 : memref<128x128xf32, #tpu.memory_space<vmem>>[vector<16xi32>, vector<16xi32>], vector<16xf32>, vector<16xi1>
    %get3A_114 = arith.constant 97 : i32
    %get3A_115 = arith.index_cast %get3A_114 : i32 to index
    %get3A_116 = arith.constant 80 : index
    %get3A_117 = tpu.vector_load %arg4[%get3A_115, %get3A_116] {strides = array<i32>} : memref<100x128xf32, #tpu.memory_space<vmem>>, vector<16xf32>,
    %convert_element_type3A_118 = arith.fptosi %get3A_117 : vector<16xf32> to vector<16xi32>
    %sub3A_119 = arith.constant 126 : i32
    %sub3A_120 = vector.broadcast %sub3A_119 : i32 to vector<16xi32>
    %sub3A_121 = arith.subi %convert_element_type3A_118, %sub3A_120 : vector<16xi32>
    %max3A_122 = arith.constant 0 : i32
    %max3A_123 = vector.broadcast %max3A_122 : i32 to vector<16xi32>
    %max3A_124 = arith.maxsi %sub3A_121, %max3A_123 : vector<16xi32>
    %add3A_125 = arith.constant 80 : i32
    %add3A_126 = vector.broadcast %add3A_125 : i32 to vector<16xi32>
    %add3A_127 = arith.addi %iota3A, %add3A_126 : vector<16xi32>
    %ge3A_128 = arith.constant 126 : i32
    %ge3A_129 = vector.broadcast %ge3A_128 : i32 to vector<16xi32>
    %ge3A_130 = arith.cmpi sge, %convert_element_type3A_118, %ge3A_129 : vector<16xi32>
    tpu.vector_store_idx %arg6[%max3A_124, %add3A_127], %broadcast_in_dim3A_9 masked %ge3A_130 : memref<128x128xf32, #tpu.memory_space<vmem>>[vector<16xi32>, vector<16xi32>], vector<16xf32>, vector<16xi1>
    %get3A_131 = arith.constant 97 : i32
    %get3A_132 = arith.index_cast %get3A_131 : i32 to index
    %get3A_133 = arith.constant 96 : index
    %get3A_134 = tpu.vector_load %arg4[%get3A_132, %get3A_133] {strides = array<i32>} : memref<100x128xf32, #tpu.memory_space<vmem>>, vector<16xf32>,
    %convert_element_type3A_135 = arith.fptosi %get3A_134 : vector<16xf32> to vector<16xi32>
    %sub3A_136 = arith.constant 126 : i32
    %sub3A_137 = vector.broadcast %sub3A_136 : i32 to vector<16xi32>
    %sub3A_138 = arith.subi %convert_element_type3A_135, %sub3A_137 : vector<16xi32>
    %max3A_139 = arith.constant 0 : i32
    %max3A_140 = vector.broadcast %max3A_139 : i32 to vector<16xi32>
    %max3A_141 = arith.maxsi %sub3A_138, %max3A_140 : vector<16xi32>
    %add3A_142 = arith.constant 96 : i32
    %add3A_143 = vector.broadcast %add3A_142 : i32 to vector<16xi32>
    %add3A_144 = arith.addi %iota3A, %add3A_143 : vector<16xi32>
    %ge3A_145 = arith.constant 126 : i32
    %ge3A_146 = vector.broadcast %ge3A_145 : i32 to vector<16xi32>
    %ge3A_147 = arith.cmpi sge, %convert_element_type3A_135, %ge3A_146 : vector<16xi32>
    tpu.vector_store_idx %arg6[%max3A_141, %add3A_144], %broadcast_in_dim3A_9 masked %ge3A_147 : memref<128x128xf32, #tpu.memory_space<vmem>>[vector<16xi32>, vector<16xi32>], vector<16xf32>, vector<16xi1>
    %get3A_148 = arith.constant 97 : i32
    %get3A_149 = arith.index_cast %get3A_148 : i32 to index
    %get3A_150 = arith.constant 112 : index
    %get3A_151 = tpu.vector_load %arg4[%get3A_149, %get3A_150] {strides = array<i32>} : memref<100x128xf32, #tpu.memory_space<vmem>>, vector<16xf32>,
    %convert_element_type3A_152 = arith.fptosi %get3A_151 : vector<16xf32> to vector<16xi32>
    %sub3A_153 = arith.constant 126 : i32
    %sub3A_154 = vector.broadcast %sub3A_153 : i32 to vector<16xi32>
    %sub3A_155 = arith.subi %convert_element_type3A_152, %sub3A_154 : vector<16xi32>
    %max3A_156 = arith.constant 0 : i32
    %max3A_157 = vector.broadcast %max3A_156 : i32 to vector<16xi32>
    %max3A_158 = arith.maxsi %sub3A_155, %max3A_157 : vector<16xi32>
    %add3A_159 = arith.constant 112 : i32
    %add3A_160 = vector.broadcast %add3A_159 : i32 to vector<16xi32>
    %add3A_161 = arith.addi %iota3A, %add3A_160 : vector<16xi32>
    %ge3A_162 = arith.constant 126 : i32
    %ge3A_163 = vector.broadcast %ge3A_162 : i32 to vector<16xi32>
    %ge3A_164 = arith.cmpi sge, %convert_element_type3A_152, %ge3A_163 : vector<16xi32>
    tpu.vector_store_idx %arg6[%max3A_158, %add3A_161], %broadcast_in_dim3A_9 masked %ge3A_164 : memref<128x128xf32, #tpu.memory_space<vmem>>[vector<16xi32>, vector<16xi32>], vector<16xf32>, vector<16xi1>
    %get3A_165 = arith.constant 98 : i32
    %get3A_166 = arith.index_cast %get3A_165 : i32 to index
    %get3A_167 = arith.constant 0 : index
    %get3A_168 = tpu.vector_load %arg4[%get3A_166, %get3A_167] {strides = array<i32>} : memref<100x128xf32, #tpu.memory_space<vmem>>, vector<16xf32>,
    %convert_element_type3A_169 = arith.fptosi %get3A_168 : vector<16xf32> to vector<16xi32>
    %add3A_170 = arith.constant 2 : i32
    %add3A_171 = vector.broadcast %add3A_170 : i32 to vector<16xi32>
    %add3A_172 = arith.addi %convert_element_type3A_169, %add3A_171 : vector<16xi32>
    %min3A = arith.constant 127 : i32
    %min3A_173 = vector.broadcast %min3A : i32 to vector<16xi32>
    %min3A_174 = arith.minsi %add3A_172, %min3A_173 : vector<16xi32>
    %add3A_175 = arith.constant 0 : i32
    %add3A_176 = vector.broadcast %add3A_175 : i32 to vector<16xi32>
    %add3A_177 = arith.addi %iota3A, %add3A_176 : vector<16xi32>
    %lt3A = arith.constant 126 : i32
    %lt3A_178 = vector.broadcast %lt3A : i32 to vector<16xi32>
    %lt3A_179 = arith.cmpi slt, %convert_element_type3A_169, %lt3A_178 : vector<16xi32>
    tpu.vector_store_idx %arg6[%min3A_174, %add3A_177], %broadcast_in_dim3A_9 masked %lt3A_179 : memref<128x128xf32, #tpu.memory_space<vmem>>[vector<16xi32>, vector<16xi32>], vector<16xf32>, vector<16xi1>
    %get3A_180 = arith.constant 98 : i32
    %get3A_181 = arith.index_cast %get3A_180 : i32 to index
    %get3A_182 = arith.constant 16 : index
    %get3A_183 = tpu.vector_load %arg4[%get3A_181, %get3A_182] {strides = array<i32>} : memref<100x128xf32, #tpu.memory_space<vmem>>, vector<16xf32>,
    %convert_element_type3A_184 = arith.fptosi %get3A_183 : vector<16xf32> to vector<16xi32>
    %add3A_185 = arith.constant 2 : i32
    %add3A_186 = vector.broadcast %add3A_185 : i32 to vector<16xi32>
    %add3A_187 = arith.addi %convert_element_type3A_184, %add3A_186 : vector<16xi32>
    %min3A_188 = arith.constant 127 : i32
    %min3A_189 = vector.broadcast %min3A_188 : i32 to vector<16xi32>
    %min3A_190 = arith.minsi %add3A_187, %min3A_189 : vector<16xi32>
    %add3A_191 = arith.constant 16 : i32
    %add3A_192 = vector.broadcast %add3A_191 : i32 to vector<16xi32>
    %add3A_193 = arith.addi %iota3A, %add3A_192 : vector<16xi32>
    %lt3A_194 = arith.constant 126 : i32
    %lt3A_195 = vector.broadcast %lt3A_194 : i32 to vector<16xi32>
    %lt3A_196 = arith.cmpi slt, %convert_element_type3A_184, %lt3A_195 : vector<16xi32>
    tpu.vector_store_idx %arg6[%min3A_190, %add3A_193], %broadcast_in_dim3A_9 masked %lt3A_196 : memref<128x128xf32, #tpu.memory_space<vmem>>[vector<16xi32>, vector<16xi32>], vector<16xf32>, vector<16xi1>
    %get3A_197 = arith.constant 98 : i32
    %get3A_198 = arith.index_cast %get3A_197 : i32 to index
    %get3A_199 = arith.constant 32 : index
    %get3A_200 = tpu.vector_load %arg4[%get3A_198, %get3A_199] {strides = array<i32>} : memref<100x128xf32, #tpu.memory_space<vmem>>, vector<16xf32>,
    %convert_element_type3A_201 = arith.fptosi %get3A_200 : vector<16xf32> to vector<16xi32>
    %add3A_202 = arith.constant 2 : i32
    %add3A_203 = vector.broadcast %add3A_202 : i32 to vector<16xi32>
    %add3A_204 = arith.addi %convert_element_type3A_201, %add3A_203 : vector<16xi32>
    %min3A_205 = arith.constant 127 : i32
    %min3A_206 = vector.broadcast %min3A_205 : i32 to vector<16xi32>
    %min3A_207 = arith.minsi %add3A_204, %min3A_206 : vector<16xi32>
    %add3A_208 = arith.constant 32 : i32
    %add3A_209 = vector.broadcast %add3A_208 : i32 to vector<16xi32>
    %add3A_210 = arith.addi %iota3A, %add3A_209 : vector<16xi32>
    %lt3A_211 = arith.constant 126 : i32
    %lt3A_212 = vector.broadcast %lt3A_211 : i32 to vector<16xi32>
    %lt3A_213 = arith.cmpi slt, %convert_element_type3A_201, %lt3A_212 : vector<16xi32>
    tpu.vector_store_idx %arg6[%min3A_207, %add3A_210], %broadcast_in_dim3A_9 masked %lt3A_213 : memref<128x128xf32, #tpu.memory_space<vmem>>[vector<16xi32>, vector<16xi32>], vector<16xf32>, vector<16xi1>
    %get3A_214 = arith.constant 98 : i32
    %get3A_215 = arith.index_cast %get3A_214 : i32 to index
    %get3A_216 = arith.constant 48 : index
    %get3A_217 = tpu.vector_load %arg4[%get3A_215, %get3A_216] {strides = array<i32>} : memref<100x128xf32, #tpu.memory_space<vmem>>, vector<16xf32>,
    %convert_element_type3A_218 = arith.fptosi %get3A_217 : vector<16xf32> to vector<16xi32>
    %add3A_219 = arith.constant 2 : i32
    %add3A_220 = vector.broadcast %add3A_219 : i32 to vector<16xi32>
    %add3A_221 = arith.addi %convert_element_type3A_218, %add3A_220 : vector<16xi32>
    %min3A_222 = arith.constant 127 : i32
    %min3A_223 = vector.broadcast %min3A_222 : i32 to vector<16xi32>
    %min3A_224 = arith.minsi %add3A_221, %min3A_223 : vector<16xi32>
    %add3A_225 = arith.constant 48 : i32
    %add3A_226 = vector.broadcast %add3A_225 : i32 to vector<16xi32>
    %add3A_227 = arith.addi %iota3A, %add3A_226 : vector<16xi32>
    %lt3A_228 = arith.constant 126 : i32
    %lt3A_229 = vector.broadcast %lt3A_228 : i32 to vector<16xi32>
    %lt3A_230 = arith.cmpi slt, %convert_element_type3A_218, %lt3A_229 : vector<16xi32>
    tpu.vector_store_idx %arg6[%min3A_224, %add3A_227], %broadcast_in_dim3A_9 masked %lt3A_230 : memref<128x128xf32, #tpu.memory_space<vmem>>[vector<16xi32>, vector<16xi32>], vector<16xf32>, vector<16xi1>
    %get3A_231 = arith.constant 98 : i32
    %get3A_232 = arith.index_cast %get3A_231 : i32 to index
    %get3A_233 = arith.constant 64 : index
    %get3A_234 = tpu.vector_load %arg4[%get3A_232, %get3A_233] {strides = array<i32>} : memref<100x128xf32, #tpu.memory_space<vmem>>, vector<16xf32>,
    %convert_element_type3A_235 = arith.fptosi %get3A_234 : vector<16xf32> to vector<16xi32>
    %add3A_236 = arith.constant 2 : i32
    %add3A_237 = vector.broadcast %add3A_236 : i32 to vector<16xi32>
    %add3A_238 = arith.addi %convert_element_type3A_235, %add3A_237 : vector<16xi32>
    %min3A_239 = arith.constant 127 : i32
    %min3A_240 = vector.broadcast %min3A_239 : i32 to vector<16xi32>
    %min3A_241 = arith.minsi %add3A_238, %min3A_240 : vector<16xi32>
    %add3A_242 = arith.constant 64 : i32
    %add3A_243 = vector.broadcast %add3A_242 : i32 to vector<16xi32>
    %add3A_244 = arith.addi %iota3A, %add3A_243 : vector<16xi32>
    %lt3A_245 = arith.constant 126 : i32
    %lt3A_246 = vector.broadcast %lt3A_245 : i32 to vector<16xi32>
    %lt3A_247 = arith.cmpi slt, %convert_element_type3A_235, %lt3A_246 : vector<16xi32>
    tpu.vector_store_idx %arg6[%min3A_241, %add3A_244], %broadcast_in_dim3A_9 masked %lt3A_247 : memref<128x128xf32, #tpu.memory_space<vmem>>[vector<16xi32>, vector<16xi32>], vector<16xf32>, vector<16xi1>
    %get3A_248 = arith.constant 98 : i32
    %get3A_249 = arith.index_cast %get3A_248 : i32 to index
    %get3A_250 = arith.constant 80 : index
    %get3A_251 = tpu.vector_load %arg4[%get3A_249, %get3A_250] {strides = array<i32>} : memref<100x128xf32, #tpu.memory_space<vmem>>, vector<16xf32>,
    %convert_element_type3A_252 = arith.fptosi %get3A_251 : vector<16xf32> to vector<16xi32>
    %add3A_253 = arith.constant 2 : i32
    %add3A_254 = vector.broadcast %add3A_253 : i32 to vector<16xi32>
    %add3A_255 = arith.addi %convert_element_type3A_252, %add3A_254 : vector<16xi32>
    %min3A_256 = arith.constant 127 : i32
    %min3A_257 = vector.broadcast %min3A_256 : i32 to vector<16xi32>
    %min3A_258 = arith.minsi %add3A_255, %min3A_257 : vector<16xi32>
    %add3A_259 = arith.constant 80 : i32
    %add3A_260 = vector.broadcast %add3A_259 : i32 to vector<16xi32>
    %add3A_261 = arith.addi %iota3A, %add3A_260 : vector<16xi32>
    %lt3A_262 = arith.constant 126 : i32
    %lt3A_263 = vector.broadcast %lt3A_262 : i32 to vector<16xi32>
    %lt3A_264 = arith.cmpi slt, %convert_element_type3A_252, %lt3A_263 : vector<16xi32>
    tpu.vector_store_idx %arg6[%min3A_258, %add3A_261], %broadcast_in_dim3A_9 masked %lt3A_264 : memref<128x128xf32, #tpu.memory_space<vmem>>[vector<16xi32>, vector<16xi32>], vector<16xf32>, vector<16xi1>
    %get3A_265 = arith.constant 98 : i32
    %get3A_266 = arith.index_cast %get3A_265 : i32 to index
    %get3A_267 = arith.constant 96 : index
    %get3A_268 = tpu.vector_load %arg4[%get3A_266, %get3A_267] {strides = array<i32>} : memref<100x128xf32, #tpu.memory_space<vmem>>, vector<16xf32>,
    %convert_element_type3A_269 = arith.fptosi %get3A_268 : vector<16xf32> to vector<16xi32>
    %add3A_270 = arith.constant 2 : i32
    %add3A_271 = vector.broadcast %add3A_270 : i32 to vector<16xi32>
    %add3A_272 = arith.addi %convert_element_type3A_269, %add3A_271 : vector<16xi32>
    %min3A_273 = arith.constant 127 : i32
    %min3A_274 = vector.broadcast %min3A_273 : i32 to vector<16xi32>
    %min3A_275 = arith.minsi %add3A_272, %min3A_274 : vector<16xi32>
    %add3A_276 = arith.constant 96 : i32
    %add3A_277 = vector.broadcast %add3A_276 : i32 to vector<16xi32>
    %add3A_278 = arith.addi %iota3A, %add3A_277 : vector<16xi32>
    %lt3A_279 = arith.constant 126 : i32
    %lt3A_280 = vector.broadcast %lt3A_279 : i32 to vector<16xi32>
    %lt3A_281 = arith.cmpi slt, %convert_element_type3A_269, %lt3A_280 : vector<16xi32>
    tpu.vector_store_idx %arg6[%min3A_275, %add3A_278], %broadcast_in_dim3A_9 masked %lt3A_281 : memref<128x128xf32, #tpu.memory_space<vmem>>[vector<16xi32>, vector<16xi32>], vector<16xf32>, vector<16xi1>
    %get3A_282 = arith.constant 98 : i32
    %get3A_283 = arith.index_cast %get3A_282 : i32 to index
    %get3A_284 = arith.constant 112 : index
    %get3A_285 = tpu.vector_load %arg4[%get3A_283, %get3A_284] {strides = array<i32>} : memref<100x128xf32, #tpu.memory_space<vmem>>, vector<16xf32>,
    %convert_element_type3A_286 = arith.fptosi %get3A_285 : vector<16xf32> to vector<16xi32>
    %add3A_287 = arith.constant 2 : i32
    %add3A_288 = vector.broadcast %add3A_287 : i32 to vector<16xi32>
    %add3A_289 = arith.addi %convert_element_type3A_286, %add3A_288 : vector<16xi32>
    %min3A_290 = arith.constant 127 : i32
    %min3A_291 = vector.broadcast %min3A_290 : i32 to vector<16xi32>
    %min3A_292 = arith.minsi %add3A_289, %min3A_291 : vector<16xi32>
    %add3A_293 = arith.constant 112 : i32
    %add3A_294 = vector.broadcast %add3A_293 : i32 to vector<16xi32>
    %add3A_295 = arith.addi %iota3A, %add3A_294 : vector<16xi32>
    %lt3A_296 = arith.constant 126 : i32
    %lt3A_297 = vector.broadcast %lt3A_296 : i32 to vector<16xi32>
    %lt3A_298 = arith.cmpi slt, %convert_element_type3A_286, %lt3A_297 : vector<16xi32>
    tpu.vector_store_idx %arg6[%min3A_292, %add3A_295], %broadcast_in_dim3A_9 masked %lt3A_298 : memref<128x128xf32, #tpu.memory_space<vmem>>[vector<16xi32>, vector<16xi32>], vector<16xf32>, vector<16xi1>
    %get3A_299 = arith.constant 99 : i32
    %get3A_300 = arith.index_cast %get3A_299 : i32 to index
    %get3A_301 = arith.constant 0 : index
    %get3A_302 = tpu.vector_load %arg4[%get3A_300, %get3A_301] {strides = array<i32>} : memref<100x128xf32, #tpu.memory_space<vmem>>, vector<16xf32>,
    %convert_element_type3A_303 = arith.fptosi %get3A_302 : vector<16xf32> to vector<16xi32>
    %sub3A_304 = arith.constant 126 : i32
    %sub3A_305 = vector.broadcast %sub3A_304 : i32 to vector<16xi32>
    %sub3A_306 = arith.subi %convert_element_type3A_303, %sub3A_305 : vector<16xi32>
    %max3A_307 = arith.constant 0 : i32
    %max3A_308 = vector.broadcast %max3A_307 : i32 to vector<16xi32>
    %max3A_309 = arith.maxsi %sub3A_306, %max3A_308 : vector<16xi32>
    %add3A_310 = arith.constant 0 : i32
    %add3A_311 = vector.broadcast %add3A_310 : i32 to vector<16xi32>
    %add3A_312 = arith.addi %iota3A, %add3A_311 : vector<16xi32>
    %ge3A_313 = arith.constant 126 : i32
    %ge3A_314 = vector.broadcast %ge3A_313 : i32 to vector<16xi32>
    %ge3A_315 = arith.cmpi sge, %convert_element_type3A_303, %ge3A_314 : vector<16xi32>
    tpu.vector_store_idx %arg6[%max3A_309, %add3A_312], %broadcast_in_dim3A_11 masked %ge3A_315 : memref<128x128xf32, #tpu.memory_space<vmem>>[vector<16xi32>, vector<16xi32>], vector<16xf32>, vector<16xi1>
    %get3A_316 = arith.constant 99 : i32
    %get3A_317 = arith.index_cast %get3A_316 : i32 to index
    %get3A_318 = arith.constant 16 : index
    %get3A_319 = tpu.vector_load %arg4[%get3A_317, %get3A_318] {strides = array<i32>} : memref<100x128xf32, #tpu.memory_space<vmem>>, vector<16xf32>,
    %convert_element_type3A_320 = arith.fptosi %get3A_319 : vector<16xf32> to vector<16xi32>
    %sub3A_321 = arith.constant 126 : i32
    %sub3A_322 = vector.broadcast %sub3A_321 : i32 to vector<16xi32>
    %sub3A_323 = arith.subi %convert_element_type3A_320, %sub3A_322 : vector<16xi32>
    %max3A_324 = arith.constant 0 : i32
    %max3A_325 = vector.broadcast %max3A_324 : i32 to vector<16xi32>
    %max3A_326 = arith.maxsi %sub3A_323, %max3A_325 : vector<16xi32>
    %add3A_327 = arith.constant 16 : i32
    %add3A_328 = vector.broadcast %add3A_327 : i32 to vector<16xi32>
    %add3A_329 = arith.addi %iota3A, %add3A_328 : vector<16xi32>
    %ge3A_330 = arith.constant 126 : i32
    %ge3A_331 = vector.broadcast %ge3A_330 : i32 to vector<16xi32>
    %ge3A_332 = arith.cmpi sge, %convert_element_type3A_320, %ge3A_331 : vector<16xi32>
    tpu.vector_store_idx %arg6[%max3A_326, %add3A_329], %broadcast_in_dim3A_11 masked %ge3A_332 : memref<128x128xf32, #tpu.memory_space<vmem>>[vector<16xi32>, vector<16xi32>], vector<16xf32>, vector<16xi1>
    %get3A_333 = arith.constant 99 : i32
    %get3A_334 = arith.index_cast %get3A_333 : i32 to index
    %get3A_335 = arith.constant 32 : index
    %get3A_336 = tpu.vector_load %arg4[%get3A_334, %get3A_335] {strides = array<i32>} : memref<100x128xf32, #tpu.memory_space<vmem>>, vector<16xf32>,
    %convert_element_type3A_337 = arith.fptosi %get3A_336 : vector<16xf32> to vector<16xi32>
    %sub3A_338 = arith.constant 126 : i32
    %sub3A_339 = vector.broadcast %sub3A_338 : i32 to vector<16xi32>
    %sub3A_340 = arith.subi %convert_element_type3A_337, %sub3A_339 : vector<16xi32>
    %max3A_341 = arith.constant 0 : i32
    %max3A_342 = vector.broadcast %max3A_341 : i32 to vector<16xi32>
    %max3A_343 = arith.maxsi %sub3A_340, %max3A_342 : vector<16xi32>
    %add3A_344 = arith.constant 32 : i32
    %add3A_345 = vector.broadcast %add3A_344 : i32 to vector<16xi32>
    %add3A_346 = arith.addi %iota3A, %add3A_345 : vector<16xi32>
    %ge3A_347 = arith.constant 126 : i32
    %ge3A_348 = vector.broadcast %ge3A_347 : i32 to vector<16xi32>
    %ge3A_349 = arith.cmpi sge, %convert_element_type3A_337, %ge3A_348 : vector<16xi32>
    tpu.vector_store_idx %arg6[%max3A_343, %add3A_346], %broadcast_in_dim3A_11 masked %ge3A_349 : memref<128x128xf32, #tpu.memory_space<vmem>>[vector<16xi32>, vector<16xi32>], vector<16xf32>, vector<16xi1>
    %get3A_350 = arith.constant 99 : i32
    %get3A_351 = arith.index_cast %get3A_350 : i32 to index
    %get3A_352 = arith.constant 48 : index
    %get3A_353 = tpu.vector_load %arg4[%get3A_351, %get3A_352] {strides = array<i32>} : memref<100x128xf32, #tpu.memory_space<vmem>>, vector<16xf32>,
    %convert_element_type3A_354 = arith.fptosi %get3A_353 : vector<16xf32> to vector<16xi32>
    %sub3A_355 = arith.constant 126 : i32
    %sub3A_356 = vector.broadcast %sub3A_355 : i32 to vector<16xi32>
    %sub3A_357 = arith.subi %convert_element_type3A_354, %sub3A_356 : vector<16xi32>
    %max3A_358 = arith.constant 0 : i32
    %max3A_359 = vector.broadcast %max3A_358 : i32 to vector<16xi32>
    %max3A_360 = arith.maxsi %sub3A_357, %max3A_359 : vector<16xi32>
    %add3A_361 = arith.constant 48 : i32
    %add3A_362 = vector.broadcast %add3A_361 : i32 to vector<16xi32>
    %add3A_363 = arith.addi %iota3A, %add3A_362 : vector<16xi32>
    %ge3A_364 = arith.constant 126 : i32
    %ge3A_365 = vector.broadcast %ge3A_364 : i32 to vector<16xi32>
    %ge3A_366 = arith.cmpi sge, %convert_element_type3A_354, %ge3A_365 : vector<16xi32>
    tpu.vector_store_idx %arg6[%max3A_360, %add3A_363], %broadcast_in_dim3A_11 masked %ge3A_366 : memref<128x128xf32, #tpu.memory_space<vmem>>[vector<16xi32>, vector<16xi32>], vector<16xf32>, vector<16xi1>
    %get3A_367 = arith.constant 99 : i32
    %get3A_368 = arith.index_cast %get3A_367 : i32 to index
    %get3A_369 = arith.constant 64 : index
    %get3A_370 = tpu.vector_load %arg4[%get3A_368, %get3A_369] {strides = array<i32>} : memref<100x128xf32, #tpu.memory_space<vmem>>, vector<16xf32>,
    %convert_element_type3A_371 = arith.fptosi %get3A_370 : vector<16xf32> to vector<16xi32>
    %sub3A_372 = arith.constant 126 : i32
    %sub3A_373 = vector.broadcast %sub3A_372 : i32 to vector<16xi32>
    %sub3A_374 = arith.subi %convert_element_type3A_371, %sub3A_373 : vector<16xi32>
    %max3A_375 = arith.constant 0 : i32
    %max3A_376 = vector.broadcast %max3A_375 : i32 to vector<16xi32>
    %max3A_377 = arith.maxsi %sub3A_374, %max3A_376 : vector<16xi32>
    %add3A_378 = arith.constant 64 : i32
    %add3A_379 = vector.broadcast %add3A_378 : i32 to vector<16xi32>
    %add3A_380 = arith.addi %iota3A, %add3A_379 : vector<16xi32>
    %ge3A_381 = arith.constant 126 : i32
    %ge3A_382 = vector.broadcast %ge3A_381 : i32 to vector<16xi32>
    %ge3A_383 = arith.cmpi sge, %convert_element_type3A_371, %ge3A_382 : vector<16xi32>
    tpu.vector_store_idx %arg6[%max3A_377, %add3A_380], %broadcast_in_dim3A_11 masked %ge3A_383 : memref<128x128xf32, #tpu.memory_space<vmem>>[vector<16xi32>, vector<16xi32>], vector<16xf32>, vector<16xi1>
    %get3A_384 = arith.constant 99 : i32
    %get3A_385 = arith.index_cast %get3A_384 : i32 to index
    %get3A_386 = arith.constant 80 : index
    %get3A_387 = tpu.vector_load %arg4[%get3A_385, %get3A_386] {strides = array<i32>} : memref<100x128xf32, #tpu.memory_space<vmem>>, vector<16xf32>,
    %convert_element_type3A_388 = arith.fptosi %get3A_387 : vector<16xf32> to vector<16xi32>
    %sub3A_389 = arith.constant 126 : i32
    %sub3A_390 = vector.broadcast %sub3A_389 : i32 to vector<16xi32>
    %sub3A_391 = arith.subi %convert_element_type3A_388, %sub3A_390 : vector<16xi32>
    %max3A_392 = arith.constant 0 : i32
    %max3A_393 = vector.broadcast %max3A_392 : i32 to vector<16xi32>
    %max3A_394 = arith.maxsi %sub3A_391, %max3A_393 : vector<16xi32>
    %add3A_395 = arith.constant 80 : i32
    %add3A_396 = vector.broadcast %add3A_395 : i32 to vector<16xi32>
    %add3A_397 = arith.addi %iota3A, %add3A_396 : vector<16xi32>
    %ge3A_398 = arith.constant 126 : i32
    %ge3A_399 = vector.broadcast %ge3A_398 : i32 to vector<16xi32>
    %ge3A_400 = arith.cmpi sge, %convert_element_type3A_388, %ge3A_399 : vector<16xi32>
    tpu.vector_store_idx %arg6[%max3A_394, %add3A_397], %broadcast_in_dim3A_11 masked %ge3A_400 : memref<128x128xf32, #tpu.memory_space<vmem>>[vector<16xi32>, vector<16xi32>], vector<16xf32>, vector<16xi1>
    %get3A_401 = arith.constant 99 : i32
    %get3A_402 = arith.index_cast %get3A_401 : i32 to index
    %get3A_403 = arith.constant 96 : index
    %get3A_404 = tpu.vector_load %arg4[%get3A_402, %get3A_403] {strides = array<i32>} : memref<100x128xf32, #tpu.memory_space<vmem>>, vector<16xf32>,
    %convert_element_type3A_405 = arith.fptosi %get3A_404 : vector<16xf32> to vector<16xi32>
    %sub3A_406 = arith.constant 126 : i32
    %sub3A_407 = vector.broadcast %sub3A_406 : i32 to vector<16xi32>
    %sub3A_408 = arith.subi %convert_element_type3A_405, %sub3A_407 : vector<16xi32>
    %max3A_409 = arith.constant 0 : i32
    %max3A_410 = vector.broadcast %max3A_409 : i32 to vector<16xi32>
    %max3A_411 = arith.maxsi %sub3A_408, %max3A_410 : vector<16xi32>
    %add3A_412 = arith.constant 96 : i32
    %add3A_413 = vector.broadcast %add3A_412 : i32 to vector<16xi32>
    %add3A_414 = arith.addi %iota3A, %add3A_413 : vector<16xi32>
    %ge3A_415 = arith.constant 126 : i32
    %ge3A_416 = vector.broadcast %ge3A_415 : i32 to vector<16xi32>
    %ge3A_417 = arith.cmpi sge, %convert_element_type3A_405, %ge3A_416 : vector<16xi32>
    tpu.vector_store_idx %arg6[%max3A_411, %add3A_414], %broadcast_in_dim3A_11 masked %ge3A_417 : memref<128x128xf32, #tpu.memory_space<vmem>>[vector<16xi32>, vector<16xi32>], vector<16xf32>, vector<16xi1>
    %get3A_418 = arith.constant 99 : i32
    %get3A_419 = arith.index_cast %get3A_418 : i32 to index
    %get3A_420 = arith.constant 112 : index
    %get3A_421 = tpu.vector_load %arg4[%get3A_419, %get3A_420] {strides = array<i32>} : memref<100x128xf32, #tpu.memory_space<vmem>>, vector<16xf32>,
    %convert_element_type3A_422 = arith.fptosi %get3A_421 : vector<16xf32> to vector<16xi32>
    %sub3A_423 = arith.constant 126 : i32
    %sub3A_424 = vector.broadcast %sub3A_423 : i32 to vector<16xi32>
    %sub3A_425 = arith.subi %convert_element_type3A_422, %sub3A_424 : vector<16xi32>
    %max3A_426 = arith.constant 0 : i32
    %max3A_427 = vector.broadcast %max3A_426 : i32 to vector<16xi32>
    %max3A_428 = arith.maxsi %sub3A_425, %max3A_427 : vector<16xi32>
    %add3A_429 = arith.constant 112 : i32
    %add3A_430 = vector.broadcast %add3A_429 : i32 to vector<16xi32>
    %add3A_431 = arith.addi %iota3A, %add3A_430 : vector<16xi32>
    %ge3A_432 = arith.constant 126 : i32
    %ge3A_433 = vector.broadcast %ge3A_432 : i32 to vector<16xi32>
    %ge3A_434 = arith.cmpi sge, %convert_element_type3A_422, %ge3A_433 : vector<16xi32>
    tpu.vector_store_idx %arg6[%max3A_428, %add3A_431], %broadcast_in_dim3A_11 masked %ge3A_434 : memref<128x128xf32, #tpu.memory_space<vmem>>[vector<16xi32>, vector<16xi32>], vector<16xf32>, vector<16xi1>
    %dma_start3A_435 = arith.constant 0 : i32
    %dma_start3A_436 = arith.constant 0 : i32
    %dma_start3A_437 = tpu.memref_slice %arg6[%dma_start3A_435, %dma_start3A_436] : memref<128x128xf32, #tpu.memory_space<vmem>> -> memref<2x128xf32, #tpu.memory_space<vmem>>
    %dma_start3A_438 = arith.constant 6448 : i32
    %dma_start3A_439 = tpu.memref_slice %arg3[%dma_start3A_438, %mul3A_2] : memref<6450x4096xf32, #tpu.memory_space<hbm>> -> memref<2x128xf32, #tpu.memory_space<hbm>>
    %dma_start3A_440 = arith.constant 6448 : i32
    %dma_start3A_441 = tpu.memref_slice %arg3[%dma_start3A_440, %mul3A_2] : memref<6450x4096xf32, #tpu.memory_space<hbm>> -> memref<2x128xf32, #tpu.memory_space<hbm>>
    %dma_start3A_442 = arith.constant 0 : i32
    %dma_start3A_443 = arith.constant 0 : i32
    %dma_start3A_444 = tpu.memref_slice %arg6[%dma_start3A_442, %dma_start3A_443] : memref<128x128xf32, #tpu.memory_space<vmem>> -> memref<2x128xf32, #tpu.memory_space<vmem>>
    tpu.enqueue_dma source(%dma_start3A_444 : memref<2x128xf32, #tpu.memory_space<vmem>>) target(%dma_start3A_441 : memref<2x128xf32, #tpu.memory_space<hbm>>) target_semaphore(%arg10 : memref<!tpu.dma_semaphore, #tpu.memory_space<semaphore_mem>>)
    %dma_wait3A_445 = arith.constant 0 : i32
    %dma_wait3A_446 = arith.constant 0 : i32
    %dma_wait3A_447 = tpu.memref_slice %arg6[%dma_wait3A_445, %dma_wait3A_446] : memref<128x128xf32, #tpu.memory_space<vmem>> -> memref<2x128xf32, #tpu.memory_space<vmem>>
    %dma_wait3A_448 = arith.constant 6448 : i32
    %dma_wait3A_449 = tpu.memref_slice %arg3[%dma_wait3A_448, %mul3A_2] : memref<6450x4096xf32, #tpu.memory_space<hbm>> -> memref<2x128xf32, #tpu.memory_space<hbm>>
    %dma_wait3A_450 = arith.constant 6448 : i32
    %dma_wait3A_451 = tpu.memref_slice %arg3[%dma_wait3A_450, %mul3A_2] : memref<6450x4096xf32, #tpu.memory_space<hbm>> -> memref<2x128xf32, #tpu.memory_space<hbm>>
    %dma_wait3A_452 = arith.constant 0 : i32
    %dma_wait3A_453 = arith.constant 0 : i32
    %dma_wait3A_454 = tpu.memref_slice %arg6[%dma_wait3A_452, %dma_wait3A_453] : memref<128x128xf32, #tpu.memory_space<vmem>> -> memref<2x128xf32, #tpu.memory_space<vmem>>
    tpu.wait_dma2 semaphore(%arg10 : memref<!tpu.dma_semaphore, #tpu.memory_space<semaphore_mem>>) src(%dma_wait3A_454 : memref<2x128xf32, #tpu.memory_space<vmem>>) dst(%dma_wait3A_451 : memref<2x128xf32, #tpu.memory_space<hbm>>)
    %dma_wait3A_455 = arith.constant 0 : i32
    %dma_wait3A_456 = tpu.memref_slice %arg3[%dma_wait3A_455, %mul3A_2] : memref<6450x4096xf32, #tpu.memory_space<hbm>> -> memref<128x128xf32, #tpu.memory_space<hbm>>
    %dma_wait3A_457 = arith.constant 0 : i32
    %dma_wait3A_458 = tpu.memref_slice %arg3[%dma_wait3A_457, %mul3A_2] : memref<6450x4096xf32, #tpu.memory_space<hbm>> -> memref<128x128xf32, #tpu.memory_space<hbm>>
    tpu.wait_dma2 semaphore(%arg11 : memref<!tpu.dma_semaphore, #tpu.memory_space<semaphore_mem>>) src(%arg7 : memref<128x128xf32, #tpu.memory_space<vmem>>) dst(%dma_wait3A_458 : memref<128x128xf32, #tpu.memory_space<hbm>>)
    %dma_wait3A_459 = arith.constant 0 : i32
    %dma_wait3A_460 = tpu.memref_slice %arg3[%dma_wait3A_459, %mul3A_2] : memref<6450x4096xf32, #tpu.memory_space<hbm>> -> memref<48x128xf32, #tpu.memory_space<hbm>>
    %dma_wait3A_461 = arith.constant 0 : i32
    %dma_wait3A_462 = tpu.memref_slice %arg3[%dma_wait3A_461, %mul3A_2] : memref<6450x4096xf32, #tpu.memory_space<hbm>> -> memref<48x128xf32, #tpu.memory_space<hbm>>
    tpu.wait_dma2 semaphore(%arg9 : memref<!tpu.dma_semaphore, #tpu.memory_space<semaphore_mem>>) src(%arg5 : memref<48x128xf32, #tpu.memory_space<vmem>>) dst(%dma_wait3A_462 : memref<48x128xf32, #tpu.memory_space<hbm>>)
    return
  }
}

</mosaic_0001>

<sc_bundles>
// kernel: kernel.3.cloned.1.call-start
scs
__scs_entry_jumppad:
0x0: {  	(pc) =	sbr.rel $0x88, $3  }
0x1: {  	(tag) =	ssettag $0x0;
	lr =	simm.s32 $0x1  }
0x2: {  	[smem:$0x3FA0] =	sst lr;
	_ =	strace $0xD0000000  }
0x3: {  	_ = 	snop  }
0x4: {  	_ = 	snop  }
0x5: {  	_ = 	snop  }
0x6: {  	_ = 	snop  }
0x7: {  	_ = 	snop  }
__scs_overlays_trampoline_lowered:
0x8: {  	[smem:$0x3FAF] =	sst s0  }
0x9: {  	[smem:$0x3FB0] =	sst s1  }
0xa: {  	[smem:$0x3FB1] =	sst s2  }
0xb: {  	[smem:$0x3FB2] =	sst s3  }
0xc: {  	[smem:$0x3FB3] =	sst s4  }
0xd: {  	[smem:$0x3FB4] =	sst s5  }
0xe: {  	[smem:$0x3FB5] =	sst s6  }
0xf: {  	[smem:$0x3FB6] =	sst s7  }
0x10: {  	[smem:$0x3FB7] =	sst s8  }
0x11: {  	[smem:$0x3FB8] =	sst s9;
	s0 =	simm.s32 @!p0 $0x0  }
0x12: {  	s1 =	sld [smem:$0x3F9E];
	s0 =	simm.s32 @p0 $0x1  }
0x13: {  	[smem:$0x3FB9] =	sst s0;
	s0 =	simm.s32 @!p1 $0x0  }
0x14: {  	s2 =	sld [smem:$0x3F9D];
	s0 =	simm.s32 @p1 $0x1  }
0x15: {  	[smem:$0x3FBA] =	sst s0;
	s0 =	simm.s32 @!p2 $0x0  }
0x16: {  	s3 =	sld [smem:$0x3FDB];
	s0 =	simm.s32 @p2 $0x1  }
0x17: {  	s4 =	simm.s32 $0x1BF5;
	[smem:$0x3FBC] =	sst s0  }
0x18: {  	s0 =	sld [smem:$0x3F9F];
	_ =	swait.ge [sflag:s4], $0x0  }
0x19: {  	s7 =	sld [smem:$0x3FA0]  }
0x1a: {  	s8 =	sadd.s32 $0xFFFFE003, lr  }
0x1b: {  	s9 =	sadd.s32 $0xFFFFFEF7, lr;
	s5 =	simm.s32 $0xFFFFFFFF;
	p2 =	slt.u32 s8, $0xFFFFF086  }
0x1c: {  	p1 =	slt.u32 s9, $0xF7A;
	s5 =	simm.s32 @!p2 $0x0  }
0x1d: {  	s5 =	simm.s32 @p1 $0x1;
	p0 =	seq.s32 s7, s2  }
0x1e: {  	s7 =	smul.u32 @!p0 $0xF7A, s2;
	p2 =	seq.s32 @!p0 s5, $0x0  }
0x1f: {  	s9 =	smul.u32 $0xF7A, s1;
	s8 =	simm.s32 @!p0 $0x1BF5;
	p2 =	por !p2, p0  }
0x20: {  	[sflag:s8] =	ssyncset.s32 @!p0 $0xFFFFF086;
	s6 =	sadd.s32 @!p0 s3, s7;
	s7 =	simm.s32 @!p0 $0x108  }
0x21: {  	s3 =	sadd.s32 s3, s9;
	s6 =	sadd.s32 @!p0 $0x88, s6;
	s7 =	simm.s32 @p2 $0x1082  }
0x22: {  	[simem:s7], [sflag:s8] =	dma.local @!p0 [hbm:s6], $0xF7A  }
0x23: {  	s9 =	sor.u32 $0xD0000000, s2;
	s6 =	simm.s32 $0x108;
	_ =	swait.ge @!p0 [sflag:s8], $0x0  }
0x24: {  	s3 =	sadd.s32 $0x88, s3;
	s6 =	simm.s32 @!p1 $0x1082;
	[sflag:s4] =	ssyncset.s32 $0xFFFFF086  }
0x25: {  	[simem:s6], [sflag:s4] =	dma.local [hbm:s3], $0xF7A  }
0x26: {  	[smem:$0x3FA0] =	sst s1;
	(tag) =	ssettag s2;
	_ =	strace s9  }
0x27: {  	s1 =	sld [smem:$0x3FB0]  }
0x28: {  	s2 =	sld [smem:$0x3FB1]  }
0x29: {  	s4 =	sld [smem:$0x3FB3]  }
0x2a: {  	p0 =	seq.s32 s5, $0x0;
	s5 =	sld [smem:$0x3FB4]  }
0x2b: {  	s6 =	sld [smem:$0x3FB5]  }
0x2c: {  	s7 =	sld [smem:$0x3FB6]  }
0x2d: {  	s3 =	simm.s32 $0x108;
	s8 =	sld [smem:$0x3FB7]  }
0x2e: {  	s3 =	simm.s32 @!p0 $0x1082;
	s9 =	sld [smem:$0x3FB8]  }
0x2f: {  	lr =	sadd.s32 s0, s3;
	s0 =	sld [smem:$0x3FAF]  }
0x30: {  	s3 =	sld [smem:$0x3FB2]  }
0x31: {  	[smem:$0x3FBB] =	sst s10  }
0x32: {  	s10 =	sld [smem:$0x3FB9];
	_ =	sdelay $0x3  }
0x33: {  	p0 =	seq.s32 s10, $0x1;
	s10 =	sld [smem:$0x3FBB];
	_ =	sdelay $0x3  }
0x34: {  	[smem:$0x3FBB] =	sst s10  }
0x35: {  	s10 =	sld [smem:$0x3FBA];
	_ =	sdelay $0x3  }
0x36: {  	p1 =	seq.s32 s10, $0x1;
	s10 =	sld [smem:$0x3FBB];
	_ =	sdelay $0x3  }
0x37: {  	[smem:$0x3FBB] =	sst s10  }
0x38: {  	s10 =	sld [smem:$0x3FBC]  }
0x39: {  	_ = 	snop;
	(pc) =	sbr.ind lr, $3  }
0x3a: {  	_ = 	snop  }
0x3b: {  	_ = 	snop  }
0x3c: {  	p2 =	seq.s32 s10, $0x1;
	s10 =	sld [smem:$0x3FBB]  }
0x3d: {  	_ =	shalt  }
0x3e: {  	_ =	shalt  }
0x3f: {  	_ =	shalt  }
0x40: {  	_ =	shalt  }
0x41: {  	_ =	shalt  }
0x42: {  	_ =	shalt  }
0x43: {  	_ =	shalt  }
0x44: {  	_ =	shalt  }
0x45: {  	_ =	shalt  }
0x46: {  	_ =	shalt  }
0x47: {  	_ =	shalt  }
0x48: {  	_ =	shalt  }
0x49: {  	_ =	shalt  }
0x4a: {  	_ =	shalt  }
0x4b: {  	_ =	shalt  }
0x4c: {  	_ =	shalt  }
0x4d: {  	_ =	shalt  }
0x4e: {  	_ =	shalt  }
0x4f: {  	_ =	shalt  }
0x50: {  	_ =	shalt  }
0x51: {  	_ =	shalt  }
0x52: {  	_ =	shalt  }
0x53: {  	_ =	shalt  }
0x54: {  	_ =	shalt  }
0x55: {  	_ =	shalt  }
0x56: {  	_ =	shalt  }
0x57: {  	_ =	shalt  }
0x58: {  	_ =	shalt  }
0x59: {  	_ =	shalt  }
0x5a: {  	_ =	shalt  }
0x5b: {  	_ =	shalt  }
0x5c: {  	_ =	shalt  }
0x5d: {  	_ =	shalt  }
0x5e: {  	_ =	shalt  }
0x5f: {  	_ =	shalt  }
0x60: {  	_ =	shalt  }
0x61: {  	_ =	shalt  }
0x62: {  	_ =	shalt  }
0x63: {  	_ =	shalt  }
0x64: {  	_ =	shalt  }
0x65: {  	_ =	shalt  }
0x66: {  	_ =	shalt  }
0x67: {  	_ =	shalt  }
0x68: {  	_ =	shalt  }
0x69: {  	_ =	shalt  }
0x6a: {  	_ =	shalt  }
0x6b: {  	_ =	shalt  }
0x6c: {  	_ =	shalt  }
0x6d: {  	_ =	shalt  }
0x6e: {  	_ =	shalt  }
0x6f: {  	_ =	shalt  }
0x70: {  	_ =	shalt  }
0x71: {  	_ =	shalt  }
0x72: {  	_ =	shalt  }
0x73: {  	_ =	shalt  }
0x74: {  	_ =	shalt  }
0x75: {  	_ =	shalt  }
0x76: {  	_ =	shalt  }
0x77: {  	_ =	shalt  }
0x78: {  	_ =	shalt  }
0x79: {  	_ =	shalt  }
0x7a: {  	_ =	shalt  }
0x7b: {  	_ =	shalt  }
0x7c: {  	_ =	shalt  }
0x7d: {  	_ =	shalt  }
0x7e: {  	_ =	shalt  }
0x7f: {  	_ =	shalt  }
0x80: {  	_ =	shalt  }
0x81: {  	_ =	shalt  }
0x82: {  	_ =	shalt  }
0x83: {  	_ =	shalt  }
0x84: {  	_ =	shalt  }
0x85: {  	_ =	shalt  }
0x86: {  	_ =	shalt  }
0x87: {  	_ =	shalt  }
.Lfunc_end0:
.L_simem_size_0:
called_computation_lowered:
.L_overlay_start_0:
0x88: {  	s2 =	sld [smem:$0x3FD9]  }
0x89: {  	s3 =	sld [smem:$0x3FFE];
	_ =	sdelay $0x1  }
0x8a: {  	s1 =	srdreg.scid  }
0x8b: {  	s0 =	sand.u32 $0x1, s1  }
0x8c: {  	s18 =	sshll.u32 s0, $0xA;
	s2 =	sadd.s32 s3, s2  }
0x8d: {  	s2 =	sadd.s32 s2, s18  }
0x8e: {  	[smem:$0x3FC7] =	sst s2  }
0x8f: {  	_ = 	snop  }
0x90: {  	s2 =	sld [smem:$0x3FC9]  }
0x91: {  	s19 =	sld [smem:$0x3FD0];
	(tm) =	ssettm $0x1  }
0x92: {  	s4 =	sld [smem:$0x3FFB];
	_ =	sdelay $0x3  }
0x93: {  	_ =	strace s4  }
0x94: {  	s4 =	sld [smem:$0x3FFC];
	_ =	sdelay $0x3  }
0x95: {  	_ =	strace s4  }
0x96: {  	s4 =	sld [smem:$0x3FFD];
	_ =	sdelay $0x3  }
0x97: {  	_ =	strace s4  }
0x98: {  	_ =	strace $0x8FFFFFFF  }
0x99: {  	s20 =	sld [smem:$0x3FDB];
	_ =	sdelay $0x1  }
0x9a: {  	s5 =	simm.s32 $_scs_section_size  }
0x9b: {  	s6 =	simm.s32 $_size__tile_overlayer_lowered;
	s7 =	simm.s32 $_tile_overlayer_lowered  }
0x9c: {  	s23 =	simm.s32 $0x1BFF;
	s22 =	sshll.u32 s7, $0x1;
	s4 =	sadd.s32 s5, s20  }
0x9d: {  	s8 =	simm.s32 $0x0;
	s21 =	sshll.u32 s6, $0x1;
	s6 =	sadd.s32 s22, s4  }
0x9e: {  	[timem:s8], [sflag:s23] =	dma.local [hbm:s6], s21  }
0x9f: {  	_ =	swait.ge [sflag:s23], s21  }
0xa0: {  	s5 =	ssub.s32 $0x0, s21;
	[sflag:s23] =	ssyncset.done $0x0  }
0xa1: {  	[sflag:s23] =	ssyncadd.s32 s5;
	_ =	sdelay $0x1  }
0xa2: {  	s24 =	simm.s32 $0x1B8B  }
0xa3: {  	_ =	swait.ge [sflag:s24], $0x1  }
0xa4: {  	[sflag:s24] =	ssyncset.done $0x0  }
0xa5: {  	s25 =	simm.s32 $0x1B8E;
	[sflag:s24] =	ssyncadd.s32 $0xFFFFFFFF  }
0xa6: {  	s26 =	simm.s32 $execute0_lowered;
	[smem:$0x3FD2] =	sst s25  }
0xa7: {  	s5 =	sshll.u32 s26, $0x1;
	_ =	strace $0x80000046;
	[dreg:$0x1] =	wrdreg $0xFFFFFFFF  }
0xa8: {  	s28 =	simm.s32 $_size_execute0_lowered;
	s4 =	sadd.s32 s4, s5;
	[dreg:$0x0] =	wrdreg $0x0  }
0xa9: {  	s5 =	sshll.u32 s28, $0x1;
	[dreg:$0x2] =	wrdreg s4  }
0xaa: {  	[dreg:$0x3] =	wrdreg s5  }
0xab: {  	[dreg:$0x4] =	wrdreg $0xC0  }
0xac: {  	_ =	task [dreg:s8], $0x5FFFF  }
0xad: {  	[dreg:$0x1] =	wrdreg $0xFFFFFFFF  }
0xae: {  	[dreg:$0x0] =	wrdreg $0x60  }
0xaf: {  	[dreg:$0x2] =	wrdreg s2  }
0xb0: {  	[dreg:$0x3] =	wrdreg s19  }
0xb1: {  	[dreg:$0x4] =	wrdreg $0x9  }
0xb2: {  	_ =	task.clear_ibuf [dreg:s8], $0x5FFFF;
	_ =	strace $0x90000046  }
0xb3: {  	s29 =	simm.s32 $0x9;
	_ =	strace $0x80000048  }
0xb4: {  	_ =	swait.ge [sflag:s29], $0x1  }
0xb5: {  	[sflag:s29] =	ssyncadd.s32 $0xFFFFFFFF  }
0xb6: {  	_ =	strace $0x90000048  }
0xb7: {  	_ =	sfence  }
0xb8: {  	s30 =	sld [smem:$0x0];
	_ =	sdelay $0x2  }
0xb9: {  	s31 =	sshll.u32 s1, $0xD;
	s1 =	sshrl.u32 s1, $0x2  }
0xba: {  	s3 =	sand.u32 $0x4000, s31;
	s1 =	sadd.s32 s1, s30  }
0xbb: {  	s0 =	sor.u32 s3, s0;
	s1 =	sshll.u32 s1, $0x11  }
0xbc: {  	s0 =	sor.u32 s1, s0  }
0xbd: {  	s0 =	sadd.s32 $0x8F2B, s0  }
0xbe: {  	[sflag:s0] =	ssyncadd.remote.s32 $0x1  }
0xbf: {  	_ =	sfence.sel $0xFFFF  }
0xc0: {  	[dreg:$0x0] =	wrdreg $0xFFFFFFFF;
	(pc) =	sbr.abs _section_cstart, $3  }
0xc1: {  	[dreg:$0x1] =	wrdreg $0xFFFFFFFF  }
0xc2: {  	_ =	task.clear_ibuf [dreg:s8], $0x2FFFF;
	_ =	strace $0x9FFFFFFF  }
0xc3: {  	(tm) =	ssettm $0x7FFFFFFF  }
tec
execute0_lowered:
.L_overlay_start_1:
0x0: {  	(tag) =	ssettag $0x1  }
0x1: {  	s3 =	rddreg [dreg:$0x0]  }
0x2: {  	s4 =	rddreg [dreg:$0x1]  }
0x3: {  	s2 =	srdreg.scid;
	s0 =	rddreg [dreg:$0x2]  }
0x4: {  	s1 =	stileid.u32;
	s9 =	simm.s32 $0x400;
	s10 =	simm.s32 $0x8000  }
0x5: {  	s11 =	simm.s32 $0x3000;
	s12 =	simm.s32 $0x1;
	s13 =	simm.s32 $0x3400  }
0x6: {  	s14 =	simm.s32 $0x4C00;
	s15 =	simm.s32 $0x8C00;
	s16 =	simm.s32 $0x3  }
0x7: {  	s17 =	simm.s32 $0x4;
	s18 =	simm.s32 $0x2;
	s19 =	simm.s32 $0x0  }
0x8: {  	s5 =	sand.u32 $0x1, s2;
	s2 =	simm.s32 $0x0;
	s6 =	sshll.u32 s1, $0xB  }
.Ltmp0:
0x9: {  	s7 =	sshll.u32 s5, $0xA;
	s5 =	ssub.s32 $0x2, s5;
	(pc) =	sbr.rel .LBB2_1-.Ltmp0, $4  }
0xa: {  	v0 =	vlaneseq.u32;
	[smem:$0x7FF] =	sst s2;
	s6 =	sor.u32 s7, s6;
	s31 =	sshrl.u32 s5, $0x1  }
0xb: {  	v1 =	vimm.f32 $0.0e+00;
	v2 =	vimm.f32 $1.000000000e+00;
	v3 =	vor.u32 $0x10, v0;
	_ =	strace $0x80000047;
	s6 =	sshrl.u32 s6, $0x3;
	s7 =	ssub.s32 s5, s31  }
0xc: {  	v4 =	vor.u32 $0x20, v0;
	v5 =	vor.u32 $0x30, v0;
	v6 =	vor.u32 $0x40, v0;
	s3 =	sadd.s32 s3, s6;
	s4 =	sadd.s32 s6, s4;
	s7 =	smax.u32 s7, $0x1  }
0xd: {  	v7 =	vor.u32 $0x50, v0;
	v8 =	vor.u32 $0x60, v0;
	v9 =	vor.u32 $0x70, v0;
	s5 =	sadd.s32 $0xC000, s3;
	s6 =	sadd.s32 $0x326000, s4;
	s8 =	sadd.s32 $0x16000, s4  }
.LBB2_15:
0xe: {  	_ =	swait.ge [sflag:s16], $0x4000  }
0xf: {  	[sflag:s16] =	ssyncset.done $0x0  }
0x10: {  	[sflag:s16] =	ssyncadd.s32 $0xFFFFC000  }
0x11: {  	v10 =	vld [tilespmem:$0x3080];
	_ =	sdelay $0x4  }
0x12: {  	v10 =	vtrunc.f32 v10  }
0x13: {  	v10 =	vcvt.f32.s32 v10;
	_ =	sdelay $0x1  }
0x14: {  	v11 =	vadd.s32 $0xFFFFFF82, v10  }
0x15: {  	vm0 =	vgt.s32 v11, $0x0  }
0x16: {  	v11 =	vnsel vm0, $0x0, v11  }
0x17: {  	vm5 =	vgt.s32 v10, $0x7D;
	v10 =	vshll.u32 v11, $0x7  }
0x18: {  	v10 =	vor.u32 v0, v10;
	_ =	sdelay $0x4  }
0x19: {  	[tilespmem:v10+s14+$0x0] =	vst.idx.msk vm5, v1  }
0x1a: {  	v10 =	vld [tilespmem:$0x3090];
	_ =	sdelay $0x4  }
0x1b: {  	v10 =	vtrunc.f32 v10  }
0x1c: {  	v10 =	vcvt.f32.s32 v10;
	_ =	sdelay $0x1  }
0x1d: {  	v11 =	vadd.s32 $0xFFFFFF82, v10  }
0x1e: {  	vm6 =	vgt.s32 v11, $0x0  }
0x1f: {  	v11 =	vnsel vm6, $0x0, v11  }
0x20: {  	vm7 =	vgt.s32 v10, $0x7D;
	v10 =	vshll.u32 v11, $0x7  }
0x21: {  	v10 =	vor.u32 v3, v10;
	_ =	sdelay $0x4  }
0x22: {  	[tilespmem:v10+s14+$0x0] =	vst.idx.msk vm7, v1  }
0x23: {  	v10 =	vld [tilespmem:$0x30A0];
	_ =	sdelay $0x4  }
0x24: {  	v10 =	vtrunc.f32 v10  }
0x25: {  	v10 =	vcvt.f32.s32 v10;
	_ =	sdelay $0x1  }
0x26: {  	v11 =	vadd.s32 $0xFFFFFF82, v10  }
0x27: {  	vm8 =	vgt.s32 v11, $0x0  }
0x28: {  	v11 =	vnsel vm8, $0x0, v11  }
0x29: {  	vm9 =	vgt.s32 v10, $0x7D;
	v10 =	vshll.u32 v11, $0x7  }
0x2a: {  	v10 =	vor.u32 v4, v10;
	_ =	sdelay $0x4  }
0x2b: {  	[tilespmem:v10+s14+$0x0] =	vst.idx.msk vm9, v1  }
0x2c: {  	v10 =	vld [tilespmem:$0x30B0];
	_ =	sdelay $0x4  }
0x2d: {  	v10 =	vtrunc.f32 v10  }
0x2e: {  	v10 =	vcvt.f32.s32 v10;
	_ =	sdelay $0x1  }
0x2f: {  	v11 =	vadd.s32 $0xFFFFFF82, v10  }
0x30: {  	vm10 =	vgt.s32 v11, $0x0  }
0x31: {  	v11 =	vnsel vm10, $0x0, v11  }
0x32: {  	vm11 =	vgt.s32 v10, $0x7D;
	v10 =	vshll.u32 v11, $0x7  }
0x33: {  	v10 =	vor.u32 v5, v10;
	_ =	sdelay $0x4  }
0x34: {  	[tilespmem:v10+s14+$0x0] =	vst.idx.msk vm11, v1  }
0x35: {  	v10 =	vld [tilespmem:$0x30C0];
	_ =	sdelay $0x4  }
0x36: {  	v10 =	vtrunc.f32 v10  }
0x37: {  	v10 =	vcvt.f32.s32 v10;
	_ =	sdelay $0x1  }
0x38: {  	v11 =	vadd.s32 $0xFFFFFF82, v10  }
0x39: {  	vm12 =	vgt.s32 v11, $0x0  }
0x3a: {  	v11 =	vnsel vm12, $0x0, v11  }
0x3b: {  	vm13 =	vgt.s32 v10, $0x7D;
	v10 =	vshll.u32 v11, $0x7  }
0x3c: {  	v10 =	vor.u32 v6, v10;
	_ =	sdelay $0x4  }
0x3d: {  	[tilespmem:v10+s14+$0x0] =	vst.idx.msk vm13, v1  }
0x3e: {  	v10 =	vld [tilespmem:$0x30D0];
	_ =	sdelay $0x4  }
0x3f: {  	v10 =	vtrunc.f32 v10  }
0x40: {  	v10 =	vcvt.f32.s32 v10;
	_ =	sdelay $0x1  }
0x41: {  	v11 =	vadd.s32 $0xFFFFFF82, v10  }
0x42: {  	vm14 =	vgt.s32 v11, $0x0  }
0x43: {  	v11 =	vnsel vm14, $0x0, v11  }
0x44: {  	vm15 =	vgt.s32 v10, $0x7D;
	v10 =	vshll.u32 v11, $0x7  }
0x45: {  	v10 =	vor.u32 v7, v10;
	_ =	sdelay $0x4  }
0x46: {  	[tilespmem:v10+s14+$0x0] =	vst.idx.msk vm15, v1  }
0x47: {  	v10 =	vld [tilespmem:$0x30E0];
	_ =	sdelay $0x4  }
0x48: {  	v10 =	vtrunc.f32 v10  }
0x49: {  	v10 =	vcvt.f32.s32 v10;
	_ =	sdelay $0x1  }
0x4a: {  	v11 =	vadd.s32 $0xFFFFFF82, v10  }
0x4b: {  	vm4 =	vgt.s32 v11, $0x0  }
0x4c: {  	v11 =	vnsel vm4, $0x0, v11  }
0x4d: {  	vm5 =	vgt.s32 v10, $0x7D;
	v10 =	vshll.u32 v11, $0x7  }
0x4e: {  	v10 =	vor.u32 v8, v10;
	_ =	sdelay $0x4  }
0x4f: {  	[tilespmem:v10+s14+$0x0] =	vst.idx.msk vm5, v1  }
0x50: {  	v10 =	vld [tilespmem:$0x30F0];
	_ =	sdelay $0x4  }
0x51: {  	v10 =	vtrunc.f32 v10  }
0x52: {  	v10 =	vcvt.f32.s32 v10;
	_ =	sdelay $0x1  }
0x53: {  	v11 =	vadd.s32 $0xFFFFFF82, v10  }
0x54: {  	vm6 =	vgt.s32 v11, $0x0  }
0x55: {  	v11 =	vnsel vm6, $0x0, v11  }
0x56: {  	vm7 =	vgt.s32 v10, $0x7D;
	v10 =	vshll.u32 v11, $0x7  }
0x57: {  	v10 =	vor.u32 v9, v10;
	_ =	sdelay $0x4  }
0x58: {  	[tilespmem:v10+s14+$0x0] =	vst.idx.msk vm7, v1  }
0x59: {  	v10 =	vld [tilespmem:$0x3100];
	_ =	sdelay $0x4  }
0x5a: {  	v10 =	vtrunc.f32 v10  }
0x5b: {  	v10 =	vcvt.f32.s32 v10;
	_ =	sdelay $0x1  }
0x5c: {  	v11 =	vadd.s32 $0x2, v10  }
0x5d: {  	vm8 =	vlt.s32 v11, $0x7F  }
0x5e: {  	v11 =	vnsel vm8, $0x7F, v11  }
0x5f: {  	vm9 =	vlt.s32 v10, $0x7E;
	v10 =	vshll.u32 v11, $0x7  }
0x60: {  	v10 =	vor.u32 v0, v10;
	_ =	sdelay $0x4  }
0x61: {  	[tilespmem:v10+s14+$0x0] =	vst.idx.msk vm9, v1  }
0x62: {  	v10 =	vld [tilespmem:$0x3110];
	_ =	sdelay $0x4  }
0x63: {  	v10 =	vtrunc.f32 v10  }
0x64: {  	v10 =	vcvt.f32.s32 v10;
	_ =	sdelay $0x1  }
0x65: {  	v11 =	vadd.s32 $0x2, v10  }
0x66: {  	vm10 =	vlt.s32 v11, $0x7F  }
0x67: {  	v11 =	vnsel vm10, $0x7F, v11  }
0x68: {  	vm11 =	vlt.s32 v10, $0x7E;
	v10 =	vshll.u32 v11, $0x7  }
0x69: {  	v10 =	vor.u32 v3, v10;
	_ =	sdelay $0x4  }
0x6a: {  	[tilespmem:v10+s14+$0x0] =	vst.idx.msk vm11, v1  }
0x6b: {  	v10 =	vld [tilespmem:$0x3120];
	_ =	sdelay $0x4  }
0x6c: {  	v10 =	vtrunc.f32 v10  }
0x6d: {  	v10 =	vcvt.f32.s32 v10;
	_ =	sdelay $0x1  }
0x6e: {  	v11 =	vadd.s32 $0x2, v10  }
0x6f: {  	vm12 =	vlt.s32 v11, $0x7F  }
0x70: {  	v11 =	vnsel vm12, $0x7F, v11  }
0x71: {  	vm13 =	vlt.s32 v10, $0x7E;
	v10 =	vshll.u32 v11, $0x7  }
0x72: {  	v10 =	vor.u32 v4, v10;
	_ =	sdelay $0x4  }
0x73: {  	[tilespmem:v10+s14+$0x0] =	vst.idx.msk vm13, v1  }
0x74: {  	v10 =	vld [tilespmem:$0x3130];
	_ =	sdelay $0x4  }
0x75: {  	v10 =	vtrunc.f32 v10  }
0x76: {  	v10 =	vcvt.f32.s32 v10;
	_ =	sdelay $0x1  }
0x77: {  	v11 =	vadd.s32 $0x2, v10  }
0x78: {  	vm14 =	vlt.s32 v11, $0x7F  }
0x79: {  	v11 =	vnsel vm14, $0x7F, v11  }
0x7a: {  	vm15 =	vlt.s32 v10, $0x7E;
	v10 =	vshll.u32 v11, $0x7  }
0x7b: {  	v10 =	vor.u32 v5, v10;
	_ =	sdelay $0x4  }
0x7c: {  	[tilespmem:v10+s14+$0x0] =	vst.idx.msk vm15, v1  }
0x7d: {  	v10 =	vld [tilespmem:$0x3140];
	_ =	sdelay $0x4  }
0x7e: {  	v10 =	vtrunc.f32 v10  }
0x7f: {  	v10 =	vcvt.f32.s32 v10;
	_ =	sdelay $0x1  }
0x80: {  	v11 =	vadd.s32 $0x2, v10  }
0x81: {  	vm4 =	vlt.s32 v11, $0x7F  }
0x82: {  	v11 =	vnsel vm4, $0x7F, v11  }
0x83: {  	vm5 =	vlt.s32 v10, $0x7E;
	v10 =	vshll.u32 v11, $0x7  }
0x84: {  	v10 =	vor.u32 v6, v10;
	_ =	sdelay $0x4  }
0x85: {  	[tilespmem:v10+s14+$0x0] =	vst.idx.msk vm5, v1  }
0x86: {  	v10 =	vld [tilespmem:$0x3150];
	_ =	sdelay $0x4  }
0x87: {  	v10 =	vtrunc.f32 v10  }
0x88: {  	v10 =	vcvt.f32.s32 v10;
	_ =	sdelay $0x1  }
0x89: {  	v11 =	vadd.s32 $0x2, v10  }
0x8a: {  	vm6 =	vlt.s32 v11, $0x7F  }
0x8b: {  	v11 =	vnsel vm6, $0x7F, v11  }
0x8c: {  	vm7 =	vlt.s32 v10, $0x7E;
	v10 =	vshll.u32 v11, $0x7  }
0x8d: {  	v10 =	vor.u32 v7, v10;
	_ =	sdelay $0x4  }
0x8e: {  	[tilespmem:v10+s14+$0x0] =	vst.idx.msk vm7, v1  }
0x8f: {  	v10 =	vld [tilespmem:$0x3160];
	_ =	sdelay $0x4  }
0x90: {  	v10 =	vtrunc.f32 v10  }
0x91: {  	v10 =	vcvt.f32.s32 v10;
	_ =	sdelay $0x1  }
0x92: {  	v11 =	vadd.s32 $0x2, v10  }
0x93: {  	vm8 =	vlt.s32 v11, $0x7F  }
0x94: {  	v11 =	vnsel vm8, $0x7F, v11  }
0x95: {  	vm9 =	vlt.s32 v10, $0x7E;
	v10 =	vshll.u32 v11, $0x7  }
0x96: {  	v10 =	vor.u32 v8, v10;
	_ =	sdelay $0x4  }
0x97: {  	[tilespmem:v10+s14+$0x0] =	vst.idx.msk vm9, v1  }
0x98: {  	v10 =	vld [tilespmem:$0x3170];
	_ =	sdelay $0x4  }
0x99: {  	v10 =	vtrunc.f32 v10  }
0x9a: {  	v10 =	vcvt.f32.s32 v10;
	_ =	sdelay $0x1  }
0x9b: {  	v11 =	vadd.s32 $0x2, v10  }
0x9c: {  	vm10 =	vlt.s32 v11, $0x7F  }
0x9d: {  	v11 =	vnsel vm10, $0x7F, v11  }
0x9e: {  	vm11 =	vlt.s32 v10, $0x7E;
	v10 =	vshll.u32 v11, $0x7  }
0x9f: {  	v10 =	vor.u32 v9, v10;
	_ =	sdelay $0x4  }
0xa0: {  	[tilespmem:v10+s14+$0x0] =	vst.idx.msk vm11, v1  }
0xa1: {  	v10 =	vld [tilespmem:$0x3180];
	_ =	sdelay $0x4  }
0xa2: {  	v10 =	vtrunc.f32 v10  }
0xa3: {  	v10 =	vcvt.f32.s32 v10;
	_ =	sdelay $0x1  }
0xa4: {  	v11 =	vadd.s32 $0xFFFFFF82, v10  }
0xa5: {  	vm12 =	vgt.s32 v11, $0x0  }
0xa6: {  	v11 =	vnsel vm12, $0x0, v11  }
0xa7: {  	vm13 =	vgt.s32 v10, $0x7D;
	v10 =	vshll.u32 v11, $0x7  }
0xa8: {  	v10 =	vor.u32 v0, v10;
	_ =	sdelay $0x4  }
0xa9: {  	[tilespmem:v10+s14+$0x0] =	vst.idx.msk vm13, v2  }
0xaa: {  	v10 =	vld [tilespmem:$0x3190];
	_ =	sdelay $0x4  }
0xab: {  	v10 =	vtrunc.f32 v10  }
0xac: {  	v10 =	vcvt.f32.s32 v10;
	_ =	sdelay $0x1  }
0xad: {  	v11 =	vadd.s32 $0xFFFFFF82, v10  }
0xae: {  	vm14 =	vgt.s32 v11, $0x0  }
0xaf: {  	v11 =	vnsel vm14, $0x0, v11  }
0xb0: {  	vm15 =	vgt.s32 v10, $0x7D;
	v10 =	vshll.u32 v11, $0x7  }
0xb1: {  	v10 =	vor.u32 v3, v10;
	_ =	sdelay $0x4  }
0xb2: {  	[tilespmem:v10+s14+$0x0] =	vst.idx.msk vm15, v2  }
0xb3: {  	v10 =	vld [tilespmem:$0x31A0];
	_ =	sdelay $0x4  }
0xb4: {  	v10 =	vtrunc.f32 v10  }
0xb5: {  	v10 =	vcvt.f32.s32 v10;
	_ =	sdelay $0x1  }
0xb6: {  	v11 =	vadd.s32 $0xFFFFFF82, v10  }
0xb7: {  	vm4 =	vgt.s32 v11, $0x0  }
0xb8: {  	v11 =	vnsel vm4, $0x0, v11  }
0xb9: {  	vm5 =	vgt.s32 v10, $0x7D;
	v10 =	vshll.u32 v11, $0x7  }
0xba: {  	v10 =	vor.u32 v4, v10;
	_ =	sdelay $0x4  }
0xbb: {  	[tilespmem:v10+s14+$0x0] =	vst.idx.msk vm5, v2  }
0xbc: {  	v10 =	vld [tilespmem:$0x31B0];
	_ =	sdelay $0x4  }
0xbd: {  	v10 =	vtrunc.f32 v10  }
0xbe: {  	v10 =	vcvt.f32.s32 v10;
	_ =	sdelay $0x1  }
0xbf: {  	v11 =	vadd.s32 $0xFFFFFF82, v10  }
0xc0: {  	vm6 =	vgt.s32 v11, $0x0  }
0xc1: {  	v11 =	vnsel vm6, $0x0, v11  }
0xc2: {  	vm7 =	vgt.s32 v10, $0x7D;
	v10 =	vshll.u32 v11, $0x7  }
0xc3: {  	v10 =	vor.u32 v5, v10;
	_ =	sdelay $0x4  }
0xc4: {  	[tilespmem:v10+s14+$0x0] =	vst.idx.msk vm7, v2  }
0xc5: {  	v10 =	vld [tilespmem:$0x31C0];
	_ =	sdelay $0x4  }
0xc6: {  	v10 =	vtrunc.f32 v10  }
0xc7: {  	v10 =	vcvt.f32.s32 v10;
	_ =	sdelay $0x1  }
0xc8: {  	v11 =	vadd.s32 $0xFFFFFF82, v10  }
0xc9: {  	vm8 =	vgt.s32 v11, $0x0  }
0xca: {  	v11 =	vnsel vm8, $0x0, v11  }
0xcb: {  	vm9 =	vgt.s32 v10, $0x7D;
	v10 =	vshll.u32 v11, $0x7  }
0xcc: {  	v10 =	vor.u32 v6, v10;
	_ =	sdelay $0x4  }
0xcd: {  	[tilespmem:v10+s14+$0x0] =	vst.idx.msk vm9, v2  }
0xce: {  	v10 =	vld [tilespmem:$0x31D0];
	_ =	sdelay $0x4  }
0xcf: {  	v10 =	vtrunc.f32 v10  }
0xd0: {  	v10 =	vcvt.f32.s32 v10;
	_ =	sdelay $0x1  }
0xd1: {  	v11 =	vadd.s32 $0xFFFFFF82, v10  }
0xd2: {  	vm10 =	vgt.s32 v11, $0x0  }
0xd3: {  	v11 =	vnsel vm10, $0x0, v11  }
0xd4: {  	vm11 =	vgt.s32 v10, $0x7D;
	v10 =	vshll.u32 v11, $0x7  }
0xd5: {  	v10 =	vor.u32 v7, v10;
	_ =	sdelay $0x4  }
0xd6: {  	[tilespmem:v10+s14+$0x0] =	vst.idx.msk vm11, v2  }
0xd7: {  	v10 =	vld [tilespmem:$0x31E0];
	_ =	sdelay $0x4  }
0xd8: {  	v10 =	vtrunc.f32 v10  }
0xd9: {  	v10 =	vcvt.f32.s32 v10;
	_ =	sdelay $0x1  }
0xda: {  	v11 =	vadd.s32 $0xFFFFFF82, v10  }
0xdb: {  	vm12 =	vgt.s32 v11, $0x0  }
0xdc: {  	v11 =	vnsel vm12, $0x0, v11  }
0xdd: {  	vm13 =	vgt.s32 v10, $0x7D;
	v10 =	vshll.u32 v11, $0x7  }
0xde: {  	v10 =	vor.u32 v8, v10;
	_ =	sdelay $0x4  }
0xdf: {  	[tilespmem:v10+s14+$0x0] =	vst.idx.msk vm13, v2  }
0xe0: {  	v10 =	vld [tilespmem:$0x31F0];
	_ =	sdelay $0x4  }
0xe1: {  	v10 =	vtrunc.f32 v10  }
0xe2: {  	v10 =	vcvt.f32.s32 v10;
	_ =	sdelay $0x1  }
0xe3: {  	v11 =	vadd.s32 $0xFFFFFF82, v10  }
0xe4: {  	vm14 =	vgt.s32 v11, $0x0  }
0xe5: {  	v11 =	vnsel vm14, $0x0, v11  }
0xe6: {  	vm15 =	vgt.s32 v10, $0x7D;
	v10 =	vshll.u32 v11, $0x7  }
0xe7: {  	v10 =	vor.u32 v9, v10;
	_ =	sdelay $0x4  }
0xe8: {  	[tilespmem:v10+s14+$0x0] =	vst.idx.msk vm15, v2  }
0xe9: {  	[hbm4b:s6+s9] =	stream.strided.scatter [tilespmem:s14], [sflag:$0x3], $0x0, s10, s9, $0x38;
	[tilespmem:$0xCC00] =	vst v63  }
0xea: {  	_ = 	snop  }
0xeb: {  	[hbm4b:s6+s2] =	stream.linear.scatter [tilespmem:s14], [sflag:$0x3], $0x100, $0x38;
	[tilespmem:$0xCC00] =	vst v63  }
0xec: {  	_ =	swait.ge [sflag:s16], $0x100  }
0xed: {  	[sflag:s16] =	ssyncset.done $0x0  }
0xee: {  	s19 =	sadd.s32 $0x1, s19;
	[sflag:s16] =	ssyncadd.s32 $0xFFFFFF00  }
0xef: {  	p0 =	sne.s32 s19, s7;
	_ =	swait.ge [sflag:s17], $0x4000  }
.Ltmp1:
0xf0: {  	[sflag:s17] =	ssyncset.done $0x0;
	(pc) =	sbr.rel @!p0 .LBB2_16-.Ltmp1, $4  }
0xf1: {  	[sflag:s17] =	ssyncadd.s32 $0xFFFFC000  }
0xf2: {  	_ =	swait.ge [sflag:s18], $0x1800  }
0xf3: {  	[sflag:s18] =	ssyncset.done $0x0  }
0xf4: {  	[sflag:s18] =	ssyncadd.s32 $0xFFFFE800  }
.LBB2_1:
0xf5: {  	[tilespmem:s2], [sflag:$0x1] =	stream.strided.gather [hbm4b:s3+s9], $0x3000, s10, s9, $0x38;
	[tilespmem:$0xCC00] =	vst v63  }
0xf6: {  	_ = 	snop  }
0xf7: {  	[tilespmem:s11], [sflag:$0x1] =	stream.linear.gather [hbm4b:s5+s2], $0x200, $0x38;
	[tilespmem:$0xCC00] =	vst v63  }
0xf8: {  	_ =	swait.ge [sflag:s12], $0x3200  }
0xf9: {  	[sflag:s12] =	ssyncset.done $0x0  }
0xfa: {  	s20 =	simm.s32 $0x0;
	[sflag:s12] =	ssyncadd.s32 $0xFFFFCE00  }
0xfb: {  	v13 =	vld [tilespmem:s20+$0x70]  }
0xfc: {  	v14 =	vld [tilespmem:s20+$0x0]  }
0xfd: {  	v15 =	vld [tilespmem:s20+$0x10]  }
0xfe: {  	v12 =	vld [tilespmem:s20+$0x20]  }
0xff: {  	v10 =	vld [tilespmem:s20+$0x30]  }
0x100: {  	v11 =	vld [tilespmem:s20+$0x40];
	[tilespmem:s20+$0x3470] =	vst v13  }
0x101: {  	[tilespmem:s20+$0x3400] =	vst v14;
	v13 =	vld [tilespmem:s20+$0x50]  }
0x102: {  	s21 =	simm.s32 $0x80;
	s22 =	simm.s32 $0x400;
	[tilespmem:s20+$0x3410] =	vst v15;
	v14 =	vld [tilespmem:s20+$0x60]  }
.LBB2_2:
0x103: {  	p0 =	sne.s32 s22, $0x5E00;
	v15 =	vld [tilespmem:s21+$0x70];
	[tilespmem:s20+$0x3420] =	vst v12  }
0x104: {  	v16 =	vld [tilespmem:s21+$0x0];
	[tilespmem:s20+$0x3430] =	vst v10  }
0x105: {  	v17 =	vld [tilespmem:s21+$0x10];
	[tilespmem:s20+$0x3440] =	vst v11  }
.Ltmp2:
0x106: {  	v12 =	vld [tilespmem:s21+$0x20];
	[tilespmem:s20+$0x3450] =	vst v13;
	(pc) =	sbr.rel @p0 .LBB2_2-.Ltmp2, $4  }
0x107: {  	v10 =	vld [tilespmem:s21+$0x30];
	[tilespmem:s20+$0x3460] =	vst v14;
	s20 =	smov.u32 s21  }
0x108: {  	v11 =	vld [tilespmem:s20+$0x40];
	[tilespmem:s20+$0x3470] =	vst v15  }
0x109: {  	[tilespmem:s20+$0x3400] =	vst v16;
	v13 =	vld [tilespmem:s20+$0x50]  }
0x10a: {  	s21 =	sshra.s32 s22, $0x2;
	s22 =	sadd.s32 $0x200, s22;
	[tilespmem:s20+$0x3410] =	vst v17;
	v14 =	vld [tilespmem:s20+$0x60]  }
0x10b: {  	v15 =	vld [tilespmem:s21+$0x70];
	[tilespmem:s20+$0x3420] =	vst v12  }
0x10c: {  	v12 =	vld [tilespmem:s21+$0x0];
	[tilespmem:s20+$0x3430] =	vst v10  }
0x10d: {  	v10 =	vld [tilespmem:s21+$0x10];
	[tilespmem:s20+$0x3440] =	vst v11  }
0x10e: {  	v11 =	vld [tilespmem:s21+$0x20];
	[tilespmem:s20+$0x3450] =	vst v13  }
0x10f: {  	v13 =	vld [tilespmem:s21+$0x30];
	[tilespmem:s20+$0x3460] =	vst v14  }
0x110: {  	v14 =	vld [tilespmem:s21+$0x40];
	[tilespmem:s21+$0x3470] =	vst v15  }
0x111: {  	v63 =	vld [tilespmem:s21+$0x50];
	[tilespmem:s21+$0x3400] =	vst v12  }
0x112: {  	[tilespmem:s21+$0x3410] =	vst v10;
	v10 =	vld [tilespmem:s21+$0x60]  }
0x113: {  	[tilespmem:s21+$0x3420] =	vst v11  }
0x114: {  	[tilespmem:s21+$0x3430] =	vst v13  }
0x115: {  	[tilespmem:s21+$0x3440] =	vst v14  }
0x116: {  	[tilespmem:s21+$0x3450] =	vst v63  }
0x117: {  	s22 =	simm.s32 $0x200;
	s20 =	simm.s32 $0x0;
	[tilespmem:s21+$0x3460] =	vst v10;
	s21 =	simm.s32 $0x0  }
0x118: {  	[hbm4b:s4+s9] =	stream.strided.scatter [tilespmem:s13], [sflag:$0x2], $0x1800, s10, s9, $0x38;
	[tilespmem:$0xCC00] =	vst v63  }
.LBB2_4:
0x119: {  	p0 =	sne.s32 s22, $0xFE00;
	[tilespmem:s21+$0x8C70] =	vst v1  }
0x11a: {  	[tilespmem:s21+$0x4C00] =	vst v1  }
0x11b: {  	[tilespmem:s21+$0x8C00] =	vst v1  }
0x11c: {  	[tilespmem:s21+$0x4C10] =	vst v1  }
0x11d: {  	[tilespmem:s21+$0x8C10] =	vst v1  }
0x11e: {  	[tilespmem:s21+$0x4C20] =	vst v1  }
0x11f: {  	[tilespmem:s21+$0x8C20] =	vst v1  }
0x120: {  	[tilespmem:s21+$0x4C30] =	vst v1  }
0x121: {  	[tilespmem:s21+$0x8C30] =	vst v1  }
0x122: {  	[tilespmem:s21+$0x4C40] =	vst v1  }
0x123: {  	[tilespmem:s21+$0x8C40] =	vst v1  }
.Ltmp3:
0x124: {  	[tilespmem:s21+$0x4C50] =	vst v1;
	(pc) =	sbr.rel @p0 .LBB2_4-.Ltmp3, $4  }
0x125: {  	[tilespmem:s21+$0x8C50] =	vst v1  }
0x126: {  	[tilespmem:s21+$0x4C60] =	vst v1  }
0x127: {  	[tilespmem:s21+$0x8C60] =	vst v1  }
0x128: {  	[tilespmem:s21+$0x4C70] =	vst v1;
	s21 =	sshra.s32 s22, $0x2;
	s22 =	sadd.s32 $0x200, s22  }
0x129: {  	[tilespmem:s21+$0x8C70] =	vst v1  }
0x12a: {  	[tilespmem:s21+$0x4C00] =	vst v1  }
0x12b: {  	[tilespmem:s21+$0x8C00] =	vst v1  }
0x12c: {  	[tilespmem:s21+$0x4C10] =	vst v1  }
0x12d: {  	[tilespmem:s21+$0x8C10] =	vst v1  }
0x12e: {  	[tilespmem:s21+$0x4C20] =	vst v1  }
0x12f: {  	[tilespmem:s21+$0x8C20] =	vst v1  }
0x130: {  	[tilespmem:s21+$0x4C30] =	vst v1  }
0x131: {  	[tilespmem:s21+$0x8C30] =	vst v1  }
0x132: {  	[tilespmem:s21+$0x4C40] =	vst v1  }
0x133: {  	[tilespmem:s21+$0x8C40] =	vst v1  }
.Ltmp4:
0x134: {  	[tilespmem:s21+$0x4C50] =	vst v1;
	(pc) =	sbr.rel .LBB2_6-.Ltmp4, $4  }
0x135: {  	[tilespmem:s21+$0x8C50] =	vst v1  }
0x136: {  	[tilespmem:s21+$0x4C60] =	vst v1  }
0x137: {  	[tilespmem:s21+$0x8C60] =	vst v1  }
0x138: {  	[tilespmem:s21+$0x4C70] =	vst v1;
	s21 =	smov.u32 s8  }
.LBB2_14:
0x139: {  	v10 =	vld [tilespmem:s22+$0x1900];
	_ =	sdelay $0x4  }
0x13a: {  	v10 =	vtrunc.f32 v10  }
0x13b: {  	v10 =	vcvt.f32.s32 v10;
	_ =	sdelay $0x1  }
0x13c: {  	v11 =	vadd.s32 $0xFFFFFF82, v10  }
0x13d: {  	vm0 =	vgt.s32 v11, $0x0  }
0x13e: {  	v11 =	vnsel vm0, $0x0, v11  }
0x13f: {  	vm9 =	vgt.s32 v10, $0x7D;
	v10 =	vshll.u32 v11, $0x7  }
0x140: {  	v10 =	vor.u32 v0, v10;
	_ =	sdelay $0x4  }
0x141: {  	[tilespmem:v10+s15+$0x0] =	vst.idx.msk vm9, v2  }
0x142: {  	v10 =	vld [tilespmem:s22+$0x1910];
	_ =	sdelay $0x4  }
0x143: {  	v10 =	vtrunc.f32 v10  }
0x144: {  	v10 =	vcvt.f32.s32 v10;
	_ =	sdelay $0x1  }
0x145: {  	v11 =	vadd.s32 $0xFFFFFF82, v10  }
0x146: {  	vm10 =	vgt.s32 v11, $0x0  }
0x147: {  	v11 =	vnsel vm10, $0x0, v11  }
0x148: {  	vm11 =	vgt.s32 v10, $0x7D;
	v10 =	vshll.u32 v11, $0x7  }
0x149: {  	v10 =	vor.u32 v3, v10;
	_ =	sdelay $0x4  }
0x14a: {  	[tilespmem:v10+s15+$0x0] =	vst.idx.msk vm11, v2  }
0x14b: {  	v10 =	vld [tilespmem:s22+$0x1920];
	_ =	sdelay $0x4  }
0x14c: {  	v10 =	vtrunc.f32 v10  }
0x14d: {  	v10 =	vcvt.f32.s32 v10;
	_ =	sdelay $0x1  }
0x14e: {  	v11 =	vadd.s32 $0xFFFFFF82, v10  }
0x14f: {  	vm12 =	vgt.s32 v11, $0x0  }
0x150: {  	v11 =	vnsel vm12, $0x0, v11  }
0x151: {  	vm13 =	vgt.s32 v10, $0x7D;
	v10 =	vshll.u32 v11, $0x7  }
0x152: {  	v10 =	vor.u32 v4, v10;
	_ =	sdelay $0x4  }
0x153: {  	[tilespmem:v10+s15+$0x0] =	vst.idx.msk vm13, v2  }
0x154: {  	v10 =	vld [tilespmem:s22+$0x1930];
	_ =	sdelay $0x4  }
0x155: {  	v10 =	vtrunc.f32 v10  }
0x156: {  	v10 =	vcvt.f32.s32 v10;
	_ =	sdelay $0x1  }
0x157: {  	v11 =	vadd.s32 $0xFFFFFF82, v10  }
0x158: {  	vm14 =	vgt.s32 v11, $0x0  }
0x159: {  	v11 =	vnsel vm14, $0x0, v11  }
0x15a: {  	vm15 =	vgt.s32 v10, $0x7D;
	v10 =	vshll.u32 v11, $0x7  }
0x15b: {  	v10 =	vor.u32 v5, v10;
	_ =	sdelay $0x4  }
0x15c: {  	[tilespmem:v10+s15+$0x0] =	vst.idx.msk vm15, v2  }
0x15d: {  	v10 =	vld [tilespmem:s22+$0x1940];
	_ =	sdelay $0x4  }
0x15e: {  	v10 =	vtrunc.f32 v10  }
0x15f: {  	v10 =	vcvt.f32.s32 v10;
	_ =	sdelay $0x1  }
0x160: {  	v11 =	vadd.s32 $0xFFFFFF82, v10  }
0x161: {  	vm4 =	vgt.s32 v11, $0x0  }
0x162: {  	v11 =	vnsel vm4, $0x0, v11  }
0x163: {  	vm5 =	vgt.s32 v10, $0x7D;
	v10 =	vshll.u32 v11, $0x7  }
0x164: {  	v10 =	vor.u32 v6, v10;
	_ =	sdelay $0x4  }
0x165: {  	[tilespmem:v10+s15+$0x0] =	vst.idx.msk vm5, v2  }
0x166: {  	v10 =	vld [tilespmem:s22+$0x1950];
	_ =	sdelay $0x4  }
0x167: {  	v10 =	vtrunc.f32 v10  }
0x168: {  	v10 =	vcvt.f32.s32 v10;
	_ =	sdelay $0x1  }
0x169: {  	v11 =	vadd.s32 $0xFFFFFF82, v10  }
0x16a: {  	vm6 =	vgt.s32 v11, $0x0  }
0x16b: {  	v11 =	vnsel vm6, $0x0, v11  }
0x16c: {  	vm7 =	vgt.s32 v10, $0x7D;
	v10 =	vshll.u32 v11, $0x7  }
0x16d: {  	v10 =	vor.u32 v7, v10;
	_ =	sdelay $0x4  }
0x16e: {  	[tilespmem:v10+s15+$0x0] =	vst.idx.msk vm7, v2  }
0x16f: {  	v10 =	vld [tilespmem:s22+$0x1960];
	_ =	sdelay $0x4  }
0x170: {  	v10 =	vtrunc.f32 v10  }
0x171: {  	v10 =	vcvt.f32.s32 v10;
	_ =	sdelay $0x1  }
0x172: {  	v11 =	vadd.s32 $0xFFFFFF82, v10  }
0x173: {  	vm8 =	vgt.s32 v11, $0x0  }
0x174: {  	v11 =	vnsel vm8, $0x0, v11  }
0x175: {  	vm9 =	vgt.s32 v10, $0x7D;
	v10 =	vshll.u32 v11, $0x7  }
0x176: {  	v10 =	vor.u32 v8, v10;
	_ =	sdelay $0x4  }
0x177: {  	[tilespmem:v10+s15+$0x0] =	vst.idx.msk vm9, v2  }
0x178: {  	v10 =	vld [tilespmem:s22+$0x1970];
	_ =	sdelay $0x4  }
0x179: {  	v10 =	vtrunc.f32 v10  }
0x17a: {  	v10 =	vcvt.f32.s32 v10;
	_ =	sdelay $0x1  }
0x17b: {  	v11 =	vadd.s32 $0xFFFFFF82, v10  }
0x17c: {  	vm10 =	vgt.s32 v11, $0x0  }
0x17d: {  	v11 =	vnsel vm10, $0x0, v11  }
0x17e: {  	vm11 =	vgt.s32 v10, $0x7D;
	v10 =	vshll.u32 v11, $0x7  }
0x17f: {  	v10 =	vor.u32 v9, v10;
	_ =	sdelay $0x4  }
0x180: {  	[tilespmem:v10+s15+$0x0] =	vst.idx.msk vm11, v2  }
0x181: {  	v10 =	vld [tilespmem:s22+$0x1980];
	_ =	sdelay $0x4  }
0x182: {  	v10 =	vtrunc.f32 v10  }
0x183: {  	v10 =	vcvt.f32.s32 v10;
	_ =	sdelay $0x1  }
0x184: {  	v11 =	vadd.s32 $0x2, v10  }
0x185: {  	vm12 =	vlt.s32 v11, $0x7F  }
0x186: {  	v11 =	vnsel vm12, $0x7F, v11  }
0x187: {  	vm13 =	vlt.s32 v10, $0x7E;
	v10 =	vshll.u32 v11, $0x7  }
0x188: {  	v10 =	vor.u32 v0, v10;
	_ =	sdelay $0x4  }
0x189: {  	[tilespmem:v10+s15+$0x0] =	vst.idx.msk vm13, v2  }
0x18a: {  	v10 =	vld [tilespmem:s22+$0x1990];
	_ =	sdelay $0x4  }
0x18b: {  	v10 =	vtrunc.f32 v10  }
0x18c: {  	v10 =	vcvt.f32.s32 v10;
	_ =	sdelay $0x1  }
0x18d: {  	v11 =	vadd.s32 $0x2, v10  }
0x18e: {  	vm14 =	vlt.s32 v11, $0x7F  }
0x18f: {  	v11 =	vnsel vm14, $0x7F, v11  }
0x190: {  	vm15 =	vlt.s32 v10, $0x7E;
	v10 =	vshll.u32 v11, $0x7  }
0x191: {  	v10 =	vor.u32 v3, v10;
	_ =	sdelay $0x4  }
0x192: {  	[tilespmem:v10+s15+$0x0] =	vst.idx.msk vm15, v2  }
0x193: {  	v10 =	vld [tilespmem:s22+$0x19A0];
	_ =	sdelay $0x4  }
0x194: {  	v10 =	vtrunc.f32 v10  }
0x195: {  	v10 =	vcvt.f32.s32 v10;
	_ =	sdelay $0x1  }
0x196: {  	v11 =	vadd.s32 $0x2, v10  }
0x197: {  	vm4 =	vlt.s32 v11, $0x7F  }
0x198: {  	v11 =	vnsel vm4, $0x7F, v11  }
0x199: {  	vm5 =	vlt.s32 v10, $0x7E;
	v10 =	vshll.u32 v11, $0x7  }
0x19a: {  	v10 =	vor.u32 v4, v10;
	_ =	sdelay $0x4  }
0x19b: {  	[tilespmem:v10+s15+$0x0] =	vst.idx.msk vm5, v2  }
0x19c: {  	v10 =	vld [tilespmem:s22+$0x19B0];
	_ =	sdelay $0x4  }
0x19d: {  	v10 =	vtrunc.f32 v10  }
0x19e: {  	v10 =	vcvt.f32.s32 v10;
	_ =	sdelay $0x1  }
0x19f: {  	v11 =	vadd.s32 $0x2, v10  }
0x1a0: {  	vm6 =	vlt.s32 v11, $0x7F  }
0x1a1: {  	v11 =	vnsel vm6, $0x7F, v11  }
0x1a2: {  	vm7 =	vlt.s32 v10, $0x7E;
	v10 =	vshll.u32 v11, $0x7  }
0x1a3: {  	v10 =	vor.u32 v5, v10;
	_ =	sdelay $0x4  }
0x1a4: {  	[tilespmem:v10+s15+$0x0] =	vst.idx.msk vm7, v2  }
0x1a5: {  	v10 =	vld [tilespmem:s22+$0x19C0];
	_ =	sdelay $0x4  }
0x1a6: {  	v10 =	vtrunc.f32 v10  }
0x1a7: {  	v10 =	vcvt.f32.s32 v10;
	_ =	sdelay $0x1  }
0x1a8: {  	v11 =	vadd.s32 $0x2, v10  }
0x1a9: {  	vm8 =	vlt.s32 v11, $0x7F  }
0x1aa: {  	v11 =	vnsel vm8, $0x7F, v11  }
0x1ab: {  	vm9 =	vlt.s32 v10, $0x7E;
	v10 =	vshll.u32 v11, $0x7  }
0x1ac: {  	v10 =	vor.u32 v6, v10;
	_ =	sdelay $0x4  }
0x1ad: {  	[tilespmem:v10+s15+$0x0] =	vst.idx.msk vm9, v2  }
0x1ae: {  	v10 =	vld [tilespmem:s22+$0x19D0];
	_ =	sdelay $0x4  }
0x1af: {  	v10 =	vtrunc.f32 v10  }
0x1b0: {  	v10 =	vcvt.f32.s32 v10;
	_ =	sdelay $0x1  }
0x1b1: {  	v11 =	vadd.s32 $0x2, v10  }
0x1b2: {  	vm10 =	vlt.s32 v11, $0x7F  }
0x1b3: {  	v11 =	vnsel vm10, $0x7F, v11  }
0x1b4: {  	vm11 =	vlt.s32 v10, $0x7E;
	v10 =	vshll.u32 v11, $0x7  }
0x1b5: {  	v10 =	vor.u32 v7, v10;
	_ =	sdelay $0x4  }
0x1b6: {  	[tilespmem:v10+s15+$0x0] =	vst.idx.msk vm11, v2  }
0x1b7: {  	v10 =	vld [tilespmem:s22+$0x19E0];
	_ =	sdelay $0x4  }
0x1b8: {  	v10 =	vtrunc.f32 v10  }
0x1b9: {  	v10 =	vcvt.f32.s32 v10;
	_ =	sdelay $0x1  }
0x1ba: {  	v11 =	vadd.s32 $0x2, v10  }
0x1bb: {  	vm12 =	vlt.s32 v11, $0x7F  }
0x1bc: {  	v11 =	vnsel vm12, $0x7F, v11  }
0x1bd: {  	vm13 =	vlt.s32 v10, $0x7E;
	v10 =	vshll.u32 v11, $0x7  }
0x1be: {  	v10 =	vor.u32 v8, v10;
	_ =	sdelay $0x4  }
0x1bf: {  	[tilespmem:v10+s15+$0x0] =	vst.idx.msk vm13, v2  }
0x1c0: {  	v10 =	vld [tilespmem:s22+$0x19F0];
	_ =	sdelay $0x4  }
0x1c1: {  	v10 =	vtrunc.f32 v10  }
0x1c2: {  	v10 =	vcvt.f32.s32 v10;
	_ =	sdelay $0x1  }
0x1c3: {  	v11 =	vadd.s32 $0x2, v10  }
0x1c4: {  	vm14 =	vlt.s32 v11, $0x7F  }
0x1c5: {  	v11 =	vnsel vm14, $0x7F, v11  }
0x1c6: {  	vm15 =	vlt.s32 v10, $0x7E;
	v10 =	vshll.u32 v11, $0x7  }
0x1c7: {  	v10 =	vor.u32 v9, v10  }
0x1c8: {  	s20 =	sadd.s32 $0x400, s20  }
0x1c9: {  	p0 =	sne.s32 s20, $0x6400  }
.Ltmp5:
0x1ca: {  	_ = 	snop;
	(pc) =	sbr.rel @!p0 .LBB2_15-.Ltmp5, $4  }
0x1cb: {  	_ = 	snop  }
0x1cc: {  	[tilespmem:v10+s15+$0x0] =	vst.idx.msk vm15, v2  }
0x1cd: {  	[hbm4b:s21+s9] =	stream.strided.scatter [tilespmem:s15], [sflag:$0x4], $0x4000, s10, s9, $0x38;
	[tilespmem:$0xCC00] =	vst v63  }
0x1ce: {  	s21 =	sadd.s32 $0x20000, s21  }
.LBB2_6:
0x1cf: {  	p0 =	seq.s32 s20, $0x0  }
.Ltmp6:
0x1d0: {  	_ = 	snop;
	(pc) =	sbr.rel @p0 .LBB2_9-.Ltmp6, $1  }
0x1d1: {  	_ =	sdelay $0x3  }
0x1d2: {  	p1 =	sne.s32 s20, $0x400  }
.Ltmp7:
0x1d3: {  	_ = 	snop;
	(pc) =	sbr.rel @p1 .LBB2_10-.Ltmp7, $4  }
0x1d4: {  	_ = 	snop  }
0x1d5: {  	_ =	swait.ge [sflag:s16], $0x4000  }
0x1d6: {  	[sflag:s16] =	ssyncset.done $0x0  }
0x1d7: {  	[sflag:s16] =	ssyncadd.s32 $0xFFFFC000  }
0x1d8: {  	[tilespmem:$0x4C00] =	vst v1  }
0x1d9: {  	[tilespmem:$0x4C80] =	vst v1  }
0x1da: {  	[tilespmem:$0x4C10] =	vst v1  }
0x1db: {  	[tilespmem:$0x4C90] =	vst v1  }
0x1dc: {  	[tilespmem:$0x4C20] =	vst v1  }
0x1dd: {  	[tilespmem:$0x4CA0] =	vst v1  }
0x1de: {  	[tilespmem:$0x4C30] =	vst v1  }
0x1df: {  	[tilespmem:$0x4CB0] =	vst v1  }
0x1e0: {  	[tilespmem:$0x4C40] =	vst v1  }
0x1e1: {  	[tilespmem:$0x4CC0] =	vst v1  }
0x1e2: {  	[tilespmem:$0x4C50] =	vst v1  }
.Ltmp8:
0x1e3: {  	[tilespmem:$0x4CD0] =	vst v1;
	(pc) =	sbr.rel .LBB2_11-.Ltmp8, $4  }
0x1e4: {  	[tilespmem:$0x4C60] =	vst v1  }
0x1e5: {  	[tilespmem:$0x4CE0] =	vst v1  }
0x1e6: {  	[tilespmem:$0x4C70] =	vst v1  }
0x1e7: {  	[tilespmem:$0x4CF0] =	vst v1;
	s22 =	simm.s32 $0x400  }
.LBB2_9:
0x1e8: {  	v10 =	vld [tilespmem:$0x1800]  }
0x1e9: {  	v11 =	vld [tilespmem:$0x1880]  }
0x1ea: {  	v12 =	vld [tilespmem:$0x1810]  }
0x1eb: {  	v13 =	vld [tilespmem:$0x1890]  }
0x1ec: {  	v14 =	vld [tilespmem:$0x1820]  }
0x1ed: {  	[tilespmem:$0x4C00] =	vst v10;
	v10 =	vld [tilespmem:$0x18A0]  }
0x1ee: {  	v58 =	vld [tilespmem:$0x18B0];
	[tilespmem:$0x4C80] =	vst v11  }
0x1ef: {  	v59 =	vld [tilespmem:$0x1840];
	[tilespmem:$0x4C10] =	vst v12  }
0x1f0: {  	v60 =	vld [tilespmem:$0x18C0];
	[tilespmem:$0x4C90] =	vst v13  }
0x1f1: {  	v11 =	vld [tilespmem:$0x1830];
	[tilespmem:$0x4C20] =	vst v14  }
0x1f2: {  	[tilespmem:$0x4CA0] =	vst v10;
	v10 =	vld [tilespmem:$0x1850]  }
0x1f3: {  	v61 =	vld [tilespmem:$0x1860];
	[tilespmem:$0x4CB0] =	vst v58  }
0x1f4: {  	v62 =	vld [tilespmem:$0x18E0];
	[tilespmem:$0x4C40] =	vst v59  }
0x1f5: {  	v63 =	vld [tilespmem:$0x1870];
	[tilespmem:$0x4CC0] =	vst v60  }
0x1f6: {  	[tilespmem:$0x4C30] =	vst v11;
	v11 =	vld [tilespmem:$0x18D0]  }
0x1f7: {  	[tilespmem:$0x4C50] =	vst v10;
	v10 =	vld [tilespmem:$0x18F0]  }
.Ltmp9:
0x1f8: {  	[tilespmem:$0x4C60] =	vst v61;
	(pc) =	sbr.rel .LBB2_12-.Ltmp9, $4  }
0x1f9: {  	[tilespmem:$0x4CE0] =	vst v62  }
0x1fa: {  	[tilespmem:$0x4C70] =	vst v63  }
0x1fb: {  	[tilespmem:$0x4CD0] =	vst v11  }
0x1fc: {  	s22 =	simm.s32 $0x0;
	[tilespmem:$0x4CF0] =	vst v10  }
.LBB2_10:
0x1fd: {  	s22 =	sshra.s32 s20, $0x2  }
0x1fe: {  	v10 =	vld [tilespmem:s22+$0x1780];
	_ =	sdelay $0x4  }
0x1ff: {  	v10 =	vtrunc.f32 v10  }
0x200: {  	v10 =	vcvt.f32.s32 v10;
	_ =	sdelay $0x1  }
0x201: {  	v11 =	vadd.s32 $0xFFFFFF82, v10  }
0x202: {  	vm0 =	vgt.s32 v11, $0x0  }
0x203: {  	v11 =	vnsel vm0, $0x0, v11  }
0x204: {  	vm13 =	vgt.s32 v10, $0x7D;
	v10 =	vshll.u32 v11, $0x7  }
0x205: {  	v10 =	vor.u32 v0, v10;
	_ =	sdelay $0x4  }
0x206: {  	[tilespmem:v10+s14+$0x0] =	vst.idx.msk vm13, v1  }
0x207: {  	v10 =	vld [tilespmem:s22+$0x1790];
	_ =	sdelay $0x4  }
0x208: {  	v10 =	vtrunc.f32 v10  }
0x209: {  	v10 =	vcvt.f32.s32 v10;
	_ =	sdelay $0x1  }
0x20a: {  	v11 =	vadd.s32 $0xFFFFFF82, v10  }
0x20b: {  	vm14 =	vgt.s32 v11, $0x0  }
0x20c: {  	v11 =	vnsel vm14, $0x0, v11  }
0x20d: {  	vm15 =	vgt.s32 v10, $0x7D;
	v10 =	vshll.u32 v11, $0x7  }
0x20e: {  	v10 =	vor.u32 v3, v10;
	_ =	sdelay $0x4  }
0x20f: {  	[tilespmem:v10+s14+$0x0] =	vst.idx.msk vm15, v1  }
0x210: {  	v10 =	vld [tilespmem:s22+$0x17A0];
	_ =	sdelay $0x4  }
0x211: {  	v10 =	vtrunc.f32 v10  }
0x212: {  	v10 =	vcvt.f32.s32 v10;
	_ =	sdelay $0x1  }
0x213: {  	v11 =	vadd.s32 $0xFFFFFF82, v10  }
0x214: {  	vm4 =	vgt.s32 v11, $0x0  }
0x215: {  	v11 =	vnsel vm4, $0x0, v11  }
0x216: {  	vm5 =	vgt.s32 v10, $0x7D;
	v10 =	vshll.u32 v11, $0x7  }
0x217: {  	v10 =	vor.u32 v4, v10;
	_ =	sdelay $0x4  }
0x218: {  	[tilespmem:v10+s14+$0x0] =	vst.idx.msk vm5, v1  }
0x219: {  	v10 =	vld [tilespmem:s22+$0x17B0];
	_ =	sdelay $0x4  }
0x21a: {  	v10 =	vtrunc.f32 v10  }
0x21b: {  	v10 =	vcvt.f32.s32 v10;
	_ =	sdelay $0x1  }
0x21c: {  	v11 =	vadd.s32 $0xFFFFFF82, v10  }
0x21d: {  	vm6 =	vgt.s32 v11, $0x0  }
0x21e: {  	v11 =	vnsel vm6, $0x0, v11  }
0x21f: {  	vm7 =	vgt.s32 v10, $0x7D;
	v10 =	vshll.u32 v11, $0x7  }
0x220: {  	v10 =	vor.u32 v5, v10;
	_ =	sdelay $0x4  }
0x221: {  	[tilespmem:v10+s14+$0x0] =	vst.idx.msk vm7, v1  }
0x222: {  	v10 =	vld [tilespmem:s22+$0x17C0];
	_ =	sdelay $0x4  }
0x223: {  	v10 =	vtrunc.f32 v10  }
0x224: {  	v10 =	vcvt.f32.s32 v10;
	_ =	sdelay $0x1  }
0x225: {  	v11 =	vadd.s32 $0xFFFFFF82, v10  }
0x226: {  	vm8 =	vgt.s32 v11, $0x0  }
0x227: {  	v11 =	vnsel vm8, $0x0, v11  }
0x228: {  	vm9 =	vgt.s32 v10, $0x7D;
	v10 =	vshll.u32 v11, $0x7  }
0x229: {  	v10 =	vor.u32 v6, v10;
	_ =	sdelay $0x4  }
0x22a: {  	[tilespmem:v10+s14+$0x0] =	vst.idx.msk vm9, v1  }
0x22b: {  	v10 =	vld [tilespmem:s22+$0x17D0];
	_ =	sdelay $0x4  }
0x22c: {  	v10 =	vtrunc.f32 v10  }
0x22d: {  	v10 =	vcvt.f32.s32 v10;
	_ =	sdelay $0x1  }
0x22e: {  	v11 =	vadd.s32 $0xFFFFFF82, v10  }
0x22f: {  	vm10 =	vgt.s32 v11, $0x0  }
0x230: {  	v11 =	vnsel vm10, $0x0, v11  }
0x231: {  	vm11 =	vgt.s32 v10, $0x7D;
	v10 =	vshll.u32 v11, $0x7  }
0x232: {  	v10 =	vor.u32 v7, v10;
	_ =	sdelay $0x4  }
0x233: {  	[tilespmem:v10+s14+$0x0] =	vst.idx.msk vm11, v1  }
0x234: {  	v10 =	vld [tilespmem:s22+$0x17E0];
	_ =	sdelay $0x4  }
0x235: {  	v10 =	vtrunc.f32 v10  }
0x236: {  	v10 =	vcvt.f32.s32 v10;
	_ =	sdelay $0x1  }
0x237: {  	v11 =	vadd.s32 $0xFFFFFF82, v10  }
0x238: {  	vm12 =	vgt.s32 v11, $0x0  }
0x239: {  	v11 =	vnsel vm12, $0x0, v11  }
0x23a: {  	vm13 =	vgt.s32 v10, $0x7D;
	v10 =	vshll.u32 v11, $0x7  }
0x23b: {  	v10 =	vor.u32 v8, v10;
	_ =	sdelay $0x4  }
0x23c: {  	[tilespmem:v10+s14+$0x0] =	vst.idx.msk vm13, v1  }
0x23d: {  	v10 =	vld [tilespmem:s22+$0x17F0];
	_ =	sdelay $0x4  }
0x23e: {  	v10 =	vtrunc.f32 v10  }
0x23f: {  	v10 =	vcvt.f32.s32 v10;
	_ =	sdelay $0x1  }
0x240: {  	v11 =	vadd.s32 $0xFFFFFF82, v10  }
0x241: {  	vm14 =	vgt.s32 v11, $0x0  }
0x242: {  	v11 =	vnsel vm14, $0x0, v11  }
0x243: {  	vm15 =	vgt.s32 v10, $0x7D;
	v10 =	vshll.u32 v11, $0x7  }
0x244: {  	v10 =	vor.u32 v9, v10;
	_ =	sdelay $0x4  }
0x245: {  	s22 =	smov.u32 s20;
	[tilespmem:v10+s14+$0x0] =	vst.idx.msk vm15, v1  }
.LBB2_11:
0x246: {  	s23 =	sshra.s32 s22, $0x2  }
0x247: {  	v10 =	vld [tilespmem:s23+$0x1800];
	_ =	sdelay $0x4  }
0x248: {  	v10 =	vtrunc.f32 v10  }
0x249: {  	v10 =	vcvt.f32.s32 v10;
	_ =	sdelay $0x1  }
0x24a: {  	v11 =	vadd.s32 $0x2, v10  }
0x24b: {  	vm0 =	vlt.s32 v11, $0x7F  }
0x24c: {  	v11 =	vnsel vm0, $0x7F, v11  }
0x24d: {  	vm9 =	vlt.s32 v10, $0x7E;
	v10 =	vshll.u32 v11, $0x7  }
0x24e: {  	v10 =	vor.u32 v0, v10;
	_ =	sdelay $0x4  }
0x24f: {  	[tilespmem:v10+s14+$0x0] =	vst.idx.msk vm9, v1  }
0x250: {  	v10 =	vld [tilespmem:s23+$0x1810];
	_ =	sdelay $0x4  }
0x251: {  	v10 =	vtrunc.f32 v10  }
0x252: {  	v10 =	vcvt.f32.s32 v10;
	_ =	sdelay $0x1  }
0x253: {  	v11 =	vadd.s32 $0x2, v10  }
0x254: {  	vm10 =	vlt.s32 v11, $0x7F  }
0x255: {  	v11 =	vnsel vm10, $0x7F, v11  }
0x256: {  	vm11 =	vlt.s32 v10, $0x7E;
	v10 =	vshll.u32 v11, $0x7  }
0x257: {  	v10 =	vor.u32 v3, v10;
	_ =	sdelay $0x4  }
0x258: {  	[tilespmem:v10+s14+$0x0] =	vst.idx.msk vm11, v1  }
0x259: {  	v10 =	vld [tilespmem:s23+$0x1820];
	_ =	sdelay $0x4  }
0x25a: {  	v10 =	vtrunc.f32 v10  }
0x25b: {  	v10 =	vcvt.f32.s32 v10;
	_ =	sdelay $0x1  }
0x25c: {  	v11 =	vadd.s32 $0x2, v10  }
0x25d: {  	vm12 =	vlt.s32 v11, $0x7F  }
0x25e: {  	v11 =	vnsel vm12, $0x7F, v11  }
0x25f: {  	vm13 =	vlt.s32 v10, $0x7E;
	v10 =	vshll.u32 v11, $0x7  }
0x260: {  	v10 =	vor.u32 v4, v10;
	_ =	sdelay $0x4  }
0x261: {  	[tilespmem:v10+s14+$0x0] =	vst.idx.msk vm13, v1  }
0x262: {  	v10 =	vld [tilespmem:s23+$0x1830];
	_ =	sdelay $0x4  }
0x263: {  	v10 =	vtrunc.f32 v10  }
0x264: {  	v10 =	vcvt.f32.s32 v10;
	_ =	sdelay $0x1  }
0x265: {  	v11 =	vadd.s32 $0x2, v10  }
0x266: {  	vm14 =	vlt.s32 v11, $0x7F  }
0x267: {  	v11 =	vnsel vm14, $0x7F, v11  }
0x268: {  	vm15 =	vlt.s32 v10, $0x7E;
	v10 =	vshll.u32 v11, $0x7  }
0x269: {  	v10 =	vor.u32 v5, v10;
	_ =	sdelay $0x4  }
0x26a: {  	[tilespmem:v10+s14+$0x0] =	vst.idx.msk vm15, v1  }
0x26b: {  	v10 =	vld [tilespmem:s23+$0x1840];
	_ =	sdelay $0x4  }
0x26c: {  	v10 =	vtrunc.f32 v10  }
0x26d: {  	v10 =	vcvt.f32.s32 v10;
	_ =	sdelay $0x1  }
0x26e: {  	v11 =	vadd.s32 $0x2, v10  }
0x26f: {  	vm4 =	vlt.s32 v11, $0x7F  }
0x270: {  	v11 =	vnsel vm4, $0x7F, v11  }
0x271: {  	vm5 =	vlt.s32 v10, $0x7E;
	v10 =	vshll.u32 v11, $0x7  }
0x272: {  	v10 =	vor.u32 v6, v10;
	_ =	sdelay $0x4  }
0x273: {  	[tilespmem:v10+s14+$0x0] =	vst.idx.msk vm5, v1  }
0x274: {  	v10 =	vld [tilespmem:s23+$0x1850];
	_ =	sdelay $0x4  }
0x275: {  	v10 =	vtrunc.f32 v10  }
0x276: {  	v10 =	vcvt.f32.s32 v10;
	_ =	sdelay $0x1  }
0x277: {  	v11 =	vadd.s32 $0x2, v10  }
0x278: {  	vm6 =	vlt.s32 v11, $0x7F  }
0x279: {  	v11 =	vnsel vm6, $0x7F, v11  }
0x27a: {  	vm7 =	vlt.s32 v10, $0x7E;
	v10 =	vshll.u32 v11, $0x7  }
0x27b: {  	v10 =	vor.u32 v7, v10;
	_ =	sdelay $0x4  }
0x27c: {  	[tilespmem:v10+s14+$0x0] =	vst.idx.msk vm7, v1  }
0x27d: {  	v10 =	vld [tilespmem:s23+$0x1860];
	_ =	sdelay $0x4  }
0x27e: {  	v10 =	vtrunc.f32 v10  }
0x27f: {  	v10 =	vcvt.f32.s32 v10;
	_ =	sdelay $0x1  }
0x280: {  	v11 =	vadd.s32 $0x2, v10  }
0x281: {  	vm8 =	vlt.s32 v11, $0x7F  }
0x282: {  	v11 =	vnsel vm8, $0x7F, v11  }
0x283: {  	vm9 =	vlt.s32 v10, $0x7E;
	v10 =	vshll.u32 v11, $0x7  }
0x284: {  	v10 =	vor.u32 v8, v10;
	_ =	sdelay $0x4  }
0x285: {  	[tilespmem:v10+s14+$0x0] =	vst.idx.msk vm9, v1  }
0x286: {  	v10 =	vld [tilespmem:s23+$0x1870];
	_ =	sdelay $0x4  }
0x287: {  	v10 =	vtrunc.f32 v10  }
0x288: {  	v10 =	vcvt.f32.s32 v10;
	_ =	sdelay $0x1  }
0x289: {  	v11 =	vadd.s32 $0x2, v10  }
0x28a: {  	vm10 =	vlt.s32 v11, $0x7F  }
0x28b: {  	v11 =	vnsel vm10, $0x7F, v11  }
0x28c: {  	vm11 =	vlt.s32 v10, $0x7E;
	v10 =	vshll.u32 v11, $0x7  }
0x28d: {  	v10 =	vor.u32 v9, v10;
	_ =	sdelay $0x4  }
0x28e: {  	[tilespmem:v10+s14+$0x0] =	vst.idx.msk vm11, v1  }
0x28f: {  	v10 =	vld [tilespmem:s23+$0x1880];
	_ =	sdelay $0x4  }
0x290: {  	v10 =	vtrunc.f32 v10  }
0x291: {  	v10 =	vcvt.f32.s32 v10;
	_ =	sdelay $0x1  }
0x292: {  	v11 =	vadd.s32 $0xFFFFFF82, v10  }
0x293: {  	vm12 =	vgt.s32 v11, $0x0  }
0x294: {  	v11 =	vnsel vm12, $0x0, v11  }
0x295: {  	vm13 =	vgt.s32 v10, $0x7D;
	v10 =	vshll.u32 v11, $0x7  }
0x296: {  	v10 =	vor.u32 v0, v10;
	_ =	sdelay $0x4  }
0x297: {  	[tilespmem:v10+s14+$0x0] =	vst.idx.msk vm13, v2  }
0x298: {  	v10 =	vld [tilespmem:s23+$0x1890];
	_ =	sdelay $0x4  }
0x299: {  	v10 =	vtrunc.f32 v10  }
0x29a: {  	v10 =	vcvt.f32.s32 v10;
	_ =	sdelay $0x1  }
0x29b: {  	v11 =	vadd.s32 $0xFFFFFF82, v10  }
0x29c: {  	vm14 =	vgt.s32 v11, $0x0  }
0x29d: {  	v11 =	vnsel vm14, $0x0, v11  }
0x29e: {  	vm15 =	vgt.s32 v10, $0x7D;
	v10 =	vshll.u32 v11, $0x7  }
0x29f: {  	v10 =	vor.u32 v3, v10;
	_ =	sdelay $0x4  }
0x2a0: {  	[tilespmem:v10+s14+$0x0] =	vst.idx.msk vm15, v2  }
0x2a1: {  	v10 =	vld [tilespmem:s23+$0x18A0];
	_ =	sdelay $0x4  }
0x2a2: {  	v10 =	vtrunc.f32 v10  }
0x2a3: {  	v10 =	vcvt.f32.s32 v10;
	_ =	sdelay $0x1  }
0x2a4: {  	v11 =	vadd.s32 $0xFFFFFF82, v10  }
0x2a5: {  	vm4 =	vgt.s32 v11, $0x0  }
0x2a6: {  	v11 =	vnsel vm4, $0x0, v11  }
0x2a7: {  	vm5 =	vgt.s32 v10, $0x7D;
	v10 =	vshll.u32 v11, $0x7  }
0x2a8: {  	v10 =	vor.u32 v4, v10;
	_ =	sdelay $0x4  }
0x2a9: {  	[tilespmem:v10+s14+$0x0] =	vst.idx.msk vm5, v2  }
0x2aa: {  	v10 =	vld [tilespmem:s23+$0x18B0];
	_ =	sdelay $0x4  }
0x2ab: {  	v10 =	vtrunc.f32 v10  }
0x2ac: {  	v10 =	vcvt.f32.s32 v10;
	_ =	sdelay $0x1  }
0x2ad: {  	v11 =	vadd.s32 $0xFFFFFF82, v10  }
0x2ae: {  	vm6 =	vgt.s32 v11, $0x0  }
0x2af: {  	v11 =	vnsel vm6, $0x0, v11  }
0x2b0: {  	vm7 =	vgt.s32 v10, $0x7D;
	v10 =	vshll.u32 v11, $0x7  }
0x2b1: {  	v10 =	vor.u32 v5, v10;
	_ =	sdelay $0x4  }
0x2b2: {  	[tilespmem:v10+s14+$0x0] =	vst.idx.msk vm7, v2  }
0x2b3: {  	v10 =	vld [tilespmem:s23+$0x18C0];
	_ =	sdelay $0x4  }
0x2b4: {  	v10 =	vtrunc.f32 v10  }
0x2b5: {  	v10 =	vcvt.f32.s32 v10;
	_ =	sdelay $0x1  }
0x2b6: {  	v11 =	vadd.s32 $0xFFFFFF82, v10  }
0x2b7: {  	vm8 =	vgt.s32 v11, $0x0  }
0x2b8: {  	v11 =	vnsel vm8, $0x0, v11  }
0x2b9: {  	vm9 =	vgt.s32 v10, $0x7D;
	v10 =	vshll.u32 v11, $0x7  }
0x2ba: {  	v10 =	vor.u32 v6, v10;
	_ =	sdelay $0x4  }
0x2bb: {  	[tilespmem:v10+s14+$0x0] =	vst.idx.msk vm9, v2  }
0x2bc: {  	v10 =	vld [tilespmem:s23+$0x18D0];
	_ =	sdelay $0x4  }
0x2bd: {  	v10 =	vtrunc.f32 v10  }
0x2be: {  	v10 =	vcvt.f32.s32 v10;
	_ =	sdelay $0x1  }
0x2bf: {  	v11 =	vadd.s32 $0xFFFFFF82, v10  }
0x2c0: {  	vm10 =	vgt.s32 v11, $0x0  }
0x2c1: {  	v11 =	vnsel vm10, $0x0, v11  }
0x2c2: {  	vm11 =	vgt.s32 v10, $0x7D;
	v10 =	vshll.u32 v11, $0x7  }
0x2c3: {  	v10 =	vor.u32 v7, v10;
	_ =	sdelay $0x4  }
0x2c4: {  	[tilespmem:v10+s14+$0x0] =	vst.idx.msk vm11, v2  }
0x2c5: {  	v10 =	vld [tilespmem:s23+$0x18E0];
	_ =	sdelay $0x4  }
0x2c6: {  	v10 =	vtrunc.f32 v10  }
0x2c7: {  	v10 =	vcvt.f32.s32 v10;
	_ =	sdelay $0x1  }
0x2c8: {  	v11 =	vadd.s32 $0xFFFFFF82, v10  }
0x2c9: {  	vm12 =	vgt.s32 v11, $0x0  }
0x2ca: {  	v11 =	vnsel vm12, $0x0, v11  }
0x2cb: {  	vm13 =	vgt.s32 v10, $0x7D;
	v10 =	vshll.u32 v11, $0x7  }
0x2cc: {  	v10 =	vor.u32 v8, v10;
	_ =	sdelay $0x4  }
0x2cd: {  	[tilespmem:v10+s14+$0x0] =	vst.idx.msk vm13, v2  }
0x2ce: {  	v10 =	vld [tilespmem:s23+$0x18F0];
	_ =	sdelay $0x4  }
0x2cf: {  	v10 =	vtrunc.f32 v10  }
0x2d0: {  	v10 =	vcvt.f32.s32 v10;
	_ =	sdelay $0x1  }
0x2d1: {  	v11 =	vadd.s32 $0xFFFFFF82, v10  }
0x2d2: {  	vm14 =	vgt.s32 v11, $0x0  }
0x2d3: {  	v11 =	vnsel vm14, $0x0, v11  }
0x2d4: {  	vm15 =	vgt.s32 v10, $0x7D;
	v10 =	vshll.u32 v11, $0x7  }
0x2d5: {  	v10 =	vor.u32 v9, v10;
	_ =	sdelay $0x4  }
0x2d6: {  	[tilespmem:v10+s14+$0x0] =	vst.idx.msk vm15, v2  }
.LBB2_12:
0x2d7: {  	s22 =	sshra.s32 s22, $0x2  }
0x2d8: {  	v10 =	vld [tilespmem:s22+$0x1900];
	_ =	sdelay $0x4  }
0x2d9: {  	v10 =	vtrunc.f32 v10  }
0x2da: {  	v10 =	vcvt.f32.s32 v10;
	_ =	sdelay $0x1  }
0x2db: {  	v11 =	vadd.s32 $0x2, v10  }
0x2dc: {  	vm0 =	vlt.s32 v11, $0x7F  }
0x2dd: {  	v11 =	vnsel vm0, $0x7F, v11  }
0x2de: {  	vm13 =	vlt.s32 v10, $0x7E;
	v10 =	vshll.u32 v11, $0x7  }
0x2df: {  	v10 =	vor.u32 v0, v10;
	_ =	sdelay $0x4  }
0x2e0: {  	[tilespmem:v10+s14+$0x0] =	vst.idx.msk vm13, v2  }
0x2e1: {  	v10 =	vld [tilespmem:s22+$0x1910];
	_ =	sdelay $0x4  }
0x2e2: {  	v10 =	vtrunc.f32 v10  }
0x2e3: {  	v10 =	vcvt.f32.s32 v10;
	_ =	sdelay $0x1  }
0x2e4: {  	v11 =	vadd.s32 $0x2, v10  }
0x2e5: {  	vm14 =	vlt.s32 v11, $0x7F  }
0x2e6: {  	v11 =	vnsel vm14, $0x7F, v11  }
0x2e7: {  	vm15 =	vlt.s32 v10, $0x7E;
	v10 =	vshll.u32 v11, $0x7  }
0x2e8: {  	v10 =	vor.u32 v3, v10;
	_ =	sdelay $0x4  }
0x2e9: {  	[tilespmem:v10+s14+$0x0] =	vst.idx.msk vm15, v2  }
0x2ea: {  	v10 =	vld [tilespmem:s22+$0x1920];
	_ =	sdelay $0x4  }
0x2eb: {  	v10 =	vtrunc.f32 v10  }
0x2ec: {  	v10 =	vcvt.f32.s32 v10;
	_ =	sdelay $0x1  }
0x2ed: {  	v11 =	vadd.s32 $0x2, v10  }
0x2ee: {  	vm4 =	vlt.s32 v11, $0x7F  }
0x2ef: {  	v11 =	vnsel vm4, $0x7F, v11  }
0x2f0: {  	vm5 =	vlt.s32 v10, $0x7E;
	v10 =	vshll.u32 v11, $0x7  }
0x2f1: {  	v10 =	vor.u32 v4, v10;
	_ =	sdelay $0x4  }
0x2f2: {  	[tilespmem:v10+s14+$0x0] =	vst.idx.msk vm5, v2  }
0x2f3: {  	v10 =	vld [tilespmem:s22+$0x1930];
	_ =	sdelay $0x4  }
0x2f4: {  	v10 =	vtrunc.f32 v10  }
0x2f5: {  	v10 =	vcvt.f32.s32 v10;
	_ =	sdelay $0x1  }
0x2f6: {  	v11 =	vadd.s32 $0x2, v10  }
0x2f7: {  	vm6 =	vlt.s32 v11, $0x7F  }
0x2f8: {  	v11 =	vnsel vm6, $0x7F, v11  }
0x2f9: {  	vm7 =	vlt.s32 v10, $0x7E;
	v10 =	vshll.u32 v11, $0x7  }
0x2fa: {  	v10 =	vor.u32 v5, v10;
	_ =	sdelay $0x4  }
0x2fb: {  	[tilespmem:v10+s14+$0x0] =	vst.idx.msk vm7, v2  }
0x2fc: {  	v10 =	vld [tilespmem:s22+$0x1940];
	_ =	sdelay $0x4  }
0x2fd: {  	v10 =	vtrunc.f32 v10  }
0x2fe: {  	v10 =	vcvt.f32.s32 v10;
	_ =	sdelay $0x1  }
0x2ff: {  	v11 =	vadd.s32 $0x2, v10  }
0x300: {  	vm8 =	vlt.s32 v11, $0x7F  }
0x301: {  	v11 =	vnsel vm8, $0x7F, v11  }
0x302: {  	vm9 =	vlt.s32 v10, $0x7E;
	v10 =	vshll.u32 v11, $0x7  }
0x303: {  	v10 =	vor.u32 v6, v10;
	_ =	sdelay $0x4  }
0x304: {  	[tilespmem:v10+s14+$0x0] =	vst.idx.msk vm9, v2  }
0x305: {  	v10 =	vld [tilespmem:s22+$0x1950];
	_ =	sdelay $0x4  }
0x306: {  	v10 =	vtrunc.f32 v10  }
0x307: {  	v10 =	vcvt.f32.s32 v10;
	_ =	sdelay $0x1  }
0x308: {  	v11 =	vadd.s32 $0x2, v10  }
0x309: {  	vm10 =	vlt.s32 v11, $0x7F  }
0x30a: {  	v11 =	vnsel vm10, $0x7F, v11  }
0x30b: {  	vm11 =	vlt.s32 v10, $0x7E;
	v10 =	vshll.u32 v11, $0x7  }
0x30c: {  	v10 =	vor.u32 v7, v10;
	_ =	sdelay $0x4  }
0x30d: {  	[tilespmem:v10+s14+$0x0] =	vst.idx.msk vm11, v2  }
0x30e: {  	v10 =	vld [tilespmem:s22+$0x1960];
	_ =	sdelay $0x4  }
0x30f: {  	v10 =	vtrunc.f32 v10  }
0x310: {  	v10 =	vcvt.f32.s32 v10;
	_ =	sdelay $0x1  }
0x311: {  	v11 =	vadd.s32 $0x2, v10  }
0x312: {  	vm12 =	vlt.s32 v11, $0x7F  }
0x313: {  	v11 =	vnsel vm12, $0x7F, v11  }
0x314: {  	vm13 =	vlt.s32 v10, $0x7E;
	v10 =	vshll.u32 v11, $0x7  }
0x315: {  	v10 =	vor.u32 v8, v10;
	_ =	sdelay $0x4  }
0x316: {  	[tilespmem:v10+s14+$0x0] =	vst.idx.msk vm13, v2  }
0x317: {  	v10 =	vld [tilespmem:s22+$0x1970];
	_ =	sdelay $0x4  }
0x318: {  	v10 =	vtrunc.f32 v10  }
0x319: {  	v10 =	vcvt.f32.s32 v10;
	_ =	sdelay $0x1  }
0x31a: {  	v11 =	vadd.s32 $0x2, v10  }
0x31b: {  	vm14 =	vlt.s32 v11, $0x7F  }
0x31c: {  	v11 =	vnsel vm14, $0x7F, v11  }
0x31d: {  	vm15 =	vlt.s32 v10, $0x7E;
	v10 =	vshll.u32 v11, $0x7  }
0x31e: {  	v10 =	vor.u32 v9, v10;
	_ =	sdelay $0x1  }
.Ltmp10:
0x31f: {  	_ = 	snop;
	(pc) =	sbr.rel @p0 .LBB2_14-.Ltmp10, $3  }
0x320: {  	_ =	sdelay $0x1  }
0x321: {  	s23 =	sadd.s32 $0xFFFF0000, s21;
	[tilespmem:v10+s14+$0x0] =	vst.idx.msk vm15, v2  }
0x322: {  	[hbm4b:s23+s9] =	stream.strided.scatter [tilespmem:s14], [sflag:$0x3], $0x4000, s10, s9, $0x38;
	[tilespmem:$0xCC00] =	vst v63  }
0x323: {  	_ =	swait.ge [sflag:s17], $0x4000  }
0x324: {  	[sflag:s17] =	ssyncset.done $0x0  }
0x325: {  	[sflag:s17] =	ssyncadd.s32 $0xFFFFC000  }
0x326: {  	v10 =	vld [tilespmem:s22+$0x1800];
	_ =	sdelay $0x4  }
0x327: {  	v10 =	vtrunc.f32 v10  }
0x328: {  	v10 =	vcvt.f32.s32 v10;
	_ =	sdelay $0x1  }
0x329: {  	v11 =	vadd.s32 $0xFFFFFF82, v10  }
0x32a: {  	vm0 =	vgt.s32 v11, $0x0  }
0x32b: {  	v11 =	vnsel vm0, $0x0, v11  }
0x32c: {  	vm9 =	vgt.s32 v10, $0x7D;
	v10 =	vshll.u32 v11, $0x7  }
0x32d: {  	v10 =	vor.u32 v0, v10;
	_ =	sdelay $0x4  }
0x32e: {  	[tilespmem:v10+s15+$0x0] =	vst.idx.msk vm9, v1  }
0x32f: {  	v10 =	vld [tilespmem:s22+$0x1810];
	_ =	sdelay $0x4  }
0x330: {  	v10 =	vtrunc.f32 v10  }
0x331: {  	v10 =	vcvt.f32.s32 v10;
	_ =	sdelay $0x1  }
0x332: {  	v11 =	vadd.s32 $0xFFFFFF82, v10  }
0x333: {  	vm10 =	vgt.s32 v11, $0x0  }
0x334: {  	v11 =	vnsel vm10, $0x0, v11  }
0x335: {  	vm11 =	vgt.s32 v10, $0x7D;
	v10 =	vshll.u32 v11, $0x7  }
0x336: {  	v10 =	vor.u32 v3, v10;
	_ =	sdelay $0x4  }
0x337: {  	[tilespmem:v10+s15+$0x0] =	vst.idx.msk vm11, v1  }
0x338: {  	v10 =	vld [tilespmem:s22+$0x1820];
	_ =	sdelay $0x4  }
0x339: {  	v10 =	vtrunc.f32 v10  }
0x33a: {  	v10 =	vcvt.f32.s32 v10;
	_ =	sdelay $0x1  }
0x33b: {  	v11 =	vadd.s32 $0xFFFFFF82, v10  }
0x33c: {  	vm12 =	vgt.s32 v11, $0x0  }
0x33d: {  	v11 =	vnsel vm12, $0x0, v11  }
0x33e: {  	vm13 =	vgt.s32 v10, $0x7D;
	v10 =	vshll.u32 v11, $0x7  }
0x33f: {  	v10 =	vor.u32 v4, v10;
	_ =	sdelay $0x4  }
0x340: {  	[tilespmem:v10+s15+$0x0] =	vst.idx.msk vm13, v1  }
0x341: {  	v10 =	vld [tilespmem:s22+$0x1830];
	_ =	sdelay $0x4  }
0x342: {  	v10 =	vtrunc.f32 v10  }
0x343: {  	v10 =	vcvt.f32.s32 v10;
	_ =	sdelay $0x1  }
0x344: {  	v11 =	vadd.s32 $0xFFFFFF82, v10  }
0x345: {  	vm14 =	vgt.s32 v11, $0x0  }
0x346: {  	v11 =	vnsel vm14, $0x0, v11  }
0x347: {  	vm15 =	vgt.s32 v10, $0x7D;
	v10 =	vshll.u32 v11, $0x7  }
0x348: {  	v10 =	vor.u32 v5, v10;
	_ =	sdelay $0x4  }
0x349: {  	[tilespmem:v10+s15+$0x0] =	vst.idx.msk vm15, v1  }
0x34a: {  	v10 =	vld [tilespmem:s22+$0x1840];
	_ =	sdelay $0x4  }
0x34b: {  	v10 =	vtrunc.f32 v10  }
0x34c: {  	v10 =	vcvt.f32.s32 v10;
	_ =	sdelay $0x1  }
0x34d: {  	v11 =	vadd.s32 $0xFFFFFF82, v10  }
0x34e: {  	vm4 =	vgt.s32 v11, $0x0  }
0x34f: {  	v11 =	vnsel vm4, $0x0, v11  }
0x350: {  	vm5 =	vgt.s32 v10, $0x7D;
	v10 =	vshll.u32 v11, $0x7  }
0x351: {  	v10 =	vor.u32 v6, v10;
	_ =	sdelay $0x4  }
0x352: {  	[tilespmem:v10+s15+$0x0] =	vst.idx.msk vm5, v1  }
0x353: {  	v10 =	vld [tilespmem:s22+$0x1850];
	_ =	sdelay $0x4  }
0x354: {  	v10 =	vtrunc.f32 v10  }
0x355: {  	v10 =	vcvt.f32.s32 v10;
	_ =	sdelay $0x1  }
0x356: {  	v11 =	vadd.s32 $0xFFFFFF82, v10  }
0x357: {  	vm6 =	vgt.s32 v11, $0x0  }
0x358: {  	v11 =	vnsel vm6, $0x0, v11  }
0x359: {  	vm7 =	vgt.s32 v10, $0x7D;
	v10 =	vshll.u32 v11, $0x7  }
0x35a: {  	v10 =	vor.u32 v7, v10;
	_ =	sdelay $0x4  }
0x35b: {  	[tilespmem:v10+s15+$0x0] =	vst.idx.msk vm7, v1  }
0x35c: {  	v10 =	vld [tilespmem:s22+$0x1860];
	_ =	sdelay $0x4  }
0x35d: {  	v10 =	vtrunc.f32 v10  }
0x35e: {  	v10 =	vcvt.f32.s32 v10;
	_ =	sdelay $0x1  }
0x35f: {  	v11 =	vadd.s32 $0xFFFFFF82, v10  }
0x360: {  	vm8 =	vgt.s32 v11, $0x0  }
0x361: {  	v11 =	vnsel vm8, $0x0, v11  }
0x362: {  	vm9 =	vgt.s32 v10, $0x7D;
	v10 =	vshll.u32 v11, $0x7  }
0x363: {  	v10 =	vor.u32 v8, v10;
	_ =	sdelay $0x4  }
0x364: {  	[tilespmem:v10+s15+$0x0] =	vst.idx.msk vm9, v1  }
0x365: {  	v10 =	vld [tilespmem:s22+$0x1870];
	_ =	sdelay $0x4  }
0x366: {  	v10 =	vtrunc.f32 v10  }
0x367: {  	v10 =	vcvt.f32.s32 v10;
	_ =	sdelay $0x1  }
0x368: {  	v11 =	vadd.s32 $0xFFFFFF82, v10  }
0x369: {  	vm10 =	vgt.s32 v11, $0x0  }
0x36a: {  	v11 =	vnsel vm10, $0x0, v11  }
0x36b: {  	vm11 =	vgt.s32 v10, $0x7D;
	v10 =	vshll.u32 v11, $0x7  }
0x36c: {  	v10 =	vor.u32 v9, v10;
	_ =	sdelay $0x4  }
0x36d: {  	[tilespmem:v10+s15+$0x0] =	vst.idx.msk vm11, v1  }
0x36e: {  	v10 =	vld [tilespmem:s22+$0x1880];
	_ =	sdelay $0x4  }
0x36f: {  	v10 =	vtrunc.f32 v10  }
0x370: {  	v10 =	vcvt.f32.s32 v10;
	_ =	sdelay $0x1  }
0x371: {  	v11 =	vadd.s32 $0x2, v10  }
0x372: {  	vm12 =	vlt.s32 v11, $0x7F  }
0x373: {  	v11 =	vnsel vm12, $0x7F, v11  }
0x374: {  	vm13 =	vlt.s32 v10, $0x7E;
	v10 =	vshll.u32 v11, $0x7  }
0x375: {  	v10 =	vor.u32 v0, v10;
	_ =	sdelay $0x4  }
0x376: {  	[tilespmem:v10+s15+$0x0] =	vst.idx.msk vm13, v1  }
0x377: {  	v10 =	vld [tilespmem:s22+$0x1890];
	_ =	sdelay $0x4  }
0x378: {  	v10 =	vtrunc.f32 v10  }
0x379: {  	v10 =	vcvt.f32.s32 v10;
	_ =	sdelay $0x1  }
0x37a: {  	v11 =	vadd.s32 $0x2, v10  }
0x37b: {  	vm14 =	vlt.s32 v11, $0x7F  }
0x37c: {  	v11 =	vnsel vm14, $0x7F, v11  }
0x37d: {  	vm15 =	vlt.s32 v10, $0x7E;
	v10 =	vshll.u32 v11, $0x7  }
0x37e: {  	v10 =	vor.u32 v3, v10;
	_ =	sdelay $0x4  }
0x37f: {  	[tilespmem:v10+s15+$0x0] =	vst.idx.msk vm15, v1  }
0x380: {  	v10 =	vld [tilespmem:s22+$0x18A0];
	_ =	sdelay $0x4  }
0x381: {  	v10 =	vtrunc.f32 v10  }
0x382: {  	v10 =	vcvt.f32.s32 v10;
	_ =	sdelay $0x1  }
0x383: {  	v11 =	vadd.s32 $0x2, v10  }
0x384: {  	vm4 =	vlt.s32 v11, $0x7F  }
0x385: {  	v11 =	vnsel vm4, $0x7F, v11  }
0x386: {  	vm5 =	vlt.s32 v10, $0x7E;
	v10 =	vshll.u32 v11, $0x7  }
0x387: {  	v10 =	vor.u32 v4, v10;
	_ =	sdelay $0x4  }
0x388: {  	[tilespmem:v10+s15+$0x0] =	vst.idx.msk vm5, v1  }
0x389: {  	v10 =	vld [tilespmem:s22+$0x18B0];
	_ =	sdelay $0x4  }
0x38a: {  	v10 =	vtrunc.f32 v10  }
0x38b: {  	v10 =	vcvt.f32.s32 v10;
	_ =	sdelay $0x1  }
0x38c: {  	v11 =	vadd.s32 $0x2, v10  }
0x38d: {  	vm6 =	vlt.s32 v11, $0x7F  }
0x38e: {  	v11 =	vnsel vm6, $0x7F, v11  }
0x38f: {  	vm7 =	vlt.s32 v10, $0x7E;
	v10 =	vshll.u32 v11, $0x7  }
0x390: {  	v10 =	vor.u32 v5, v10;
	_ =	sdelay $0x4  }
0x391: {  	[tilespmem:v10+s15+$0x0] =	vst.idx.msk vm7, v1  }
0x392: {  	v10 =	vld [tilespmem:s22+$0x18C0];
	_ =	sdelay $0x4  }
0x393: {  	v10 =	vtrunc.f32 v10  }
0x394: {  	v10 =	vcvt.f32.s32 v10;
	_ =	sdelay $0x1  }
0x395: {  	v11 =	vadd.s32 $0x2, v10  }
0x396: {  	vm8 =	vlt.s32 v11, $0x7F  }
0x397: {  	v11 =	vnsel vm8, $0x7F, v11  }
0x398: {  	vm9 =	vlt.s32 v10, $0x7E;
	v10 =	vshll.u32 v11, $0x7  }
0x399: {  	v10 =	vor.u32 v6, v10;
	_ =	sdelay $0x4  }
0x39a: {  	[tilespmem:v10+s15+$0x0] =	vst.idx.msk vm9, v1  }
0x39b: {  	v10 =	vld [tilespmem:s22+$0x18D0];
	_ =	sdelay $0x4  }
0x39c: {  	v10 =	vtrunc.f32 v10  }
0x39d: {  	v10 =	vcvt.f32.s32 v10;
	_ =	sdelay $0x1  }
0x39e: {  	v11 =	vadd.s32 $0x2, v10  }
0x39f: {  	vm10 =	vlt.s32 v11, $0x7F  }
0x3a0: {  	v11 =	vnsel vm10, $0x7F, v11  }
0x3a1: {  	vm11 =	vlt.s32 v10, $0x7E;
	v10 =	vshll.u32 v11, $0x7  }
0x3a2: {  	v10 =	vor.u32 v7, v10;
	_ =	sdelay $0x4  }
0x3a3: {  	[tilespmem:v10+s15+$0x0] =	vst.idx.msk vm11, v1  }
0x3a4: {  	v10 =	vld [tilespmem:s22+$0x18E0];
	_ =	sdelay $0x4  }
0x3a5: {  	v10 =	vtrunc.f32 v10  }
0x3a6: {  	v10 =	vcvt.f32.s32 v10;
	_ =	sdelay $0x1  }
0x3a7: {  	v11 =	vadd.s32 $0x2, v10  }
0x3a8: {  	vm12 =	vlt.s32 v11, $0x7F  }
0x3a9: {  	v11 =	vnsel vm12, $0x7F, v11  }
0x3aa: {  	vm13 =	vlt.s32 v10, $0x7E;
	v10 =	vshll.u32 v11, $0x7  }
0x3ab: {  	v10 =	vor.u32 v8, v10;
	_ =	sdelay $0x4  }
0x3ac: {  	[tilespmem:v10+s15+$0x0] =	vst.idx.msk vm13, v1  }
0x3ad: {  	v10 =	vld [tilespmem:s22+$0x18F0];
	_ =	sdelay $0x4  }
0x3ae: {  	v10 =	vtrunc.f32 v10  }
0x3af: {  	v10 =	vcvt.f32.s32 v10;
	_ =	sdelay $0x1  }
0x3b0: {  	v11 =	vadd.s32 $0x2, v10  }
0x3b1: {  	vm14 =	vlt.s32 v11, $0x7F  }
0x3b2: {  	v11 =	vnsel vm14, $0x7F, v11  }
0x3b3: {  	vm15 =	vlt.s32 v10, $0x7E;
	v10 =	vshll.u32 v11, $0x7  }
0x3b4: {  	v10 =	vor.u32 v9, v10  }
.Ltmp11:
0x3b5: {  	_ = 	snop;
	(pc) =	sbr.rel .LBB2_14-.Ltmp11, $2  }
0x3b6: {  	_ =	sdelay $0x2  }
0x3b7: {  	[tilespmem:v10+s15+$0x0] =	vst.idx.msk vm15, v1  }
.LBB2_16:
0x3b8: {  	_ =	sfence.sel $0x180000  }
0x3b9: {  	[bflag:$0x0] =	sbarrier.arrive $0xFFFF  }
0x3ba: {  	p0 =	sne.s32 s1, $0x0;
	_ =	strace $0x90000047  }
0x3bb: {  	s0 =	sadd.s32 @!p0 $0x100000, s0;
	[bflag:$0x2] =	sbarrier.arrive $0xFFFF  }
0x3bc: {  	[sflag:s0] =	ssyncadd.tile.s32 @!p0 $0x1;
	_ =	shalt  }
.Lfunc_end2:
_tile_overlayer_lowered:
.L_overlay_start_2:
0x3bd: {  	(tag) =	ssettag $0x2  }
0x3be: {  	s0 =	rddreg [dreg:$0x0];
	s2 =	stileid.u32  }
0x3bf: {  	s1 =	rddreg [dreg:$0x1];
	p0 =	sne.s32 s2, $0x0  }
0x3c0: {  	s3 =	rddreg [dreg:$0x2];
	[bflag:$0x3] =	sbarrier.arrive $0xFFFF;
	s2 =	simm.s32 @!p0 $0x1C05  }
0x3c1: {  	[timem:s3], [sflag:s2] =	dma.local @!p0 [hbm:s0], s1  }
0x3c2: {  	s0 =	simm.s32 @!p0 $0x5  }
0x3c3: {  	_ =	swait.ge @!p0 [sflag:s0], s1  }
0x3c4: {  	s1 =	ssub.s32 @!p0 $0x0, s1;
	[sflag:s0] =	ssyncset.done @!p0 $0x0  }
0x3c5: {  	[sflag:s0] =	ssyncadd.s32 @!p0 s1  }
0x3c6: {  	[bflag:$0x3] =	sbarrier.arrive $0xFFFF  }
0x3c7: {  	_ =	shalt  }

</sc_bundles>
